<compile_context>
chip_gen: v7x
topology: tpu7x:2x2x1
jax: 0.10.2.dev20260603
libtpu: 0.0.44.dev20260713+nightly
codegen_flags: <defaults>
</compile_context>

<pallas_src>
import functools

import jax
import jax.numpy as jnp
from jax import lax
from jax.experimental import pallas as pl
from jax.experimental.pallas import tpu as pltpu
from jax.experimental.pallas import tpu_sc as plsc

N = 10000
E = 160000
IN_C, HID_C, OUT_C = 256, 256, 128

NC, NS, L = 2, 16, 16
CHUNK = 128
K_AGG = 80
K_DEG = 40
E_PAD = NS * CHUNK * K_AGG
NROWS = 10112
DTAB = 10240
DUMMY = N
RING = 8
RBLK = 2000



_mesh = plsc.VectorSubcoreMesh(core_axis_name="c", subcore_axis_name="s")


@functools.partial(
    pl.kernel,
    out_type=jax.ShapeDtypeStruct((NC * NS * DTAB,), jnp.float32),
    mesh=_mesh,
    scratch_types=[
        pltpu.VMEM((K_DEG, CHUNK), jnp.int32),
        pltpu.VMEM((DTAB,), jnp.float32),
    ],
    compiler_params=pltpu.CompilerParams(needs_layout_passes=False),
)
def _deg_kernel(dst_hbm, out_hbm, dst_v, tab_v):
    c = lax.axis_index("c")
    s = lax.axis_index("s")
    w = s * NC + c
    pltpu.sync_copy(dst_hbm.at[w], dst_v)

    def zero(i, _):
        tab_v[pl.ds(i * L, L)] = jnp.zeros((L,), jnp.float32)
        return 0

    lax.fori_loop(0, DTAB // L, zero, 0)

    iota16 = lax.iota(jnp.int32, L)
    ones16 = jnp.ones((L,), jnp.float32)

    def body(i, _):
        d = dst_v[i // (CHUNK // L), pl.ds((i % (CHUNK // L)) * L, L)]
        for j in range(L):
            plsc.addupdate_scatter(tab_v, [d], ones16, mask=iota16 == j)
        return 0

    lax.fori_loop(0, K_DEG * (CHUNK // L), body, 0)
    pltpu.sync_copy(tab_v, out_hbm.at[pl.ds(w * DTAB, DTAB)])


def _make_agg(ch, dtype):
    stripe = NROWS // NS
    lanes = L * 4 // jnp.dtype(dtype).itemsize

    @functools.partial(
        pl.kernel,
        out_type=jax.ShapeDtypeStruct((NC, NROWS, ch), dtype),
        mesh=_mesh,
        scratch_types=[
            pltpu.VMEM((K_AGG, CHUNK), jnp.int32),
            pltpu.VMEM((K_AGG, CHUNK), jnp.int32),
            [pltpu.VMEM((CHUNK, ch), dtype) for _ in range(RING)],
            pltpu.VMEM_SHARED((NROWS, ch), dtype),
            [pltpu.SemaphoreType.DMA for _ in range(RING)],
            [pltpu.SemaphoreType.DMA for _ in range(RING)],
        ],
        compiler_params=pltpu.CompilerParams(needs_layout_passes=False,
                                             use_tc_tiling_on_sc=False),
    )
    def agg(h_hbm, edge_hbm, out_hbm,
            si_v, di_v, bufs, acc_sh, gsem, ssem):
        c = lax.axis_index("c")
        s = lax.axis_index("s")
        pltpu.sync_copy(edge_hbm.at[s], di_v)

        def unpack(i, _):
            k = i // (CHUNK // L)
            g = i % (CHUNK // L)
            v = di_v[k, pl.ds(g * L, L)]
            si_v[k, pl.ds(g * L, L)] = lax.shift_right_logical(v, 14)
            di_v[k, pl.ds(g * L, L)] = lax.bitwise_and(v, (1 << 14) - 1)
            return 0

        lax.fori_loop(0, K_AGG * (CHUNK // L), unpack, 0)

        def zfill(i, _):
            for j in range(ch // lanes):
                bufs[0][i, pl.ds(j * lanes, lanes)] = jnp.zeros((lanes,), dtype)
            return 0

        lax.fori_loop(0, CHUNK, zfill, 0)

        base = s * stripe
        nfull = stripe // CHUNK
        for j in range(nfull):
            pltpu.sync_copy(bufs[0], acc_sh.at[pl.ds(base + j * CHUNK, CHUNK)])
        rem = stripe - nfull * CHUNK
        if rem:
            pltpu.sync_copy(bufs[0].at[pl.ds(0, rem)],
                            acc_sh.at[pl.ds(base + nfull * CHUNK, rem)])
        plsc.subcore_barrier()

        rows = h_hbm.at[c]

        half = RING // 2
        for b in range(half):
            pltpu.async_copy(rows.at[si_v.at[b]], bufs[b], gsem[b])

        def body(kk, _):
            for b in range(RING):
                k = kk * RING + b
                b2 = (b + half) % RING
                pltpu.make_async_copy(rows.at[si_v.at[k]], bufs[b],
                                      gsem[b]).wait()
                pltpu.async_copy(bufs[b], acc_sh.at[di_v.at[k]], ssem[b],
                                 add=True)

                @pl.when(k >= half)
                def _():
                    pltpu.make_async_copy(bufs[b2],
                                          acc_sh.at[di_v.at[k - half]],
                                          ssem[b2]).wait()

                @pl.when(k + half < K_AGG)
                def _():
                    pltpu.async_copy(rows.at[si_v.at[k + half]], bufs[b2],
                                     gsem[b2])
            return 0

        lax.fori_loop(0, K_AGG // RING, body, 0)
        for k in range(K_AGG - half, K_AGG):
            pltpu.make_async_copy(bufs[k % RING], acc_sh.at[di_v.at[k]],
                                  ssem[k % RING]).wait()
        plsc.subcore_barrier()
        pltpu.sync_copy(acc_sh.at[pl.ds(base, stripe)],
                        out_hbm.at[c].at[pl.ds(base, stripe)])

    return agg


_agg128 = _make_agg(128, jnp.bfloat16)
_agg64 = _make_agg(64, jnp.bfloat16)



def _dinv_of(deg_ref):
    return lax.rsqrt(jnp.sum(deg_ref[...], axis=1) + 1.0)


def _mm1_body(deg_ref, x_ref, w_ref, out_ref):
    dinv = _dinv_of(deg_ref)
    h = jnp.dot(x_ref[...], w_ref[0], preferred_element_type=jnp.float32)
    out_ref[0] = (h * dinv[:, None]).astype(jnp.bfloat16)


_mm1 = pl.pallas_call(
    _mm1_body,
    grid=(NC, N // RBLK),
    in_specs=[
        pl.BlockSpec((RBLK, NC * NS), lambda h, r: (r, 0)),
        pl.BlockSpec((RBLK, IN_C), lambda h, r: (r, 0)),
        pl.BlockSpec((1, IN_C, HID_C // 2), lambda h, r: (h, 0, 0)),
    ],
    out_specs=pl.BlockSpec((1, RBLK, HID_C // 2), lambda h, r: (h, r, 0)),
    out_shape=jax.ShapeDtypeStruct((NC, N, HID_C // 2), jnp.bfloat16),
)


def _mm2_body(deg_ref, agg_ref, hp_ref, b1_ref, w_ref, out_ref):
    dinv = _dinv_of(deg_ref)
    a = jnp.concatenate([agg_ref[0], agg_ref[1]], axis=1).astype(jnp.float32)
    hh = jnp.concatenate([hp_ref[0], hp_ref[1]], axis=1).astype(jnp.float32)
    act = jnp.maximum(dinv[:, None] * (a + hh) + b1_ref[...][None, :], 0.0)
    h2 = jnp.dot(act, w_ref[0], preferred_element_type=jnp.float32)
    out_ref[0] = (h2 * dinv[:, None]).astype(jnp.bfloat16)


_mm2 = pl.pallas_call(
    _mm2_body,
    grid=(NC, N // RBLK),
    in_specs=[
        pl.BlockSpec((RBLK, NC * NS), lambda h, r: (r, 0)),
        pl.BlockSpec((2, RBLK, HID_C // 2), lambda h, r: (0, r, 0)),
        pl.BlockSpec((2, RBLK, HID_C // 2), lambda h, r: (0, r, 0)),
        pl.BlockSpec((HID_C,), lambda h, r: (0,)),
        pl.BlockSpec((1, HID_C, OUT_C // 2), lambda h, r: (h, 0, 0)),
    ],
    out_specs=pl.BlockSpec((1, RBLK, OUT_C // 2), lambda h, r: (h, r, 0)),
    out_shape=jax.ShapeDtypeStruct((NC, N, OUT_C // 2), jnp.bfloat16),
)


def _mm3_body(deg_ref, agg_ref, hp_ref, b2_ref, out_ref):
    dinv = _dinv_of(deg_ref)
    a = jnp.concatenate([agg_ref[0], agg_ref[1]], axis=1).astype(jnp.float32)
    hh = jnp.concatenate([hp_ref[0], hp_ref[1]], axis=1).astype(jnp.float32)
    o = dinv[:, None] * (a + hh) + b2_ref[...][None, :]
    z = o - jnp.max(o, axis=1, keepdims=True)
    out_ref[...] = z - jnp.log(jnp.sum(jnp.exp(z), axis=1, keepdims=True))


_mm3 = pl.pallas_call(
    _mm3_body,
    grid=(N // RBLK,),
    in_specs=[
        pl.BlockSpec((RBLK, NC * NS), lambda r: (r, 0)),
        pl.BlockSpec((2, RBLK, OUT_C // 2), lambda r: (0, r, 0)),
        pl.BlockSpec((2, RBLK, OUT_C // 2), lambda r: (0, r, 0)),
        pl.BlockSpec((OUT_C,), lambda r: (0,)),
    ],
    out_specs=pl.BlockSpec((RBLK, OUT_C), lambda r: (r, 0)),
    out_shape=jax.ShapeDtypeStruct((N, OUT_C), jnp.float32),
)



def kernel(x, edge_index, W1, b1, W2, b2):
    src = edge_index[0]
    dst = edge_index[1]
    pad = E_PAD - E
    srcp = jnp.concatenate([src, jnp.zeros((pad,), jnp.int32)])
    dstp = jnp.concatenate([dst, jnp.full((pad,), DUMMY, jnp.int32)])
    edge_agg = ((srcp << 14) | dstp).reshape(NS, K_AGG, CHUNK)
    dst_deg = dstp.reshape(NC * NS, K_DEG, CHUNK)

    degt = _deg_kernel(dst_deg)
    degp = degt.reshape(NC * NS, DTAB)[:, :N].T

    W1s = jnp.stack([W1[:, :HID_C // 2], W1[:, HID_C // 2:]])
    W2s = jnp.stack([W2[:, :OUT_C // 2], W2[:, OUT_C // 2:]])

    hp = _mm1(degp, x, W1s)
    agg1 = _agg128(hp, edge_agg)
    h2p = _mm2(degp, agg1, hp, b1, W2s)
    agg2 = _agg64(h2p, edge_agg)
    return _mm3(degp, agg2, h2p, b2)

# --- scband reference (transcript-rebuilt; emitter-appended) ---
"""Pipeline reference for scband-pyg-gcn-1752346657314 (READ-ONLY COPY).

The authoritative reference and input builder live on the scoring server;
editing this copy changes nothing except your own understanding.
"""

import jax, jax.numpy as jnp
import numpy as np

N = 10000
E = 160000
IN_C = 256
HID_C = 256
OUT_C = 128


def setup_inputs(seed: int = 0) -> dict:
    key = jax.random.key(seed)
    k1, k2, k3, k4, k5, k6 = jax.random.split(key, 6)
    x = jax.random.normal(k1, (N, IN_C), dtype=jnp.float32)
    edge_index = jax.random.randint(k2, (2, E), 0, N, dtype=jnp.int32)
    W1 = jax.random.normal(k3, (IN_C, HID_C), dtype=jnp.float32) * (1.0 / np.sqrt(IN_C))
    b1 = jnp.zeros((HID_C,), dtype=jnp.float32)
    W2 = jax.random.normal(k4, (HID_C, OUT_C), dtype=jnp.float32) * (1.0 / np.sqrt(HID_C))
    b2 = jnp.zeros((OUT_C,), dtype=jnp.float32)
    return {"x": x, "edge_index": edge_index, "W1": W1, "b1": b1, "W2": W2, "b2": b2}


def _gcn_conv(x, edge_index, W, b):
    # PyG GCNConv: x' = D^{-1/2} (A + I) D^{-1/2} (x @ W) + b
    src = edge_index[0]
    dst = edge_index[1]
    loop = jnp.arange(N, dtype=edge_index.dtype)
    src_all = jnp.concatenate([src, loop], axis=0)
    dst_all = jnp.concatenate([dst, loop], axis=0)
    deg = jnp.zeros((N,), dtype=jnp.float32).at[dst_all].add(1.0)
    dinv = jax.lax.rsqrt(jnp.maximum(deg, 1.0))
    norm = dinv[src_all] * dinv[dst_all]
    h = x @ W
    msg = jnp.take(h, src_all, axis=0) * norm[:, None]
    out = jnp.zeros((N, h.shape[1]), dtype=h.dtype).at[dst_all].add(msg)
    return out + b


def reference(x, edge_index, W1, b1, W2, b2):
    # eval mode: dropout is identity
    h = _gcn_conv(x, edge_index, W1, b1)
    h = jax.nn.relu(h)
    out = _gcn_conv(h, edge_index, W2, b2)
    return jax.nn.log_softmax(out, axis=1)

if __name__ == "__main__":
    import jax
    _d = setup_inputs()
    print(jax.jit(kernel)(*tuple(_d.values())))

</pallas_src>

<mosaic_0001>
#map = affine_map<(d0, d1) -> (0, 0, 0)>
#map1 = affine_map<(d0, d1) -> (0)>
module attributes {stable_mosaic.version = 14 : i64} {
  func.func @_deg_kernel(%arg0: i32, %arg1: i32, %arg2: memref<32x40x128xi32, #tpu.memory_space<hbm>>, %arg3: memref<327680xf32, #tpu.memory_space<hbm>>, %arg4: memref<40x128xi32, #tpu.memory_space<vmem>>, %arg5: memref<10240xf32, #tpu.memory_space<vmem>>) attributes {dimension_semantics = [#tpu.dimension_semantics<core_parallel>, #tpu.dimension_semantics<subcore_parallel>], iteration_bounds = array<i64: 2, 16>, scalar_prefetch = 0 : i64, scratch_operands = 2 : i64, tpu.core_type = #tpu.core_type<sc_vector_subcore>, window_params = [{transform_indices = #map}, {transform_indices = #map1}]} {
    %mul3A = arith.constant 2 : i32
    %mul3A_0 = arith.muli %arg1, %mul3A : i32
    %add3A = arith.addi %mul3A_0, %arg0 : i32
    "tpu.region"() ({
      %run_scoped3A = tpu.sem_alloc : memref<!tpu.dma_semaphore, #tpu.memory_space<semaphore_mem>>
      %dma_start3A = arith.constant 0 : i32
      %dma_start3A_17 = arith.constant 0 : i32
      %dma_start3A_18 = tpu.memref_slice %arg2[%add3A, %dma_start3A, %dma_start3A_17] : memref<32x40x128xi32, #tpu.memory_space<hbm>> -> memref<1x40x128xi32, #tpu.memory_space<hbm>>
      %dma_start3A_19 = tpu.memref_squeeze %dma_start3A_18 : memref<1x40x128xi32, #tpu.memory_space<hbm>> -> memref<40x128xi32, #tpu.memory_space<hbm>>
      %dma_start3A_20 = arith.constant 0 : i32
      %dma_start3A_21 = arith.constant 0 : i32
      %dma_start3A_22 = tpu.memref_slice %arg2[%add3A, %dma_start3A_20, %dma_start3A_21] : memref<32x40x128xi32, #tpu.memory_space<hbm>> -> memref<1x40x128xi32, #tpu.memory_space<hbm>>
      %dma_start3A_23 = tpu.memref_squeeze %dma_start3A_22 : memref<1x40x128xi32, #tpu.memory_space<hbm>> -> memref<40x128xi32, #tpu.memory_space<hbm>>
      tpu.enqueue_dma source(%dma_start3A_23 : memref<40x128xi32, #tpu.memory_space<hbm>>) target(%arg4 : memref<40x128xi32, #tpu.memory_space<vmem>>) target_semaphore(%run_scoped3A : memref<!tpu.dma_semaphore, #tpu.memory_space<semaphore_mem>>)
      %dma_wait3A = arith.constant 0 : i32
      %dma_wait3A_24 = arith.constant 0 : i32
      %dma_wait3A_25 = tpu.memref_slice %arg2[%add3A, %dma_wait3A, %dma_wait3A_24] : memref<32x40x128xi32, #tpu.memory_space<hbm>> -> memref<1x40x128xi32, #tpu.memory_space<hbm>>
      %dma_wait3A_26 = tpu.memref_squeeze %dma_wait3A_25 : memref<1x40x128xi32, #tpu.memory_space<hbm>> -> memref<40x128xi32, #tpu.memory_space<hbm>>
      %dma_wait3A_27 = arith.constant 0 : i32
      %dma_wait3A_28 = arith.constant 0 : i32
      %dma_wait3A_29 = tpu.memref_slice %arg2[%add3A, %dma_wait3A_27, %dma_wait3A_28] : memref<32x40x128xi32, #tpu.memory_space<hbm>> -> memref<1x40x128xi32, #tpu.memory_space<hbm>>
      %dma_wait3A_30 = tpu.memref_squeeze %dma_wait3A_29 : memref<1x40x128xi32, #tpu.memory_space<hbm>> -> memref<40x128xi32, #tpu.memory_space<hbm>>
      tpu.wait_dma2 semaphore(%run_scoped3A : memref<!tpu.dma_semaphore, #tpu.memory_space<semaphore_mem>>) src(%dma_wait3A_30 : memref<40x128xi32, #tpu.memory_space<hbm>>) dst(%arg4 : memref<40x128xi32, #tpu.memory_space<vmem>>)
      tpu.yield
    }) : () -> ()
    %scan3A = arith.constant 0 : i32
    %scan3A_1 = arith.constant 0 : i32
    %scan3A_2 = arith.constant 640 : i32
    %scan3A_3 = arith.addi %scan3A_1, %scan3A_2 : i32
    %scan3A_4 = arith.constant 1 : i32
    %scan3A_5 = scf.for %scan3A_17 = %scan3A_1 to %scan3A_3 step %scan3A_4 iter_args(%scan3A_18 = %scan3A) -> (i32)  : i32 {
      %broadcast_in_dim3A_19 = arith.constant 0.000000e+00 : f32
      %broadcast_in_dim3A_20 = vector.broadcast %broadcast_in_dim3A_19 : f32 to vector<16xf32>
      %mul3A_21 = arith.constant 16 : i32
      %mul3A_22 = arith.muli %scan3A_17, %mul3A_21 : i32
      %swap3A = arith.index_cast %mul3A_22 : i32 to index
      %swap3A_23 = tpu.vector_load %arg5[%swap3A] {strides = array<i32>} : memref<10240xf32, #tpu.memory_space<vmem>>, vector<16xf32>,
      tpu.vector_store %arg5[%swap3A], %broadcast_in_dim3A_20 {strides = array<i32>} : memref<10240xf32, #tpu.memory_space<vmem>>, vector<16xf32>,
      %scan3A_24 = arith.constant 0 : i32
      scf.yield %scan3A_24 : i32
    }
    %scan3A_6 = arith.constant 640 : i32
    %iota3A = tpu.iota {dimensions = array<i32: 0>} : vector<16xi32>
    %broadcast_in_dim3A = arith.constant 1.000000e+00 : f32
    %broadcast_in_dim3A_7 = vector.broadcast %broadcast_in_dim3A : f32 to vector<16xf32>
    %scan3A_8 = arith.constant 0 : i32
    %scan3A_9 = arith.constant 0 : i32
    %scan3A_10 = arith.constant 320 : i32
    %scan3A_11 = arith.addi %scan3A_9, %scan3A_10 : i32
    %scan3A_12 = arith.constant 1 : i32
    %scan3A_13 = scf.for %scan3A_17 = %scan3A_9 to %scan3A_11 step %scan3A_12 iter_args(%scan3A_18 = %scan3A_8) -> (i32)  : i32 {
      %jit3A = arith.constant 8 : i32
      %div3A = arith.divsi %scan3A_17, %jit3A : i32
      %sign3A = arith.constant 0 : i32
      %sign3A_19 = arith.cmpi sgt, %scan3A_17, %sign3A : i32
      %sign3A_20 = arith.extui %sign3A_19 : i1 to i32
      %sign3A_21 = arith.constant 0 : i32
      %sign3A_22 = arith.cmpi slt, %scan3A_17, %sign3A_21 : i32
      %sign3A_23 = arith.extui %sign3A_22 : i1 to i32
      %sign3A_24 = arith.subi %sign3A_20, %sign3A_23 : i32
      %sign3A_25 = arith.constant 0 : i32
      %sign3A_26 = arith.cmpi sgt, %jit3A, %sign3A_25 : i32
      %sign3A_27 = arith.extui %sign3A_26 : i1 to i32
      %sign3A_28 = arith.constant 0 : i32
      %sign3A_29 = arith.cmpi slt, %jit3A, %sign3A_28 : i32
      %sign3A_30 = arith.extui %sign3A_29 : i1 to i32
      %sign3A_31 = arith.subi %sign3A_27, %sign3A_30 : i32
      %ne3A = arith.cmpi ne, %sign3A_24, %sign3A_31 : i32
      %rem3A = arith.remsi %scan3A_17, %jit3A : i32
      %ne3A_32 = arith.constant 0 : i32
      %ne3A_33 = arith.cmpi ne, %rem3A, %ne3A_32 : i32
      %and3A = arith.andi %ne3A, %ne3A_33 : i1
      %sub3A = arith.constant 1 : i32
      %sub3A_34 = arith.subi %div3A, %sub3A : i32
      %select_n3A = arith.select %and3A, %sub3A_34, %div3A : i32
      %jit3A_35 = arith.constant 8 : i32
      %eq3A = arith.constant 0 : i32
      %eq3A_36 = arith.cmpi eq, %jit3A_35, %eq3A : i32
      %jit3A_37 = arith.constant 1 : i32
      %select_n3A_38 = arith.select %eq3A_36, %jit3A_37, %jit3A_35 : i32
      %rem3A_39 = arith.remsi %scan3A_17, %select_n3A_38 : i32
      %ne3A_40 = arith.constant 0 : i32
      %ne3A_41 = arith.cmpi ne, %rem3A_39, %ne3A_40 : i32
      %lt3A = arith.constant 0 : i32
      %lt3A_42 = arith.cmpi slt, %rem3A_39, %lt3A : i32
      %lt3A_43 = arith.constant 0 : i32
      %lt3A_44 = arith.cmpi slt, %select_n3A_38, %lt3A_43 : i32
      %ne3A_45 = arith.xori %lt3A_42, %lt3A_44 : i1
      %and3A_46 = arith.andi %ne3A_45, %ne3A_41 : i1
      %add3A_47 = arith.addi %rem3A_39, %select_n3A_38 : i32
      %select_n3A_48 = arith.select %and3A_46, %add3A_47, %rem3A_39 : i32
      %mul3A_49 = arith.constant 16 : i32
      %mul3A_50 = arith.muli %select_n3A_48, %mul3A_49 : i32
      %get3A = arith.index_cast %select_n3A : i32 to index
      %get3A_51 = arith.index_cast %mul3A_50 : i32 to index
      %get3A_52 = tpu.vector_load %arg4[%get3A, %get3A_51] {strides = array<i32>} : memref<40x128xi32, #tpu.memory_space<vmem>>, vector<16xi32>,
      %eq3A_53 = arith.constant 0 : i32
      %eq3A_54 = vector.broadcast %eq3A_53 : i32 to vector<16xi32>
      %eq3A_55 = arith.cmpi eq, %iota3A, %eq3A_54 : vector<16xi32>
      tpu.vector_store_idx %arg5[%get3A_52], %broadcast_in_dim3A_7 masked %eq3A_55 {add = true} : memref<10240xf32, #tpu.memory_space<vmem>>[vector<16xi32>], vector<16xf32>, vector<16xi1>
      %eq3A_56 = arith.constant 1 : i32
      %eq3A_57 = vector.broadcast %eq3A_56 : i32 to vector<16xi32>
      %eq3A_58 = arith.cmpi eq, %iota3A, %eq3A_57 : vector<16xi32>
      tpu.vector_store_idx %arg5[%get3A_52], %broadcast_in_dim3A_7 masked %eq3A_58 {add = true} : memref<10240xf32, #tpu.memory_space<vmem>>[vector<16xi32>], vector<16xf32>, vector<16xi1>
      %eq3A_59 = arith.constant 2 : i32
      %eq3A_60 = vector.broadcast %eq3A_59 : i32 to vector<16xi32>
      %eq3A_61 = arith.cmpi eq, %iota3A, %eq3A_60 : vector<16xi32>
      tpu.vector_store_idx %arg5[%get3A_52], %broadcast_in_dim3A_7 masked %eq3A_61 {add = true} : memref<10240xf32, #tpu.memory_space<vmem>>[vector<16xi32>], vector<16xf32>, vector<16xi1>
      %eq3A_62 = arith.constant 3 : i32
      %eq3A_63 = vector.broadcast %eq3A_62 : i32 to vector<16xi32>
      %eq3A_64 = arith.cmpi eq, %iota3A, %eq3A_63 : vector<16xi32>
      tpu.vector_store_idx %arg5[%get3A_52], %broadcast_in_dim3A_7 masked %eq3A_64 {add = true} : memref<10240xf32, #tpu.memory_space<vmem>>[vector<16xi32>], vector<16xf32>, vector<16xi1>
      %eq3A_65 = arith.constant 4 : i32
      %eq3A_66 = vector.broadcast %eq3A_65 : i32 to vector<16xi32>
      %eq3A_67 = arith.cmpi eq, %iota3A, %eq3A_66 : vector<16xi32>
      tpu.vector_store_idx %arg5[%get3A_52], %broadcast_in_dim3A_7 masked %eq3A_67 {add = true} : memref<10240xf32, #tpu.memory_space<vmem>>[vector<16xi32>], vector<16xf32>, vector<16xi1>
      %eq3A_68 = arith.constant 5 : i32
      %eq3A_69 = vector.broadcast %eq3A_68 : i32 to vector<16xi32>
      %eq3A_70 = arith.cmpi eq, %iota3A, %eq3A_69 : vector<16xi32>
      tpu.vector_store_idx %arg5[%get3A_52], %broadcast_in_dim3A_7 masked %eq3A_70 {add = true} : memref<10240xf32, #tpu.memory_space<vmem>>[vector<16xi32>], vector<16xf32>, vector<16xi1>
      %eq3A_71 = arith.constant 6 : i32
      %eq3A_72 = vector.broadcast %eq3A_71 : i32 to vector<16xi32>
      %eq3A_73 = arith.cmpi eq, %iota3A, %eq3A_72 : vector<16xi32>
      tpu.vector_store_idx %arg5[%get3A_52], %broadcast_in_dim3A_7 masked %eq3A_73 {add = true} : memref<10240xf32, #tpu.memory_space<vmem>>[vector<16xi32>], vector<16xf32>, vector<16xi1>
      %eq3A_74 = arith.constant 7 : i32
      %eq3A_75 = vector.broadcast %eq3A_74 : i32 to vector<16xi32>
      %eq3A_76 = arith.cmpi eq, %iota3A, %eq3A_75 : vector<16xi32>
      tpu.vector_store_idx %arg5[%get3A_52], %broadcast_in_dim3A_7 masked %eq3A_76 {add = true} : memref<10240xf32, #tpu.memory_space<vmem>>[vector<16xi32>], vector<16xf32>, vector<16xi1>
      %eq3A_77 = arith.constant 8 : i32
      %eq3A_78 = vector.broadcast %eq3A_77 : i32 to vector<16xi32>
      %eq3A_79 = arith.cmpi eq, %iota3A, %eq3A_78 : vector<16xi32>
      tpu.vector_store_idx %arg5[%get3A_52], %broadcast_in_dim3A_7 masked %eq3A_79 {add = true} : memref<10240xf32, #tpu.memory_space<vmem>>[vector<16xi32>], vector<16xf32>, vector<16xi1>
      %eq3A_80 = arith.constant 9 : i32
      %eq3A_81 = vector.broadcast %eq3A_80 : i32 to vector<16xi32>
      %eq3A_82 = arith.cmpi eq, %iota3A, %eq3A_81 : vector<16xi32>
      tpu.vector_store_idx %arg5[%get3A_52], %broadcast_in_dim3A_7 masked %eq3A_82 {add = true} : memref<10240xf32, #tpu.memory_space<vmem>>[vector<16xi32>], vector<16xf32>, vector<16xi1>
      %eq3A_83 = arith.constant 10 : i32
      %eq3A_84 = vector.broadcast %eq3A_83 : i32 to vector<16xi32>
      %eq3A_85 = arith.cmpi eq, %iota3A, %eq3A_84 : vector<16xi32>
      tpu.vector_store_idx %arg5[%get3A_52], %broadcast_in_dim3A_7 masked %eq3A_85 {add = true} : memref<10240xf32, #tpu.memory_space<vmem>>[vector<16xi32>], vector<16xf32>, vector<16xi1>
      %eq3A_86 = arith.constant 11 : i32
      %eq3A_87 = vector.broadcast %eq3A_86 : i32 to vector<16xi32>
      %eq3A_88 = arith.cmpi eq, %iota3A, %eq3A_87 : vector<16xi32>
      tpu.vector_store_idx %arg5[%get3A_52], %broadcast_in_dim3A_7 masked %eq3A_88 {add = true} : memref<10240xf32, #tpu.memory_space<vmem>>[vector<16xi32>], vector<16xf32>, vector<16xi1>
      %eq3A_89 = arith.constant 12 : i32
      %eq3A_90 = vector.broadcast %eq3A_89 : i32 to vector<16xi32>
      %eq3A_91 = arith.cmpi eq, %iota3A, %eq3A_90 : vector<16xi32>
      tpu.vector_store_idx %arg5[%get3A_52], %broadcast_in_dim3A_7 masked %eq3A_91 {add = true} : memref<10240xf32, #tpu.memory_space<vmem>>[vector<16xi32>], vector<16xf32>, vector<16xi1>
      %eq3A_92 = arith.constant 13 : i32
      %eq3A_93 = vector.broadcast %eq3A_92 : i32 to vector<16xi32>
      %eq3A_94 = arith.cmpi eq, %iota3A, %eq3A_93 : vector<16xi32>
      tpu.vector_store_idx %arg5[%get3A_52], %broadcast_in_dim3A_7 masked %eq3A_94 {add = true} : memref<10240xf32, #tpu.memory_space<vmem>>[vector<16xi32>], vector<16xf32>, vector<16xi1>
      %eq3A_95 = arith.constant 14 : i32
      %eq3A_96 = vector.broadcast %eq3A_95 : i32 to vector<16xi32>
      %eq3A_97 = arith.cmpi eq, %iota3A, %eq3A_96 : vector<16xi32>
      tpu.vector_store_idx %arg5[%get3A_52], %broadcast_in_dim3A_7 masked %eq3A_97 {add = true} : memref<10240xf32, #tpu.memory_space<vmem>>[vector<16xi32>], vector<16xf32>, vector<16xi1>
      %eq3A_98 = arith.constant 15 : i32
      %eq3A_99 = vector.broadcast %eq3A_98 : i32 to vector<16xi32>
      %eq3A_100 = arith.cmpi eq, %iota3A, %eq3A_99 : vector<16xi32>
      tpu.vector_store_idx %arg5[%get3A_52], %broadcast_in_dim3A_7 masked %eq3A_100 {add = true} : memref<10240xf32, #tpu.memory_space<vmem>>[vector<16xi32>], vector<16xf32>, vector<16xi1>
      %scan3A_101 = arith.constant 0 : i32
      scf.yield %scan3A_101 : i32
    }
    %scan3A_14 = arith.constant 320 : i32
    %mul3A_15 = arith.constant 10240 : i32
    %mul3A_16 = arith.muli %add3A, %mul3A_15 : i32
    "tpu.region"() ({
      %run_scoped3A = tpu.sem_alloc : memref<!tpu.dma_semaphore, #tpu.memory_space<semaphore_mem>>
      %dma_start3A = tpu.memref_slice %arg3[%mul3A_16] : memref<327680xf32, #tpu.memory_space<hbm>> -> memref<10240xf32, #tpu.memory_space<hbm>>
      %dma_start3A_17 = tpu.memref_slice %arg3[%mul3A_16] : memref<327680xf32, #tpu.memory_space<hbm>> -> memref<10240xf32, #tpu.memory_space<hbm>>
      tpu.enqueue_dma source(%arg5 : memref<10240xf32, #tpu.memory_space<vmem>>) target(%dma_start3A_17 : memref<10240xf32, #tpu.memory_space<hbm>>) target_semaphore(%run_scoped3A : memref<!tpu.dma_semaphore, #tpu.memory_space<semaphore_mem>>)
      %dma_wait3A = tpu.memref_slice %arg3[%mul3A_16] : memref<327680xf32, #tpu.memory_space<hbm>> -> memref<10240xf32, #tpu.memory_space<hbm>>
      %dma_wait3A_18 = tpu.memref_slice %arg3[%mul3A_16] : memref<327680xf32, #tpu.memory_space<hbm>> -> memref<10240xf32, #tpu.memory_space<hbm>>
      tpu.wait_dma2 semaphore(%run_scoped3A : memref<!tpu.dma_semaphore, #tpu.memory_space<semaphore_mem>>) src(%arg5 : memref<10240xf32, #tpu.memory_space<vmem>>) dst(%dma_wait3A_18 : memref<10240xf32, #tpu.memory_space<hbm>>)
      tpu.yield
    }) : () -> ()
    return
  }
}

#map = affine_map<(d0, d1) -> (0, 0, 0)>
module attributes {stable_mosaic.version = 14 : i64} {
  func.func @agg(%arg0: i32, %arg1: i32, %arg2: memref<2x10000x64xbf16, #tpu.memory_space<hbm>>, %arg3: memref<16x80x128xi32, #tpu.memory_space<hbm>>, %arg4: memref<2x10112x64xbf16, #tpu.memory_space<hbm>>, %arg5: memref<80x128xi32, #tpu.memory_space<vmem>>, %arg6: memref<80x128xi32, #tpu.memory_space<vmem>>, %arg7: memref<128x64xbf16, #tpu.memory_space<vmem>>, %arg8: memref<128x64xbf16, #tpu.memory_space<vmem>>, %arg9: memref<128x64xbf16, #tpu.memory_space<vmem>>, %arg10: memref<128x64xbf16, #tpu.memory_space<vmem>>, %arg11: memref<128x64xbf16, #tpu.memory_space<vmem>>, %arg12: memref<128x64xbf16, #tpu.memory_space<vmem>>, %arg13: memref<128x64xbf16, #tpu.memory_space<vmem>>, %arg14: memref<128x64xbf16, #tpu.memory_space<vmem>>, %arg15: memref<10112x64xbf16, #tpu.memory_space<vmem_shared>>, %arg16: memref<!tpu.dma_semaphore, #tpu.memory_space<semaphore_mem>>, %arg17: memref<!tpu.dma_semaphore, #tpu.memory_space<semaphore_mem>>, %arg18: memref<!tpu.dma_semaphore, #tpu.memory_space<semaphore_mem>>, %arg19: memref<!tpu.dma_semaphore, #tpu.memory_space<semaphore_mem>>, %arg20: memref<!tpu.dma_semaphore, #tpu.memory_space<semaphore_mem>>, %arg21: memref<!tpu.dma_semaphore, #tpu.memory_space<semaphore_mem>>, %arg22: memref<!tpu.dma_semaphore, #tpu.memory_space<semaphore_mem>>, %arg23: memref<!tpu.dma_semaphore, #tpu.memory_space<semaphore_mem>>, %arg24: memref<!tpu.dma_semaphore, #tpu.memory_space<semaphore_mem>>, %arg25: memref<!tpu.dma_semaphore, #tpu.memory_space<semaphore_mem>>, %arg26: memref<!tpu.dma_semaphore, #tpu.memory_space<semaphore_mem>>, %arg27: memref<!tpu.dma_semaphore, #tpu.memory_space<semaphore_mem>>, %arg28: memref<!tpu.dma_semaphore, #tpu.memory_space<semaphore_mem>>, %arg29: memref<!tpu.dma_semaphore, #tpu.memory_space<semaphore_mem>>, %arg30: memref<!tpu.dma_semaphore, #tpu.memory_space<semaphore_mem>>, %arg31: memref<!tpu.dma_semaphore, #tpu.memory_space<semaphore_mem>>) attributes {dimension_semantics = [#tpu.dimension_semantics<core_parallel>, #tpu.dimension_semantics<subcore_parallel>], iteration_bounds = array<i64: 2, 16>, scalar_prefetch = 0 : i64, scratch_operands = 27 : i64, tpu.core_type = #tpu.core_type<sc_vector_subcore>, window_params = [{transform_indices = #map}, {transform_indices = #map}, {transform_indices = #map}]} {
    "tpu.region"() ({
      %run_scoped3A = tpu.sem_alloc : memref<!tpu.dma_semaphore, #tpu.memory_space<semaphore_mem>>
      %dma_start3A_101 = arith.constant 0 : i32
      %dma_start3A_102 = arith.constant 0 : i32
      %dma_start3A_103 = tpu.memref_slice %arg3[%arg1, %dma_start3A_101, %dma_start3A_102] : memref<16x80x128xi32, #tpu.memory_space<hbm>> -> memref<1x80x128xi32, #tpu.memory_space<hbm>>
      %dma_start3A_104 = tpu.memref_squeeze %dma_start3A_103 : memref<1x80x128xi32, #tpu.memory_space<hbm>> -> memref<80x128xi32, #tpu.memory_space<hbm>>
      %dma_start3A_105 = arith.constant 0 : i32
      %dma_start3A_106 = arith.constant 0 : i32
      %dma_start3A_107 = tpu.memref_slice %arg3[%arg1, %dma_start3A_105, %dma_start3A_106] : memref<16x80x128xi32, #tpu.memory_space<hbm>> -> memref<1x80x128xi32, #tpu.memory_space<hbm>>
      %dma_start3A_108 = tpu.memref_squeeze %dma_start3A_107 : memref<1x80x128xi32, #tpu.memory_space<hbm>> -> memref<80x128xi32, #tpu.memory_space<hbm>>
      tpu.enqueue_dma source(%dma_start3A_108 : memref<80x128xi32, #tpu.memory_space<hbm>>) target(%arg6 : memref<80x128xi32, #tpu.memory_space<vmem>>) target_semaphore(%run_scoped3A : memref<!tpu.dma_semaphore, #tpu.memory_space<semaphore_mem>>)
      %dma_wait3A_109 = arith.constant 0 : i32
      %dma_wait3A_110 = arith.constant 0 : i32
      %dma_wait3A_111 = tpu.memref_slice %arg3[%arg1, %dma_wait3A_109, %dma_wait3A_110] : memref<16x80x128xi32, #tpu.memory_space<hbm>> -> memref<1x80x128xi32, #tpu.memory_space<hbm>>
      %dma_wait3A_112 = tpu.memref_squeeze %dma_wait3A_111 : memref<1x80x128xi32, #tpu.memory_space<hbm>> -> memref<80x128xi32, #tpu.memory_space<hbm>>
      %dma_wait3A_113 = arith.constant 0 : i32
      %dma_wait3A_114 = arith.constant 0 : i32
      %dma_wait3A_115 = tpu.memref_slice %arg3[%arg1, %dma_wait3A_113, %dma_wait3A_114] : memref<16x80x128xi32, #tpu.memory_space<hbm>> -> memref<1x80x128xi32, #tpu.memory_space<hbm>>
      %dma_wait3A_116 = tpu.memref_squeeze %dma_wait3A_115 : memref<1x80x128xi32, #tpu.memory_space<hbm>> -> memref<80x128xi32, #tpu.memory_space<hbm>>
      tpu.wait_dma2 semaphore(%run_scoped3A : memref<!tpu.dma_semaphore, #tpu.memory_space<semaphore_mem>>) src(%dma_wait3A_116 : memref<80x128xi32, #tpu.memory_space<hbm>>) dst(%arg6 : memref<80x128xi32, #tpu.memory_space<vmem>>)
      tpu.yield
    }) : () -> ()
    %scan3A = arith.constant 0 : i32
    %scan3A_0 = arith.constant 0 : i32
    %scan3A_1 = arith.constant 640 : i32
    %scan3A_2 = arith.addi %scan3A_0, %scan3A_1 : i32
    %scan3A_3 = arith.constant 1 : i32
    %scan3A_4 = scf.for %scan3A_101 = %scan3A_0 to %scan3A_2 step %scan3A_3 iter_args(%scan3A_102 = %scan3A) -> (i32)  : i32 {
      %jit3A = arith.constant 8 : i32
      %div3A = arith.divsi %scan3A_101, %jit3A : i32
      %sign3A = arith.constant 0 : i32
      %sign3A_103 = arith.cmpi sgt, %scan3A_101, %sign3A : i32
      %sign3A_104 = arith.extui %sign3A_103 : i1 to i32
      %sign3A_105 = arith.constant 0 : i32
      %sign3A_106 = arith.cmpi slt, %scan3A_101, %sign3A_105 : i32
      %sign3A_107 = arith.extui %sign3A_106 : i1 to i32
      %sign3A_108 = arith.subi %sign3A_104, %sign3A_107 : i32
      %sign3A_109 = arith.constant 0 : i32
      %sign3A_110 = arith.cmpi sgt, %jit3A, %sign3A_109 : i32
      %sign3A_111 = arith.extui %sign3A_110 : i1 to i32
      %sign3A_112 = arith.constant 0 : i32
      %sign3A_113 = arith.cmpi slt, %jit3A, %sign3A_112 : i32
      %sign3A_114 = arith.extui %sign3A_113 : i1 to i32
      %sign3A_115 = arith.subi %sign3A_111, %sign3A_114 : i32
      %ne3A = arith.cmpi ne, %sign3A_108, %sign3A_115 : i32
      %rem3A = arith.remsi %scan3A_101, %jit3A : i32
      %ne3A_116 = arith.constant 0 : i32
      %ne3A_117 = arith.cmpi ne, %rem3A, %ne3A_116 : i32
      %and3A = arith.andi %ne3A, %ne3A_117 : i1
      %sub3A = arith.constant 1 : i32
      %sub3A_118 = arith.subi %div3A, %sub3A : i32
      %select_n3A = arith.select %and3A, %sub3A_118, %div3A : i32
      %jit3A_119 = arith.constant 8 : i32
      %eq3A = arith.constant 0 : i32
      %eq3A_120 = arith.cmpi eq, %jit3A_119, %eq3A : i32
      %jit3A_121 = arith.constant 1 : i32
      %select_n3A_122 = arith.select %eq3A_120, %jit3A_121, %jit3A_119 : i32
      %rem3A_123 = arith.remsi %scan3A_101, %select_n3A_122 : i32
      %ne3A_124 = arith.constant 0 : i32
      %ne3A_125 = arith.cmpi ne, %rem3A_123, %ne3A_124 : i32
      %lt3A = arith.constant 0 : i32
      %lt3A_126 = arith.cmpi slt, %rem3A_123, %lt3A : i32
      %lt3A_127 = arith.constant 0 : i32
      %lt3A_128 = arith.cmpi slt, %select_n3A_122, %lt3A_127 : i32
      %ne3A_129 = arith.xori %lt3A_126, %lt3A_128 : i1
      %and3A_130 = arith.andi %ne3A_129, %ne3A_125 : i1
      %add3A_131 = arith.addi %rem3A_123, %select_n3A_122 : i32
      %select_n3A_132 = arith.select %and3A_130, %add3A_131, %rem3A_123 : i32
      %mul3A_133 = arith.constant 16 : i32
      %mul3A_134 = arith.muli %select_n3A_132, %mul3A_133 : i32
      %get3A = arith.index_cast %select_n3A : i32 to index
      %get3A_135 = arith.index_cast %mul3A_134 : i32 to index
      %get3A_136 = tpu.vector_load %arg6[%get3A, %get3A_135] {strides = array<i32>} : memref<80x128xi32, #tpu.memory_space<vmem>>, vector<16xi32>,
      %shift_right_logical3A = arith.constant 14 : i32
      %shift_right_logical3A_137 = vector.broadcast %shift_right_logical3A : i32 to vector<16xi32>
      %shift_right_logical3A_138 = arith.shrui %get3A_136, %shift_right_logical3A_137 : vector<16xi32>
      %mul3A_139 = arith.constant 16 : i32
      %mul3A_140 = arith.muli %select_n3A_132, %mul3A_139 : i32
      %swap3A = arith.index_cast %select_n3A : i32 to index
      %swap3A_141 = arith.index_cast %mul3A_140 : i32 to index
      %swap3A_142 = tpu.vector_load %arg5[%swap3A, %swap3A_141] {strides = array<i32>} : memref<80x128xi32, #tpu.memory_space<vmem>>, vector<16xi32>,
      tpu.vector_store %arg5[%swap3A, %swap3A_141], %shift_right_logical3A_138 {strides = array<i32>} : memref<80x128xi32, #tpu.memory_space<vmem>>, vector<16xi32>,
      %and3A_143 = arith.constant 16383 : i32
      %and3A_144 = vector.broadcast %and3A_143 : i32 to vector<16xi32>
      %and3A_145 = arith.andi %get3A_136, %and3A_144 : vector<16xi32>
      %mul3A_146 = arith.constant 16 : i32
      %mul3A_147 = arith.muli %select_n3A_132, %mul3A_146 : i32
      %swap3A_148 = arith.index_cast %select_n3A : i32 to index
      %swap3A_149 = arith.index_cast %mul3A_147 : i32 to index
      %swap3A_150 = tpu.vector_load %arg6[%swap3A_148, %swap3A_149] {strides = array<i32>} : memref<80x128xi32, #tpu.memory_space<vmem>>, vector<16xi32>,
      tpu.vector_store %arg6[%swap3A_148, %swap3A_149], %and3A_145 {strides = array<i32>} : memref<80x128xi32, #tpu.memory_space<vmem>>, vector<16xi32>,
      %scan3A_151 = arith.constant 0 : i32
      scf.yield %scan3A_151 : i32
    }
    %scan3A_5 = arith.constant 640 : i32
    %scan3A_6 = arith.constant 0 : i32
    %scan3A_7 = arith.constant 0 : i32
    %scan3A_8 = arith.constant 128 : i32
    %scan3A_9 = arith.addi %scan3A_7, %scan3A_8 : i32
    %scan3A_10 = arith.constant 1 : i32
    %scan3A_11 = scf.for %scan3A_101 = %scan3A_7 to %scan3A_9 step %scan3A_10 iter_args(%scan3A_102 = %scan3A_6) -> (i32)  : i32 {
      %broadcast_in_dim3A = arith.constant 0.000000e+00 : bf16
      %broadcast_in_dim3A_103 = vector.broadcast %broadcast_in_dim3A : bf16 to vector<32xbf16>
      %swap3A = arith.index_cast %scan3A_101 : i32 to index
      %swap3A_104 = arith.constant 0 : index
      %swap3A_105 = tpu.vector_load %arg7[%swap3A, %swap3A_104] {strides = array<i32>} : memref<128x64xbf16, #tpu.memory_space<vmem>>, vector<32xbf16>,
      tpu.vector_store %arg7[%swap3A, %swap3A_104], %broadcast_in_dim3A_103 {strides = array<i32>} : memref<128x64xbf16, #tpu.memory_space<vmem>>, vector<32xbf16>,
      %broadcast_in_dim3A_106 = arith.constant 0.000000e+00 : bf16
      %broadcast_in_dim3A_107 = vector.broadcast %broadcast_in_dim3A_106 : bf16 to vector<32xbf16>
      %swap3A_108 = arith.index_cast %scan3A_101 : i32 to index
      %swap3A_109 = arith.constant 32 : index
      %swap3A_110 = tpu.vector_load %arg7[%swap3A_108, %swap3A_109] {strides = array<i32>} : memref<128x64xbf16, #tpu.memory_space<vmem>>, vector<32xbf16>,
      tpu.vector_store %arg7[%swap3A_108, %swap3A_109], %broadcast_in_dim3A_107 {strides = array<i32>} : memref<128x64xbf16, #tpu.memory_space<vmem>>, vector<32xbf16>,
      %scan3A_111 = arith.constant 0 : i32
      scf.yield %scan3A_111 : i32
    }
    %scan3A_12 = arith.constant 128 : i32
    %mul3A = arith.constant 632 : i32
    %mul3A_13 = arith.muli %arg1, %mul3A : i32
    %add3A = arith.constant 0 : i32
    %add3A_14 = arith.addi %mul3A_13, %add3A : i32
    "tpu.region"() ({
      %run_scoped3A = tpu.sem_alloc : memref<!tpu.dma_semaphore, #tpu.memory_space<semaphore_mem>>
      %dma_start3A_101 = arith.constant 0 : i32
      %dma_start3A_102 = tpu.memref_slice %arg15[%add3A_14, %dma_start3A_101] : memref<10112x64xbf16, #tpu.memory_space<vmem_shared>> -> memref<128x64xbf16, #tpu.memory_space<vmem_shared>>
      %dma_start3A_103 = arith.constant 0 : i32
      %dma_start3A_104 = tpu.memref_slice %arg15[%add3A_14, %dma_start3A_103] : memref<10112x64xbf16, #tpu.memory_space<vmem_shared>> -> memref<128x64xbf16, #tpu.memory_space<vmem_shared>>
      tpu.enqueue_dma source(%arg7 : memref<128x64xbf16, #tpu.memory_space<vmem>>) target(%dma_start3A_104 : memref<128x64xbf16, #tpu.memory_space<vmem_shared>>) target_semaphore(%run_scoped3A : memref<!tpu.dma_semaphore, #tpu.memory_space<semaphore_mem>>)
      %dma_wait3A_105 = arith.constant 0 : i32
      %dma_wait3A_106 = tpu.memref_slice %arg15[%add3A_14, %dma_wait3A_105] : memref<10112x64xbf16, #tpu.memory_space<vmem_shared>> -> memref<128x64xbf16, #tpu.memory_space<vmem_shared>>
      %dma_wait3A_107 = arith.constant 0 : i32
      %dma_wait3A_108 = tpu.memref_slice %arg15[%add3A_14, %dma_wait3A_107] : memref<10112x64xbf16, #tpu.memory_space<vmem_shared>> -> memref<128x64xbf16, #tpu.memory_space<vmem_shared>>
      tpu.wait_dma2 semaphore(%run_scoped3A : memref<!tpu.dma_semaphore, #tpu.memory_space<semaphore_mem>>) src(%arg7 : memref<128x64xbf16, #tpu.memory_space<vmem>>) dst(%dma_wait3A_108 : memref<128x64xbf16, #tpu.memory_space<vmem_shared>>)
      tpu.yield
    }) : () -> ()
    %add3A_15 = arith.constant 128 : i32
    %add3A_16 = arith.addi %mul3A_13, %add3A_15 : i32
    "tpu.region"() ({
      %run_scoped3A = tpu.sem_alloc : memref<!tpu.dma_semaphore, #tpu.memory_space<semaphore_mem>>
      %dma_start3A_101 = arith.constant 0 : i32
      %dma_start3A_102 = tpu.memref_slice %arg15[%add3A_16, %dma_start3A_101] : memref<10112x64xbf16, #tpu.memory_space<vmem_shared>> -> memref<128x64xbf16, #tpu.memory_space<vmem_shared>>
      %dma_start3A_103 = arith.constant 0 : i32
      %dma_start3A_104 = tpu.memref_slice %arg15[%add3A_16, %dma_start3A_103] : memref<10112x64xbf16, #tpu.memory_space<vmem_shared>> -> memref<128x64xbf16, #tpu.memory_space<vmem_shared>>
      tpu.enqueue_dma source(%arg7 : memref<128x64xbf16, #tpu.memory_space<vmem>>) target(%dma_start3A_104 : memref<128x64xbf16, #tpu.memory_space<vmem_shared>>) target_semaphore(%run_scoped3A : memref<!tpu.dma_semaphore, #tpu.memory_space<semaphore_mem>>)
      %dma_wait3A_105 = arith.constant 0 : i32
      %dma_wait3A_106 = tpu.memref_slice %arg15[%add3A_16, %dma_wait3A_105] : memref<10112x64xbf16, #tpu.memory_space<vmem_shared>> -> memref<128x64xbf16, #tpu.memory_space<vmem_shared>>
      %dma_wait3A_107 = arith.constant 0 : i32
      %dma_wait3A_108 = tpu.memref_slice %arg15[%add3A_16, %dma_wait3A_107] : memref<10112x64xbf16, #tpu.memory_space<vmem_shared>> -> memref<128x64xbf16, #tpu.memory_space<vmem_shared>>
      tpu.wait_dma2 semaphore(%run_scoped3A : memref<!tpu.dma_semaphore, #tpu.memory_space<semaphore_mem>>) src(%arg7 : memref<128x64xbf16, #tpu.memory_space<vmem>>) dst(%dma_wait3A_108 : memref<128x64xbf16, #tpu.memory_space<vmem_shared>>)
      tpu.yield
    }) : () -> ()
    %add3A_17 = arith.constant 256 : i32
    %add3A_18 = arith.addi %mul3A_13, %add3A_17 : i32
    "tpu.region"() ({
      %run_scoped3A = tpu.sem_alloc : memref<!tpu.dma_semaphore, #tpu.memory_space<semaphore_mem>>
      %dma_start3A_101 = arith.constant 0 : i32
      %dma_start3A_102 = tpu.memref_slice %arg15[%add3A_18, %dma_start3A_101] : memref<10112x64xbf16, #tpu.memory_space<vmem_shared>> -> memref<128x64xbf16, #tpu.memory_space<vmem_shared>>
      %dma_start3A_103 = arith.constant 0 : i32
      %dma_start3A_104 = tpu.memref_slice %arg15[%add3A_18, %dma_start3A_103] : memref<10112x64xbf16, #tpu.memory_space<vmem_shared>> -> memref<128x64xbf16, #tpu.memory_space<vmem_shared>>
      tpu.enqueue_dma source(%arg7 : memref<128x64xbf16, #tpu.memory_space<vmem>>) target(%dma_start3A_104 : memref<128x64xbf16, #tpu.memory_space<vmem_shared>>) target_semaphore(%run_scoped3A : memref<!tpu.dma_semaphore, #tpu.memory_space<semaphore_mem>>)
      %dma_wait3A_105 = arith.constant 0 : i32
      %dma_wait3A_106 = tpu.memref_slice %arg15[%add3A_18, %dma_wait3A_105] : memref<10112x64xbf16, #tpu.memory_space<vmem_shared>> -> memref<128x64xbf16, #tpu.memory_space<vmem_shared>>
      %dma_wait3A_107 = arith.constant 0 : i32
      %dma_wait3A_108 = tpu.memref_slice %arg15[%add3A_18, %dma_wait3A_107] : memref<10112x64xbf16, #tpu.memory_space<vmem_shared>> -> memref<128x64xbf16, #tpu.memory_space<vmem_shared>>
      tpu.wait_dma2 semaphore(%run_scoped3A : memref<!tpu.dma_semaphore, #tpu.memory_space<semaphore_mem>>) src(%arg7 : memref<128x64xbf16, #tpu.memory_space<vmem>>) dst(%dma_wait3A_108 : memref<128x64xbf16, #tpu.memory_space<vmem_shared>>)
      tpu.yield
    }) : () -> ()
    %add3A_19 = arith.constant 384 : i32
    %add3A_20 = arith.addi %mul3A_13, %add3A_19 : i32
    "tpu.region"() ({
      %run_scoped3A = tpu.sem_alloc : memref<!tpu.dma_semaphore, #tpu.memory_space<semaphore_mem>>
      %dma_start3A_101 = arith.constant 0 : i32
      %dma_start3A_102 = tpu.memref_slice %arg15[%add3A_20, %dma_start3A_101] : memref<10112x64xbf16, #tpu.memory_space<vmem_shared>> -> memref<128x64xbf16, #tpu.memory_space<vmem_shared>>
      %dma_start3A_103 = arith.constant 0 : i32
      %dma_start3A_104 = tpu.memref_slice %arg15[%add3A_20, %dma_start3A_103] : memref<10112x64xbf16, #tpu.memory_space<vmem_shared>> -> memref<128x64xbf16, #tpu.memory_space<vmem_shared>>
      tpu.enqueue_dma source(%arg7 : memref<128x64xbf16, #tpu.memory_space<vmem>>) target(%dma_start3A_104 : memref<128x64xbf16, #tpu.memory_space<vmem_shared>>) target_semaphore(%run_scoped3A : memref<!tpu.dma_semaphore, #tpu.memory_space<semaphore_mem>>)
      %dma_wait3A_105 = arith.constant 0 : i32
      %dma_wait3A_106 = tpu.memref_slice %arg15[%add3A_20, %dma_wait3A_105] : memref<10112x64xbf16, #tpu.memory_space<vmem_shared>> -> memref<128x64xbf16, #tpu.memory_space<vmem_shared>>
      %dma_wait3A_107 = arith.constant 0 : i32
      %dma_wait3A_108 = tpu.memref_slice %arg15[%add3A_20, %dma_wait3A_107] : memref<10112x64xbf16, #tpu.memory_space<vmem_shared>> -> memref<128x64xbf16, #tpu.memory_space<vmem_shared>>
      tpu.wait_dma2 semaphore(%run_scoped3A : memref<!tpu.dma_semaphore, #tpu.memory_space<semaphore_mem>>) src(%arg7 : memref<128x64xbf16, #tpu.memory_space<vmem>>) dst(%dma_wait3A_108 : memref<128x64xbf16, #tpu.memory_space<vmem_shared>>)
      tpu.yield
    }) : () -> ()
    %add3A_21 = arith.constant 512 : i32
    %add3A_22 = arith.addi %mul3A_13, %add3A_21 : i32
    "tpu.region"() ({
      %run_scoped3A = tpu.sem_alloc : memref<!tpu.dma_semaphore, #tpu.memory_space<semaphore_mem>>
      %dma_start3A_101 = arith.constant 0 : i32
      %dma_start3A_102 = arith.constant 0 : i32
      %dma_start3A_103 = tpu.memref_slice %arg7[%dma_start3A_101, %dma_start3A_102] : memref<128x64xbf16, #tpu.memory_space<vmem>> -> memref<120x64xbf16, #tpu.memory_space<vmem>>
      %dma_start3A_104 = arith.constant 0 : i32
      %dma_start3A_105 = tpu.memref_slice %arg15[%add3A_22, %dma_start3A_104] : memref<10112x64xbf16, #tpu.memory_space<vmem_shared>> -> memref<120x64xbf16, #tpu.memory_space<vmem_shared>>
      %dma_start3A_106 = arith.constant 0 : i32
      %dma_start3A_107 = tpu.memref_slice %arg15[%add3A_22, %dma_start3A_106] : memref<10112x64xbf16, #tpu.memory_space<vmem_shared>> -> memref<120x64xbf16, #tpu.memory_space<vmem_shared>>
      %dma_start3A_108 = arith.constant 0 : i32
      %dma_start3A_109 = arith.constant 0 : i32
      %dma_start3A_110 = tpu.memref_slice %arg7[%dma_start3A_108, %dma_start3A_109] : memref<128x64xbf16, #tpu.memory_space<vmem>> -> memref<120x64xbf16, #tpu.memory_space<vmem>>
      tpu.enqueue_dma source(%dma_start3A_110 : memref<120x64xbf16, #tpu.memory_space<vmem>>) target(%dma_start3A_107 : memref<120x64xbf16, #tpu.memory_space<vmem_shared>>) target_semaphore(%run_scoped3A : memref<!tpu.dma_semaphore, #tpu.memory_space<semaphore_mem>>)
      %dma_wait3A_111 = arith.constant 0 : i32
      %dma_wait3A_112 = arith.constant 0 : i32
      %dma_wait3A_113 = tpu.memref_slice %arg7[%dma_wait3A_111, %dma_wait3A_112] : memref<128x64xbf16, #tpu.memory_space<vmem>> -> memref<120x64xbf16, #tpu.memory_space<vmem>>
      %dma_wait3A_114 = arith.constant 0 : i32
      %dma_wait3A_115 = tpu.memref_slice %arg15[%add3A_22, %dma_wait3A_114] : memref<10112x64xbf16, #tpu.memory_space<vmem_shared>> -> memref<120x64xbf16, #tpu.memory_space<vmem_shared>>
      %dma_wait3A_116 = arith.constant 0 : i32
      %dma_wait3A_117 = tpu.memref_slice %arg15[%add3A_22, %dma_wait3A_116] : memref<10112x64xbf16, #tpu.memory_space<vmem_shared>> -> memref<120x64xbf16, #tpu.memory_space<vmem_shared>>
      %dma_wait3A_118 = arith.constant 0 : i32
      %dma_wait3A_119 = arith.constant 0 : i32
      %dma_wait3A_120 = tpu.memref_slice %arg7[%dma_wait3A_118, %dma_wait3A_119] : memref<128x64xbf16, #tpu.memory_space<vmem>> -> memref<120x64xbf16, #tpu.memory_space<vmem>>
      tpu.wait_dma2 semaphore(%run_scoped3A : memref<!tpu.dma_semaphore, #tpu.memory_space<semaphore_mem>>) src(%dma_wait3A_120 : memref<120x64xbf16, #tpu.memory_space<vmem>>) dst(%dma_wait3A_117 : memref<120x64xbf16, #tpu.memory_space<vmem_shared>>)
      tpu.yield
    }) : () -> ()
    %barrier3A = arith.constant 0 : index
    tpu.barrier barrier_id(%barrier3A)
    %dma_start3A = arith.constant 0 : i32
    %dma_start3A_23 = arith.constant 0 : i32
    %dma_start3A_24 = tpu.memref_slice %arg5[%dma_start3A, %dma_start3A_23] : memref<80x128xi32, #tpu.memory_space<vmem>> -> memref<1x128xi32, #tpu.memory_space<vmem>>
    %dma_start3A_25 = tpu.memref_squeeze %dma_start3A_24 : memref<1x128xi32, #tpu.memory_space<vmem>> -> memref<128xi32, #tpu.memory_space<vmem>>
    %dma_start3A_26 = arith.constant 0 : i32
    %dma_start3A_27 = arith.constant 0 : i32
    %dma_start3A_28 = tpu.memref_slice %arg2[%arg0, %dma_start3A_26, %dma_start3A_27] : memref<2x10000x64xbf16, #tpu.memory_space<hbm>> -> memref<1x10000x64xbf16, #tpu.memory_space<hbm>>
    %dma_start3A_29 = tpu.memref_squeeze %dma_start3A_28 : memref<1x10000x64xbf16, #tpu.memory_space<hbm>> -> memref<10000x64xbf16, #tpu.memory_space<hbm>>
    %dma_start3A_30 = arith.constant 0 : i32
    %dma_start3A_31 = arith.constant 0 : i32
    %dma_start3A_32 = tpu.memref_slice %dma_start3A_29[%dma_start3A_30, %dma_start3A_31] : memref<10000x64xbf16, #tpu.memory_space<hbm>> -> memref<10000x64xbf16, #tpu.memory_space<hbm>>
    tpu.enqueue_indirect_dma source(%dma_start3A_32 : memref<10000x64xbf16, #tpu.memory_space<hbm>>) target(%arg7 : memref<128x64xbf16, #tpu.memory_space<vmem>>) offsets(%dma_start3A_25 : memref<128xi32, #tpu.memory_space<vmem>>) semaphore(%arg16 : memref<!tpu.dma_semaphore, #tpu.memory_space<semaphore_mem>>)
    %dma_start3A_33 = arith.constant 1 : i32
    %dma_start3A_34 = arith.constant 0 : i32
    %dma_start3A_35 = tpu.memref_slice %arg5[%dma_start3A_33, %dma_start3A_34] : memref<80x128xi32, #tpu.memory_space<vmem>> -> memref<1x128xi32, #tpu.memory_space<vmem>>
    %dma_start3A_36 = tpu.memref_squeeze %dma_start3A_35 : memref<1x128xi32, #tpu.memory_space<vmem>> -> memref<128xi32, #tpu.memory_space<vmem>>
    %dma_start3A_37 = arith.constant 0 : i32
    %dma_start3A_38 = arith.constant 0 : i32
    %dma_start3A_39 = tpu.memref_slice %arg2[%arg0, %dma_start3A_37, %dma_start3A_38] : memref<2x10000x64xbf16, #tpu.memory_space<hbm>> -> memref<1x10000x64xbf16, #tpu.memory_space<hbm>>
    %dma_start3A_40 = tpu.memref_squeeze %dma_start3A_39 : memref<1x10000x64xbf16, #tpu.memory_space<hbm>> -> memref<10000x64xbf16, #tpu.memory_space<hbm>>
    %dma_start3A_41 = arith.constant 0 : i32
    %dma_start3A_42 = arith.constant 0 : i32
    %dma_start3A_43 = tpu.memref_slice %dma_start3A_40[%dma_start3A_41, %dma_start3A_42] : memref<10000x64xbf16, #tpu.memory_space<hbm>> -> memref<10000x64xbf16, #tpu.memory_space<hbm>>
    tpu.enqueue_indirect_dma source(%dma_start3A_43 : memref<10000x64xbf16, #tpu.memory_space<hbm>>) target(%arg8 : memref<128x64xbf16, #tpu.memory_space<vmem>>) offsets(%dma_start3A_36 : memref<128xi32, #tpu.memory_space<vmem>>) semaphore(%arg17 : memref<!tpu.dma_semaphore, #tpu.memory_space<semaphore_mem>>)
    %dma_start3A_44 = arith.constant 2 : i32
    %dma_start3A_45 = arith.constant 0 : i32
    %dma_start3A_46 = tpu.memref_slice %arg5[%dma_start3A_44, %dma_start3A_45] : memref<80x128xi32, #tpu.memory_space<vmem>> -> memref<1x128xi32, #tpu.memory_space<vmem>>
    %dma_start3A_47 = tpu.memref_squeeze %dma_start3A_46 : memref<1x128xi32, #tpu.memory_space<vmem>> -> memref<128xi32, #tpu.memory_space<vmem>>
    %dma_start3A_48 = arith.constant 0 : i32
    %dma_start3A_49 = arith.constant 0 : i32
    %dma_start3A_50 = tpu.memref_slice %arg2[%arg0, %dma_start3A_48, %dma_start3A_49] : memref<2x10000x64xbf16, #tpu.memory_space<hbm>> -> memref<1x10000x64xbf16, #tpu.memory_space<hbm>>
    %dma_start3A_51 = tpu.memref_squeeze %dma_start3A_50 : memref<1x10000x64xbf16, #tpu.memory_space<hbm>> -> memref<10000x64xbf16, #tpu.memory_space<hbm>>
    %dma_start3A_52 = arith.constant 0 : i32
    %dma_start3A_53 = arith.constant 0 : i32
    %dma_start3A_54 = tpu.memref_slice %dma_start3A_51[%dma_start3A_52, %dma_start3A_53] : memref<10000x64xbf16, #tpu.memory_space<hbm>> -> memref<10000x64xbf16, #tpu.memory_space<hbm>>
    tpu.enqueue_indirect_dma source(%dma_start3A_54 : memref<10000x64xbf16, #tpu.memory_space<hbm>>) target(%arg9 : memref<128x64xbf16, #tpu.memory_space<vmem>>) offsets(%dma_start3A_47 : memref<128xi32, #tpu.memory_space<vmem>>) semaphore(%arg18 : memref<!tpu.dma_semaphore, #tpu.memory_space<semaphore_mem>>)
    %dma_start3A_55 = arith.constant 3 : i32
    %dma_start3A_56 = arith.constant 0 : i32
    %dma_start3A_57 = tpu.memref_slice %arg5[%dma_start3A_55, %dma_start3A_56] : memref<80x128xi32, #tpu.memory_space<vmem>> -> memref<1x128xi32, #tpu.memory_space<vmem>>
    %dma_start3A_58 = tpu.memref_squeeze %dma_start3A_57 : memref<1x128xi32, #tpu.memory_space<vmem>> -> memref<128xi32, #tpu.memory_space<vmem>>
    %dma_start3A_59 = arith.constant 0 : i32
    %dma_start3A_60 = arith.constant 0 : i32
    %dma_start3A_61 = tpu.memref_slice %arg2[%arg0, %dma_start3A_59, %dma_start3A_60] : memref<2x10000x64xbf16, #tpu.memory_space<hbm>> -> memref<1x10000x64xbf16, #tpu.memory_space<hbm>>
    %dma_start3A_62 = tpu.memref_squeeze %dma_start3A_61 : memref<1x10000x64xbf16, #tpu.memory_space<hbm>> -> memref<10000x64xbf16, #tpu.memory_space<hbm>>
    %dma_start3A_63 = arith.constant 0 : i32
    %dma_start3A_64 = arith.constant 0 : i32
    %dma_start3A_65 = tpu.memref_slice %dma_start3A_62[%dma_start3A_63, %dma_start3A_64] : memref<10000x64xbf16, #tpu.memory_space<hbm>> -> memref<10000x64xbf16, #tpu.memory_space<hbm>>
    tpu.enqueue_indirect_dma source(%dma_start3A_65 : memref<10000x64xbf16, #tpu.memory_space<hbm>>) target(%arg10 : memref<128x64xbf16, #tpu.memory_space<vmem>>) offsets(%dma_start3A_58 : memref<128xi32, #tpu.memory_space<vmem>>) semaphore(%arg19 : memref<!tpu.dma_semaphore, #tpu.memory_space<semaphore_mem>>)
    %scan3A_66 = arith.constant 0 : i32
    %scan3A_67 = arith.constant 0 : i32
    %scan3A_68 = arith.constant 10 : i32
    %scan3A_69 = arith.addi %scan3A_67, %scan3A_68 : i32
    %scan3A_70 = arith.constant 1 : i32
    %scan3A_71 = scf.for %scan3A_101 = %scan3A_67 to %scan3A_69 step %scan3A_70 iter_args(%scan3A_102 = %scan3A_66) -> (i32)  : i32 {
      %mul3A_103 = arith.constant 8 : i32
      %mul3A_104 = arith.muli %scan3A_101, %mul3A_103 : i32
      %add3A_105 = arith.constant 0 : i32
      %add3A_106 = arith.addi %mul3A_104, %add3A_105 : i32
      %dma_wait3A_107 = arith.constant 0 : i32
      %dma_wait3A_108 = tpu.memref_slice %arg5[%add3A_106, %dma_wait3A_107] : memref<80x128xi32, #tpu.memory_space<vmem>> -> memref<1x128xi32, #tpu.memory_space<vmem>>
      %dma_wait3A_109 = tpu.memref_squeeze %dma_wait3A_108 : memref<1x128xi32, #tpu.memory_space<vmem>> -> memref<128xi32, #tpu.memory_space<vmem>>
      %dma_wait3A_110 = arith.constant 0 : i32
      %dma_wait3A_111 = arith.constant 0 : i32
      %dma_wait3A_112 = tpu.memref_slice %arg2[%arg0, %dma_wait3A_110, %dma_wait3A_111] : memref<2x10000x64xbf16, #tpu.memory_space<hbm>> -> memref<1x10000x64xbf16, #tpu.memory_space<hbm>>
      %dma_wait3A_113 = tpu.memref_squeeze %dma_wait3A_112 : memref<1x10000x64xbf16, #tpu.memory_space<hbm>> -> memref<10000x64xbf16, #tpu.memory_space<hbm>>
      %dma_wait3A_114 = arith.constant 0 : i32
      %dma_wait3A_115 = arith.constant 0 : i32
      %dma_wait3A_116 = tpu.memref_slice %dma_wait3A_113[%dma_wait3A_114, %dma_wait3A_115] : memref<10000x64xbf16, #tpu.memory_space<hbm>> -> memref<10000x64xbf16, #tpu.memory_space<hbm>>
      tpu.wait_indirect_dma semaphore(%arg16 : memref<!tpu.dma_semaphore, #tpu.memory_space<semaphore_mem>>) src(%dma_wait3A_116 : memref<10000x64xbf16, #tpu.memory_space<hbm>>) dst(%arg7 : memref<128x64xbf16, #tpu.memory_space<vmem>>)
      %dma_start3A_117 = arith.constant 0 : i32
      %dma_start3A_118 = tpu.memref_slice %arg6[%add3A_106, %dma_start3A_117] : memref<80x128xi32, #tpu.memory_space<vmem>> -> memref<1x128xi32, #tpu.memory_space<vmem>>
      %dma_start3A_119 = tpu.memref_squeeze %dma_start3A_118 : memref<1x128xi32, #tpu.memory_space<vmem>> -> memref<128xi32, #tpu.memory_space<vmem>>
      %dma_start3A_120 = arith.constant 0 : i32
      %dma_start3A_121 = arith.constant 0 : i32
      %dma_start3A_122 = tpu.memref_slice %arg15[%dma_start3A_120, %dma_start3A_121] : memref<10112x64xbf16, #tpu.memory_space<vmem_shared>> -> memref<10112x64xbf16, #tpu.memory_space<vmem_shared>>
      tpu.enqueue_indirect_dma source(%arg7 : memref<128x64xbf16, #tpu.memory_space<vmem>>) target(%dma_start3A_122 : memref<10112x64xbf16, #tpu.memory_space<vmem_shared>>) offsets(%dma_start3A_119 : memref<128xi32, #tpu.memory_space<vmem>>) semaphore(%arg24 : memref<!tpu.dma_semaphore, #tpu.memory_space<semaphore_mem>>) {add = true}
      %ge3A = arith.constant 4 : i32
      %ge3A_123 = arith.cmpi sge, %add3A_106, %ge3A : i32
      %convert_element_type3A = arith.extui %ge3A_123 : i1 to i32
      %cond3A = arith.constant 0 : i32
      %cond3A_124 = arith.cmpi ne, %convert_element_type3A, %cond3A : i32
      scf.if %cond3A_124 {
        %sub3A = arith.constant 4 : i32
        %sub3A_356 = arith.subi %add3A_106, %sub3A : i32
        %dma_wait3A_357 = arith.constant 0 : i32
        %dma_wait3A_358 = tpu.memref_slice %arg6[%sub3A_356, %dma_wait3A_357] : memref<80x128xi32, #tpu.memory_space<vmem>> -> memref<1x128xi32, #tpu.memory_space<vmem>>
        %dma_wait3A_359 = tpu.memref_squeeze %dma_wait3A_358 : memref<1x128xi32, #tpu.memory_space<vmem>> -> memref<128xi32, #tpu.memory_space<vmem>>
        %dma_wait3A_360 = arith.constant 0 : i32
        %dma_wait3A_361 = arith.constant 0 : i32
        %dma_wait3A_362 = tpu.memref_slice %arg15[%dma_wait3A_360, %dma_wait3A_361] : memref<10112x64xbf16, #tpu.memory_space<vmem_shared>> -> memref<10112x64xbf16, #tpu.memory_space<vmem_shared>>
        tpu.wait_indirect_dma semaphore(%arg28 : memref<!tpu.dma_semaphore, #tpu.memory_space<semaphore_mem>>) src(%arg11 : memref<128x64xbf16, #tpu.memory_space<vmem>>) dst(%dma_wait3A_362 : memref<10112x64xbf16, #tpu.memory_space<vmem_shared>>)
      } else {
      }
      %add3A_125 = arith.constant 4 : i32
      %add3A_126 = arith.addi %add3A_106, %add3A_125 : i32
      %lt3A = arith.constant 80 : i32
      %lt3A_127 = arith.cmpi slt, %add3A_126, %lt3A : i32
      %convert_element_type3A_128 = arith.extui %lt3A_127 : i1 to i32
      %cond3A_129 = arith.constant 0 : i32
      %cond3A_130 = arith.cmpi ne, %convert_element_type3A_128, %cond3A_129 : i32
      scf.if %cond3A_130 {
        %add3A_356 = arith.constant 4 : i32
        %add3A_357 = arith.addi %add3A_106, %add3A_356 : i32
        %dma_start3A_358 = arith.constant 0 : i32
        %dma_start3A_359 = tpu.memref_slice %arg5[%add3A_357, %dma_start3A_358] : memref<80x128xi32, #tpu.memory_space<vmem>> -> memref<1x128xi32, #tpu.memory_space<vmem>>
        %dma_start3A_360 = tpu.memref_squeeze %dma_start3A_359 : memref<1x128xi32, #tpu.memory_space<vmem>> -> memref<128xi32, #tpu.memory_space<vmem>>
        %dma_start3A_361 = arith.constant 0 : i32
        %dma_start3A_362 = arith.constant 0 : i32
        %dma_start3A_363 = tpu.memref_slice %arg2[%arg0, %dma_start3A_361, %dma_start3A_362] : memref<2x10000x64xbf16, #tpu.memory_space<hbm>> -> memref<1x10000x64xbf16, #tpu.memory_space<hbm>>
        %dma_start3A_364 = tpu.memref_squeeze %dma_start3A_363 : memref<1x10000x64xbf16, #tpu.memory_space<hbm>> -> memref<10000x64xbf16, #tpu.memory_space<hbm>>
        %dma_start3A_365 = arith.constant 0 : i32
        %dma_start3A_366 = arith.constant 0 : i32
        %dma_start3A_367 = tpu.memref_slice %dma_start3A_364[%dma_start3A_365, %dma_start3A_366] : memref<10000x64xbf16, #tpu.memory_space<hbm>> -> memref<10000x64xbf16, #tpu.memory_space<hbm>>
        tpu.enqueue_indirect_dma source(%dma_start3A_367 : memref<10000x64xbf16, #tpu.memory_space<hbm>>) target(%arg11 : memref<128x64xbf16, #tpu.memory_space<vmem>>) offsets(%dma_start3A_360 : memref<128xi32, #tpu.memory_space<vmem>>) semaphore(%arg20 : memref<!tpu.dma_semaphore, #tpu.memory_space<semaphore_mem>>)
      } else {
      }
      %mul3A_131 = arith.constant 8 : i32
      %mul3A_132 = arith.muli %scan3A_101, %mul3A_131 : i32
      %add3A_133 = arith.constant 1 : i32
      %add3A_134 = arith.addi %mul3A_132, %add3A_133 : i32
      %dma_wait3A_135 = arith.constant 0 : i32
      %dma_wait3A_136 = tpu.memref_slice %arg5[%add3A_134, %dma_wait3A_135] : memref<80x128xi32, #tpu.memory_space<vmem>> -> memref<1x128xi32, #tpu.memory_space<vmem>>
      %dma_wait3A_137 = tpu.memref_squeeze %dma_wait3A_136 : memref<1x128xi32, #tpu.memory_space<vmem>> -> memref<128xi32, #tpu.memory_space<vmem>>
      %dma_wait3A_138 = arith.constant 0 : i32
      %dma_wait3A_139 = arith.constant 0 : i32
      %dma_wait3A_140 = tpu.memref_slice %arg2[%arg0, %dma_wait3A_138, %dma_wait3A_139] : memref<2x10000x64xbf16, #tpu.memory_space<hbm>> -> memref<1x10000x64xbf16, #tpu.memory_space<hbm>>
      %dma_wait3A_141 = tpu.memref_squeeze %dma_wait3A_140 : memref<1x10000x64xbf16, #tpu.memory_space<hbm>> -> memref<10000x64xbf16, #tpu.memory_space<hbm>>
      %dma_wait3A_142 = arith.constant 0 : i32
      %dma_wait3A_143 = arith.constant 0 : i32
      %dma_wait3A_144 = tpu.memref_slice %dma_wait3A_141[%dma_wait3A_142, %dma_wait3A_143] : memref<10000x64xbf16, #tpu.memory_space<hbm>> -> memref<10000x64xbf16, #tpu.memory_space<hbm>>
      tpu.wait_indirect_dma semaphore(%arg17 : memref<!tpu.dma_semaphore, #tpu.memory_space<semaphore_mem>>) src(%dma_wait3A_144 : memref<10000x64xbf16, #tpu.memory_space<hbm>>) dst(%arg8 : memref<128x64xbf16, #tpu.memory_space<vmem>>)
      %dma_start3A_145 = arith.constant 0 : i32
      %dma_start3A_146 = tpu.memref_slice %arg6[%add3A_134, %dma_start3A_145] : memref<80x128xi32, #tpu.memory_space<vmem>> -> memref<1x128xi32, #tpu.memory_space<vmem>>
      %dma_start3A_147 = tpu.memref_squeeze %dma_start3A_146 : memref<1x128xi32, #tpu.memory_space<vmem>> -> memref<128xi32, #tpu.memory_space<vmem>>
      %dma_start3A_148 = arith.constant 0 : i32
      %dma_start3A_149 = arith.constant 0 : i32
      %dma_start3A_150 = tpu.memref_slice %arg15[%dma_start3A_148, %dma_start3A_149] : memref<10112x64xbf16, #tpu.memory_space<vmem_shared>> -> memref<10112x64xbf16, #tpu.memory_space<vmem_shared>>
      tpu.enqueue_indirect_dma source(%arg8 : memref<128x64xbf16, #tpu.memory_space<vmem>>) target(%dma_start3A_150 : memref<10112x64xbf16, #tpu.memory_space<vmem_shared>>) offsets(%dma_start3A_147 : memref<128xi32, #tpu.memory_space<vmem>>) semaphore(%arg25 : memref<!tpu.dma_semaphore, #tpu.memory_space<semaphore_mem>>) {add = true}
      %ge3A_151 = arith.constant 4 : i32
      %ge3A_152 = arith.cmpi sge, %add3A_134, %ge3A_151 : i32
      %convert_element_type3A_153 = arith.extui %ge3A_152 : i1 to i32
      %cond3A_154 = arith.constant 0 : i32
      %cond3A_155 = arith.cmpi ne, %convert_element_type3A_153, %cond3A_154 : i32
      scf.if %cond3A_155 {
        %sub3A = arith.constant 4 : i32
        %sub3A_356 = arith.subi %add3A_134, %sub3A : i32
        %dma_wait3A_357 = arith.constant 0 : i32
        %dma_wait3A_358 = tpu.memref_slice %arg6[%sub3A_356, %dma_wait3A_357] : memref<80x128xi32, #tpu.memory_space<vmem>> -> memref<1x128xi32, #tpu.memory_space<vmem>>
        %dma_wait3A_359 = tpu.memref_squeeze %dma_wait3A_358 : memref<1x128xi32, #tpu.memory_space<vmem>> -> memref<128xi32, #tpu.memory_space<vmem>>
        %dma_wait3A_360 = arith.constant 0 : i32
        %dma_wait3A_361 = arith.constant 0 : i32
        %dma_wait3A_362 = tpu.memref_slice %arg15[%dma_wait3A_360, %dma_wait3A_361] : memref<10112x64xbf16, #tpu.memory_space<vmem_shared>> -> memref<10112x64xbf16, #tpu.memory_space<vmem_shared>>
        tpu.wait_indirect_dma semaphore(%arg29 : memref<!tpu.dma_semaphore, #tpu.memory_space<semaphore_mem>>) src(%arg12 : memref<128x64xbf16, #tpu.memory_space<vmem>>) dst(%dma_wait3A_362 : memref<10112x64xbf16, #tpu.memory_space<vmem_shared>>)
      } else {
      }
      %add3A_156 = arith.constant 4 : i32
      %add3A_157 = arith.addi %add3A_134, %add3A_156 : i32
      %lt3A_158 = arith.constant 80 : i32
      %lt3A_159 = arith.cmpi slt, %add3A_157, %lt3A_158 : i32
      %convert_element_type3A_160 = arith.extui %lt3A_159 : i1 to i32
      %cond3A_161 = arith.constant 0 : i32
      %cond3A_162 = arith.cmpi ne, %convert_element_type3A_160, %cond3A_161 : i32
      scf.if %cond3A_162 {
        %add3A_356 = arith.constant 4 : i32
        %add3A_357 = arith.addi %add3A_134, %add3A_356 : i32
        %dma_start3A_358 = arith.constant 0 : i32
        %dma_start3A_359 = tpu.memref_slice %arg5[%add3A_357, %dma_start3A_358] : memref<80x128xi32, #tpu.memory_space<vmem>> -> memref<1x128xi32, #tpu.memory_space<vmem>>
        %dma_start3A_360 = tpu.memref_squeeze %dma_start3A_359 : memref<1x128xi32, #tpu.memory_space<vmem>> -> memref<128xi32, #tpu.memory_space<vmem>>
        %dma_start3A_361 = arith.constant 0 : i32
        %dma_start3A_362 = arith.constant 0 : i32
        %dma_start3A_363 = tpu.memref_slice %arg2[%arg0, %dma_start3A_361, %dma_start3A_362] : memref<2x10000x64xbf16, #tpu.memory_space<hbm>> -> memref<1x10000x64xbf16, #tpu.memory_space<hbm>>
        %dma_start3A_364 = tpu.memref_squeeze %dma_start3A_363 : memref<1x10000x64xbf16, #tpu.memory_space<hbm>> -> memref<10000x64xbf16, #tpu.memory_space<hbm>>
        %dma_start3A_365 = arith.constant 0 : i32
        %dma_start3A_366 = arith.constant 0 : i32
        %dma_start3A_367 = tpu.memref_slice %dma_start3A_364[%dma_start3A_365, %dma_start3A_366] : memref<10000x64xbf16, #tpu.memory_space<hbm>> -> memref<10000x64xbf16, #tpu.memory_space<hbm>>
        tpu.enqueue_indirect_dma source(%dma_start3A_367 : memref<10000x64xbf16, #tpu.memory_space<hbm>>) target(%arg12 : memref<128x64xbf16, #tpu.memory_space<vmem>>) offsets(%dma_start3A_360 : memref<128xi32, #tpu.memory_space<vmem>>) semaphore(%arg21 : memref<!tpu.dma_semaphore, #tpu.memory_space<semaphore_mem>>)
      } else {
      }
      %mul3A_163 = arith.constant 8 : i32
      %mul3A_164 = arith.muli %scan3A_101, %mul3A_163 : i32
      %add3A_165 = arith.constant 2 : i32
      %add3A_166 = arith.addi %mul3A_164, %add3A_165 : i32
      %dma_wait3A_167 = arith.constant 0 : i32
      %dma_wait3A_168 = tpu.memref_slice %arg5[%add3A_166, %dma_wait3A_167] : memref<80x128xi32, #tpu.memory_space<vmem>> -> memref<1x128xi32, #tpu.memory_space<vmem>>
      %dma_wait3A_169 = tpu.memref_squeeze %dma_wait3A_168 : memref<1x128xi32, #tpu.memory_space<vmem>> -> memref<128xi32, #tpu.memory_space<vmem>>
      %dma_wait3A_170 = arith.constant 0 : i32
      %dma_wait3A_171 = arith.constant 0 : i32
      %dma_wait3A_172 = tpu.memref_slice %arg2[%arg0, %dma_wait3A_170, %dma_wait3A_171] : memref<2x10000x64xbf16, #tpu.memory_space<hbm>> -> memref<1x10000x64xbf16, #tpu.memory_space<hbm>>
      %dma_wait3A_173 = tpu.memref_squeeze %dma_wait3A_172 : memref<1x10000x64xbf16, #tpu.memory_space<hbm>> -> memref<10000x64xbf16, #tpu.memory_space<hbm>>
      %dma_wait3A_174 = arith.constant 0 : i32
      %dma_wait3A_175 = arith.constant 0 : i32
      %dma_wait3A_176 = tpu.memref_slice %dma_wait3A_173[%dma_wait3A_174, %dma_wait3A_175] : memref<10000x64xbf16, #tpu.memory_space<hbm>> -> memref<10000x64xbf16, #tpu.memory_space<hbm>>
      tpu.wait_indirect_dma semaphore(%arg18 : memref<!tpu.dma_semaphore, #tpu.memory_space<semaphore_mem>>) src(%dma_wait3A_176 : memref<10000x64xbf16, #tpu.memory_space<hbm>>) dst(%arg9 : memref<128x64xbf16, #tpu.memory_space<vmem>>)
      %dma_start3A_177 = arith.constant 0 : i32
      %dma_start3A_178 = tpu.memref_slice %arg6[%add3A_166, %dma_start3A_177] : memref<80x128xi32, #tpu.memory_space<vmem>> -> memref<1x128xi32, #tpu.memory_space<vmem>>
      %dma_start3A_179 = tpu.memref_squeeze %dma_start3A_178 : memref<1x128xi32, #tpu.memory_space<vmem>> -> memref<128xi32, #tpu.memory_space<vmem>>
      %dma_start3A_180 = arith.constant 0 : i32
      %dma_start3A_181 = arith.constant 0 : i32
      %dma_start3A_182 = tpu.memref_slice %arg15[%dma_start3A_180, %dma_start3A_181] : memref<10112x64xbf16, #tpu.memory_space<vmem_shared>> -> memref<10112x64xbf16, #tpu.memory_space<vmem_shared>>
      tpu.enqueue_indirect_dma source(%arg9 : memref<128x64xbf16, #tpu.memory_space<vmem>>) target(%dma_start3A_182 : memref<10112x64xbf16, #tpu.memory_space<vmem_shared>>) offsets(%dma_start3A_179 : memref<128xi32, #tpu.memory_space<vmem>>) semaphore(%arg26 : memref<!tpu.dma_semaphore, #tpu.memory_space<semaphore_mem>>) {add = true}
      %ge3A_183 = arith.constant 4 : i32
      %ge3A_184 = arith.cmpi sge, %add3A_166, %ge3A_183 : i32
      %convert_element_type3A_185 = arith.extui %ge3A_184 : i1 to i32
      %cond3A_186 = arith.constant 0 : i32
      %cond3A_187 = arith.cmpi ne, %convert_element_type3A_185, %cond3A_186 : i32
      scf.if %cond3A_187 {
        %sub3A = arith.constant 4 : i32
        %sub3A_356 = arith.subi %add3A_166, %sub3A : i32
        %dma_wait3A_357 = arith.constant 0 : i32
        %dma_wait3A_358 = tpu.memref_slice %arg6[%sub3A_356, %dma_wait3A_357] : memref<80x128xi32, #tpu.memory_space<vmem>> -> memref<1x128xi32, #tpu.memory_space<vmem>>
        %dma_wait3A_359 = tpu.memref_squeeze %dma_wait3A_358 : memref<1x128xi32, #tpu.memory_space<vmem>> -> memref<128xi32, #tpu.memory_space<vmem>>
        %dma_wait3A_360 = arith.constant 0 : i32
        %dma_wait3A_361 = arith.constant 0 : i32
        %dma_wait3A_362 = tpu.memref_slice %arg15[%dma_wait3A_360, %dma_wait3A_361] : memref<10112x64xbf16, #tpu.memory_space<vmem_shared>> -> memref<10112x64xbf16, #tpu.memory_space<vmem_shared>>
        tpu.wait_indirect_dma semaphore(%arg30 : memref<!tpu.dma_semaphore, #tpu.memory_space<semaphore_mem>>) src(%arg13 : memref<128x64xbf16, #tpu.memory_space<vmem>>) dst(%dma_wait3A_362 : memref<10112x64xbf16, #tpu.memory_space<vmem_shared>>)
      } else {
      }
      %add3A_188 = arith.constant 4 : i32
      %add3A_189 = arith.addi %add3A_166, %add3A_188 : i32
      %lt3A_190 = arith.constant 80 : i32
      %lt3A_191 = arith.cmpi slt, %add3A_189, %lt3A_190 : i32
      %convert_element_type3A_192 = arith.extui %lt3A_191 : i1 to i32
      %cond3A_193 = arith.constant 0 : i32
      %cond3A_194 = arith.cmpi ne, %convert_element_type3A_192, %cond3A_193 : i32
      scf.if %cond3A_194 {
        %add3A_356 = arith.constant 4 : i32
        %add3A_357 = arith.addi %add3A_166, %add3A_356 : i32
        %dma_start3A_358 = arith.constant 0 : i32
        %dma_start3A_359 = tpu.memref_slice %arg5[%add3A_357, %dma_start3A_358] : memref<80x128xi32, #tpu.memory_space<vmem>> -> memref<1x128xi32, #tpu.memory_space<vmem>>
        %dma_start3A_360 = tpu.memref_squeeze %dma_start3A_359 : memref<1x128xi32, #tpu.memory_space<vmem>> -> memref<128xi32, #tpu.memory_space<vmem>>
        %dma_start3A_361 = arith.constant 0 : i32
        %dma_start3A_362 = arith.constant 0 : i32
        %dma_start3A_363 = tpu.memref_slice %arg2[%arg0, %dma_start3A_361, %dma_start3A_362] : memref<2x10000x64xbf16, #tpu.memory_space<hbm>> -> memref<1x10000x64xbf16, #tpu.memory_space<hbm>>
        %dma_start3A_364 = tpu.memref_squeeze %dma_start3A_363 : memref<1x10000x64xbf16, #tpu.memory_space<hbm>> -> memref<10000x64xbf16, #tpu.memory_space<hbm>>
        %dma_start3A_365 = arith.constant 0 : i32
        %dma_start3A_366 = arith.constant 0 : i32
        %dma_start3A_367 = tpu.memref_slice %dma_start3A_364[%dma_start3A_365, %dma_start3A_366] : memref<10000x64xbf16, #tpu.memory_space<hbm>> -> memref<10000x64xbf16, #tpu.memory_space<hbm>>
        tpu.enqueue_indirect_dma source(%dma_start3A_367 : memref<10000x64xbf16, #tpu.memory_space<hbm>>) target(%arg13 : memref<128x64xbf16, #tpu.memory_space<vmem>>) offsets(%dma_start3A_360 : memref<128xi32, #tpu.memory_space<vmem>>) semaphore(%arg22 : memref<!tpu.dma_semaphore, #tpu.memory_space<semaphore_mem>>)
      } else {
      }
      %mul3A_195 = arith.constant 8 : i32
      %mul3A_196 = arith.muli %scan3A_101, %mul3A_195 : i32
      %add3A_197 = arith.constant 3 : i32
      %add3A_198 = arith.addi %mul3A_196, %add3A_197 : i32
      %dma_wait3A_199 = arith.constant 0 : i32
      %dma_wait3A_200 = tpu.memref_slice %arg5[%add3A_198, %dma_wait3A_199] : memref<80x128xi32, #tpu.memory_space<vmem>> -> memref<1x128xi32, #tpu.memory_space<vmem>>
      %dma_wait3A_201 = tpu.memref_squeeze %dma_wait3A_200 : memref<1x128xi32, #tpu.memory_space<vmem>> -> memref<128xi32, #tpu.memory_space<vmem>>
      %dma_wait3A_202 = arith.constant 0 : i32
      %dma_wait3A_203 = arith.constant 0 : i32
      %dma_wait3A_204 = tpu.memref_slice %arg2[%arg0, %dma_wait3A_202, %dma_wait3A_203] : memref<2x10000x64xbf16, #tpu.memory_space<hbm>> -> memref<1x10000x64xbf16, #tpu.memory_space<hbm>>
      %dma_wait3A_205 = tpu.memref_squeeze %dma_wait3A_204 : memref<1x10000x64xbf16, #tpu.memory_space<hbm>> -> memref<10000x64xbf16, #tpu.memory_space<hbm>>
      %dma_wait3A_206 = arith.constant 0 : i32
      %dma_wait3A_207 = arith.constant 0 : i32
      %dma_wait3A_208 = tpu.memref_slice %dma_wait3A_205[%dma_wait3A_206, %dma_wait3A_207] : memref<10000x64xbf16, #tpu.memory_space<hbm>> -> memref<10000x64xbf16, #tpu.memory_space<hbm>>
      tpu.wait_indirect_dma semaphore(%arg19 : memref<!tpu.dma_semaphore, #tpu.memory_space<semaphore_mem>>) src(%dma_wait3A_208 : memref<10000x64xbf16, #tpu.memory_space<hbm>>) dst(%arg10 : memref<128x64xbf16, #tpu.memory_space<vmem>>)
      %dma_start3A_209 = arith.constant 0 : i32
      %dma_start3A_210 = tpu.memref_slice %arg6[%add3A_198, %dma_start3A_209] : memref<80x128xi32, #tpu.memory_space<vmem>> -> memref<1x128xi32, #tpu.memory_space<vmem>>
      %dma_start3A_211 = tpu.memref_squeeze %dma_start3A_210 : memref<1x128xi32, #tpu.memory_space<vmem>> -> memref<128xi32, #tpu.memory_space<vmem>>
      %dma_start3A_212 = arith.constant 0 : i32
      %dma_start3A_213 = arith.constant 0 : i32
      %dma_start3A_214 = tpu.memref_slice %arg15[%dma_start3A_212, %dma_start3A_213] : memref<10112x64xbf16, #tpu.memory_space<vmem_shared>> -> memref<10112x64xbf16, #tpu.memory_space<vmem_shared>>
      tpu.enqueue_indirect_dma source(%arg10 : memref<128x64xbf16, #tpu.memory_space<vmem>>) target(%dma_start3A_214 : memref<10112x64xbf16, #tpu.memory_space<vmem_shared>>) offsets(%dma_start3A_211 : memref<128xi32, #tpu.memory_space<vmem>>) semaphore(%arg27 : memref<!tpu.dma_semaphore, #tpu.memory_space<semaphore_mem>>) {add = true}
      %ge3A_215 = arith.constant 4 : i32
      %ge3A_216 = arith.cmpi sge, %add3A_198, %ge3A_215 : i32
      %convert_element_type3A_217 = arith.extui %ge3A_216 : i1 to i32
      %cond3A_218 = arith.constant 0 : i32
      %cond3A_219 = arith.cmpi ne, %convert_element_type3A_217, %cond3A_218 : i32
      scf.if %cond3A_219 {
        %sub3A = arith.constant 4 : i32
        %sub3A_356 = arith.subi %add3A_198, %sub3A : i32
        %dma_wait3A_357 = arith.constant 0 : i32
        %dma_wait3A_358 = tpu.memref_slice %arg6[%sub3A_356, %dma_wait3A_357] : memref<80x128xi32, #tpu.memory_space<vmem>> -> memref<1x128xi32, #tpu.memory_space<vmem>>
        %dma_wait3A_359 = tpu.memref_squeeze %dma_wait3A_358 : memref<1x128xi32, #tpu.memory_space<vmem>> -> memref<128xi32, #tpu.memory_space<vmem>>
        %dma_wait3A_360 = arith.constant 0 : i32
        %dma_wait3A_361 = arith.constant 0 : i32
        %dma_wait3A_362 = tpu.memref_slice %arg15[%dma_wait3A_360, %dma_wait3A_361] : memref<10112x64xbf16, #tpu.memory_space<vmem_shared>> -> memref<10112x64xbf16, #tpu.memory_space<vmem_shared>>
        tpu.wait_indirect_dma semaphore(%arg31 : memref<!tpu.dma_semaphore, #tpu.memory_space<semaphore_mem>>) src(%arg14 : memref<128x64xbf16, #tpu.memory_space<vmem>>) dst(%dma_wait3A_362 : memref<10112x64xbf16, #tpu.memory_space<vmem_shared>>)
      } else {
      }
      %add3A_220 = arith.constant 4 : i32
      %add3A_221 = arith.addi %add3A_198, %add3A_220 : i32
      %lt3A_222 = arith.constant 80 : i32
      %lt3A_223 = arith.cmpi slt, %add3A_221, %lt3A_222 : i32
      %convert_element_type3A_224 = arith.extui %lt3A_223 : i1 to i32
      %cond3A_225 = arith.constant 0 : i32
      %cond3A_226 = arith.cmpi ne, %convert_element_type3A_224, %cond3A_225 : i32
      scf.if %cond3A_226 {
        %add3A_356 = arith.constant 4 : i32
        %add3A_357 = arith.addi %add3A_198, %add3A_356 : i32
        %dma_start3A_358 = arith.constant 0 : i32
        %dma_start3A_359 = tpu.memref_slice %arg5[%add3A_357, %dma_start3A_358] : memref<80x128xi32, #tpu.memory_space<vmem>> -> memref<1x128xi32, #tpu.memory_space<vmem>>
        %dma_start3A_360 = tpu.memref_squeeze %dma_start3A_359 : memref<1x128xi32, #tpu.memory_space<vmem>> -> memref<128xi32, #tpu.memory_space<vmem>>
        %dma_start3A_361 = arith.constant 0 : i32
        %dma_start3A_362 = arith.constant 0 : i32
        %dma_start3A_363 = tpu.memref_slice %arg2[%arg0, %dma_start3A_361, %dma_start3A_362] : memref<2x10000x64xbf16, #tpu.memory_space<hbm>> -> memref<1x10000x64xbf16, #tpu.memory_space<hbm>>
        %dma_start3A_364 = tpu.memref_squeeze %dma_start3A_363 : memref<1x10000x64xbf16, #tpu.memory_space<hbm>> -> memref<10000x64xbf16, #tpu.memory_space<hbm>>
        %dma_start3A_365 = arith.constant 0 : i32
        %dma_start3A_366 = arith.constant 0 : i32
        %dma_start3A_367 = tpu.memref_slice %dma_start3A_364[%dma_start3A_365, %dma_start3A_366] : memref<10000x64xbf16, #tpu.memory_space<hbm>> -> memref<10000x64xbf16, #tpu.memory_space<hbm>>
        tpu.enqueue_indirect_dma source(%dma_start3A_367 : memref<10000x64xbf16, #tpu.memory_space<hbm>>) target(%arg14 : memref<128x64xbf16, #tpu.memory_space<vmem>>) offsets(%dma_start3A_360 : memref<128xi32, #tpu.memory_space<vmem>>) semaphore(%arg23 : memref<!tpu.dma_semaphore, #tpu.memory_space<semaphore_mem>>)
      } else {
      }
      %mul3A_227 = arith.constant 8 : i32
      %mul3A_228 = arith.muli %scan3A_101, %mul3A_227 : i32
      %add3A_229 = arith.constant 4 : i32
      %add3A_230 = arith.addi %mul3A_228, %add3A_229 : i32
      %dma_wait3A_231 = arith.constant 0 : i32
      %dma_wait3A_232 = tpu.memref_slice %arg5[%add3A_230, %dma_wait3A_231] : memref<80x128xi32, #tpu.memory_space<vmem>> -> memref<1x128xi32, #tpu.memory_space<vmem>>
      %dma_wait3A_233 = tpu.memref_squeeze %dma_wait3A_232 : memref<1x128xi32, #tpu.memory_space<vmem>> -> memref<128xi32, #tpu.memory_space<vmem>>
      %dma_wait3A_234 = arith.constant 0 : i32
      %dma_wait3A_235 = arith.constant 0 : i32
      %dma_wait3A_236 = tpu.memref_slice %arg2[%arg0, %dma_wait3A_234, %dma_wait3A_235] : memref<2x10000x64xbf16, #tpu.memory_space<hbm>> -> memref<1x10000x64xbf16, #tpu.memory_space<hbm>>
      %dma_wait3A_237 = tpu.memref_squeeze %dma_wait3A_236 : memref<1x10000x64xbf16, #tpu.memory_space<hbm>> -> memref<10000x64xbf16, #tpu.memory_space<hbm>>
      %dma_wait3A_238 = arith.constant 0 : i32
      %dma_wait3A_239 = arith.constant 0 : i32
      %dma_wait3A_240 = tpu.memref_slice %dma_wait3A_237[%dma_wait3A_238, %dma_wait3A_239] : memref<10000x64xbf16, #tpu.memory_space<hbm>> -> memref<10000x64xbf16, #tpu.memory_space<hbm>>
      tpu.wait_indirect_dma semaphore(%arg20 : memref<!tpu.dma_semaphore, #tpu.memory_space<semaphore_mem>>) src(%dma_wait3A_240 : memref<10000x64xbf16, #tpu.memory_space<hbm>>) dst(%arg11 : memref<128x64xbf16, #tpu.memory_space<vmem>>)
      %dma_start3A_241 = arith.constant 0 : i32
      %dma_start3A_242 = tpu.memref_slice %arg6[%add3A_230, %dma_start3A_241] : memref<80x128xi32, #tpu.memory_space<vmem>> -> memref<1x128xi32, #tpu.memory_space<vmem>>
      %dma_start3A_243 = tpu.memref_squeeze %dma_start3A_242 : memref<1x128xi32, #tpu.memory_space<vmem>> -> memref<128xi32, #tpu.memory_space<vmem>>
      %dma_start3A_244 = arith.constant 0 : i32
      %dma_start3A_245 = arith.constant 0 : i32
      %dma_start3A_246 = tpu.memref_slice %arg15[%dma_start3A_244, %dma_start3A_245] : memref<10112x64xbf16, #tpu.memory_space<vmem_shared>> -> memref<10112x64xbf16, #tpu.memory_space<vmem_shared>>
      tpu.enqueue_indirect_dma source(%arg11 : memref<128x64xbf16, #tpu.memory_space<vmem>>) target(%dma_start3A_246 : memref<10112x64xbf16, #tpu.memory_space<vmem_shared>>) offsets(%dma_start3A_243 : memref<128xi32, #tpu.memory_space<vmem>>) semaphore(%arg28 : memref<!tpu.dma_semaphore, #tpu.memory_space<semaphore_mem>>) {add = true}
      %ge3A_247 = arith.constant 4 : i32
      %ge3A_248 = arith.cmpi sge, %add3A_230, %ge3A_247 : i32
      %convert_element_type3A_249 = arith.extui %ge3A_248 : i1 to i32
      %cond3A_250 = arith.constant 0 : i32
      %cond3A_251 = arith.cmpi ne, %convert_element_type3A_249, %cond3A_250 : i32
      scf.if %cond3A_251 {
        %sub3A = arith.constant 4 : i32
        %sub3A_356 = arith.subi %add3A_230, %sub3A : i32
        %dma_wait3A_357 = arith.constant 0 : i32
        %dma_wait3A_358 = tpu.memref_slice %arg6[%sub3A_356, %dma_wait3A_357] : memref<80x128xi32, #tpu.memory_space<vmem>> -> memref<1x128xi32, #tpu.memory_space<vmem>>
        %dma_wait3A_359 = tpu.memref_squeeze %dma_wait3A_358 : memref<1x128xi32, #tpu.memory_space<vmem>> -> memref<128xi32, #tpu.memory_space<vmem>>
        %dma_wait3A_360 = arith.constant 0 : i32
        %dma_wait3A_361 = arith.constant 0 : i32
        %dma_wait3A_362 = tpu.memref_slice %arg15[%dma_wait3A_360, %dma_wait3A_361] : memref<10112x64xbf16, #tpu.memory_space<vmem_shared>> -> memref<10112x64xbf16, #tpu.memory_space<vmem_shared>>
        tpu.wait_indirect_dma semaphore(%arg24 : memref<!tpu.dma_semaphore, #tpu.memory_space<semaphore_mem>>) src(%arg7 : memref<128x64xbf16, #tpu.memory_space<vmem>>) dst(%dma_wait3A_362 : memref<10112x64xbf16, #tpu.memory_space<vmem_shared>>)
      } else {
      }
      %add3A_252 = arith.constant 4 : i32
      %add3A_253 = arith.addi %add3A_230, %add3A_252 : i32
      %lt3A_254 = arith.constant 80 : i32
      %lt3A_255 = arith.cmpi slt, %add3A_253, %lt3A_254 : i32
      %convert_element_type3A_256 = arith.extui %lt3A_255 : i1 to i32
      %cond3A_257 = arith.constant 0 : i32
      %cond3A_258 = arith.cmpi ne, %convert_element_type3A_256, %cond3A_257 : i32
      scf.if %cond3A_258 {
        %add3A_356 = arith.constant 4 : i32
        %add3A_357 = arith.addi %add3A_230, %add3A_356 : i32
        %dma_start3A_358 = arith.constant 0 : i32
        %dma_start3A_359 = tpu.memref_slice %arg5[%add3A_357, %dma_start3A_358] : memref<80x128xi32, #tpu.memory_space<vmem>> -> memref<1x128xi32, #tpu.memory_space<vmem>>
        %dma_start3A_360 = tpu.memref_squeeze %dma_start3A_359 : memref<1x128xi32, #tpu.memory_space<vmem>> -> memref<128xi32, #tpu.memory_space<vmem>>
        %dma_start3A_361 = arith.constant 0 : i32
        %dma_start3A_362 = arith.constant 0 : i32
        %dma_start3A_363 = tpu.memref_slice %arg2[%arg0, %dma_start3A_361, %dma_start3A_362] : memref<2x10000x64xbf16, #tpu.memory_space<hbm>> -> memref<1x10000x64xbf16, #tpu.memory_space<hbm>>
        %dma_start3A_364 = tpu.memref_squeeze %dma_start3A_363 : memref<1x10000x64xbf16, #tpu.memory_space<hbm>> -> memref<10000x64xbf16, #tpu.memory_space<hbm>>
        %dma_start3A_365 = arith.constant 0 : i32
        %dma_start3A_366 = arith.constant 0 : i32
        %dma_start3A_367 = tpu.memref_slice %dma_start3A_364[%dma_start3A_365, %dma_start3A_366] : memref<10000x64xbf16, #tpu.memory_space<hbm>> -> memref<10000x64xbf16, #tpu.memory_space<hbm>>
        tpu.enqueue_indirect_dma source(%dma_start3A_367 : memref<10000x64xbf16, #tpu.memory_space<hbm>>) target(%arg7 : memref<128x64xbf16, #tpu.memory_space<vmem>>) offsets(%dma_start3A_360 : memref<128xi32, #tpu.memory_space<vmem>>) semaphore(%arg16 : memref<!tpu.dma_semaphore, #tpu.memory_space<semaphore_mem>>)
      } else {
      }
      %mul3A_259 = arith.constant 8 : i32
      %mul3A_260 = arith.muli %scan3A_101, %mul3A_259 : i32
      %add3A_261 = arith.constant 5 : i32
      %add3A_262 = arith.addi %mul3A_260, %add3A_261 : i32
      %dma_wait3A_263 = arith.constant 0 : i32
      %dma_wait3A_264 = tpu.memref_slice %arg5[%add3A_262, %dma_wait3A_263] : memref<80x128xi32, #tpu.memory_space<vmem>> -> memref<1x128xi32, #tpu.memory_space<vmem>>
      %dma_wait3A_265 = tpu.memref_squeeze %dma_wait3A_264 : memref<1x128xi32, #tpu.memory_space<vmem>> -> memref<128xi32, #tpu.memory_space<vmem>>
      %dma_wait3A_266 = arith.constant 0 : i32
      %dma_wait3A_267 = arith.constant 0 : i32
      %dma_wait3A_268 = tpu.memref_slice %arg2[%arg0, %dma_wait3A_266, %dma_wait3A_267] : memref<2x10000x64xbf16, #tpu.memory_space<hbm>> -> memref<1x10000x64xbf16, #tpu.memory_space<hbm>>
      %dma_wait3A_269 = tpu.memref_squeeze %dma_wait3A_268 : memref<1x10000x64xbf16, #tpu.memory_space<hbm>> -> memref<10000x64xbf16, #tpu.memory_space<hbm>>
      %dma_wait3A_270 = arith.constant 0 : i32
      %dma_wait3A_271 = arith.constant 0 : i32
      %dma_wait3A_272 = tpu.memref_slice %dma_wait3A_269[%dma_wait3A_270, %dma_wait3A_271] : memref<10000x64xbf16, #tpu.memory_space<hbm>> -> memref<10000x64xbf16, #tpu.memory_space<hbm>>
      tpu.wait_indirect_dma semaphore(%arg21 : memref<!tpu.dma_semaphore, #tpu.memory_space<semaphore_mem>>) src(%dma_wait3A_272 : memref<10000x64xbf16, #tpu.memory_space<hbm>>) dst(%arg12 : memref<128x64xbf16, #tpu.memory_space<vmem>>)
      %dma_start3A_273 = arith.constant 0 : i32
      %dma_start3A_274 = tpu.memref_slice %arg6[%add3A_262, %dma_start3A_273] : memref<80x128xi32, #tpu.memory_space<vmem>> -> memref<1x128xi32, #tpu.memory_space<vmem>>
      %dma_start3A_275 = tpu.memref_squeeze %dma_start3A_274 : memref<1x128xi32, #tpu.memory_space<vmem>> -> memref<128xi32, #tpu.memory_space<vmem>>
      %dma_start3A_276 = arith.constant 0 : i32
      %dma_start3A_277 = arith.constant 0 : i32
      %dma_start3A_278 = tpu.memref_slice %arg15[%dma_start3A_276, %dma_start3A_277] : memref<10112x64xbf16, #tpu.memory_space<vmem_shared>> -> memref<10112x64xbf16, #tpu.memory_space<vmem_shared>>
      tpu.enqueue_indirect_dma source(%arg12 : memref<128x64xbf16, #tpu.memory_space<vmem>>) target(%dma_start3A_278 : memref<10112x64xbf16, #tpu.memory_space<vmem_shared>>) offsets(%dma_start3A_275 : memref<128xi32, #tpu.memory_space<vmem>>) semaphore(%arg29 : memref<!tpu.dma_semaphore, #tpu.memory_space<semaphore_mem>>) {add = true}
      %ge3A_279 = arith.constant 4 : i32
      %ge3A_280 = arith.cmpi sge, %add3A_262, %ge3A_279 : i32
      %convert_element_type3A_281 = arith.extui %ge3A_280 : i1 to i32
      %cond3A_282 = arith.constant 0 : i32
      %cond3A_283 = arith.cmpi ne, %convert_element_type3A_281, %cond3A_282 : i32
      scf.if %cond3A_283 {
        %sub3A = arith.constant 4 : i32
        %sub3A_356 = arith.subi %add3A_262, %sub3A : i32
        %dma_wait3A_357 = arith.constant 0 : i32
        %dma_wait3A_358 = tpu.memref_slice %arg6[%sub3A_356, %dma_wait3A_357] : memref<80x128xi32, #tpu.memory_space<vmem>> -> memref<1x128xi32, #tpu.memory_space<vmem>>
        %dma_wait3A_359 = tpu.memref_squeeze %dma_wait3A_358 : memref<1x128xi32, #tpu.memory_space<vmem>> -> memref<128xi32, #tpu.memory_space<vmem>>
        %dma_wait3A_360 = arith.constant 0 : i32
        %dma_wait3A_361 = arith.constant 0 : i32
        %dma_wait3A_362 = tpu.memref_slice %arg15[%dma_wait3A_360, %dma_wait3A_361] : memref<10112x64xbf16, #tpu.memory_space<vmem_shared>> -> memref<10112x64xbf16, #tpu.memory_space<vmem_shared>>
        tpu.wait_indirect_dma semaphore(%arg25 : memref<!tpu.dma_semaphore, #tpu.memory_space<semaphore_mem>>) src(%arg8 : memref<128x64xbf16, #tpu.memory_space<vmem>>) dst(%dma_wait3A_362 : memref<10112x64xbf16, #tpu.memory_space<vmem_shared>>)
      } else {
      }
      %add3A_284 = arith.constant 4 : i32
      %add3A_285 = arith.addi %add3A_262, %add3A_284 : i32
      %lt3A_286 = arith.constant 80 : i32
      %lt3A_287 = arith.cmpi slt, %add3A_285, %lt3A_286 : i32
      %convert_element_type3A_288 = arith.extui %lt3A_287 : i1 to i32
      %cond3A_289 = arith.constant 0 : i32
      %cond3A_290 = arith.cmpi ne, %convert_element_type3A_288, %cond3A_289 : i32
      scf.if %cond3A_290 {
        %add3A_356 = arith.constant 4 : i32
        %add3A_357 = arith.addi %add3A_262, %add3A_356 : i32
        %dma_start3A_358 = arith.constant 0 : i32
        %dma_start3A_359 = tpu.memref_slice %arg5[%add3A_357, %dma_start3A_358] : memref<80x128xi32, #tpu.memory_space<vmem>> -> memref<1x128xi32, #tpu.memory_space<vmem>>
        %dma_start3A_360 = tpu.memref_squeeze %dma_start3A_359 : memref<1x128xi32, #tpu.memory_space<vmem>> -> memref<128xi32, #tpu.memory_space<vmem>>
        %dma_start3A_361 = arith.constant 0 : i32
        %dma_start3A_362 = arith.constant 0 : i32
        %dma_start3A_363 = tpu.memref_slice %arg2[%arg0, %dma_start3A_361, %dma_start3A_362] : memref<2x10000x64xbf16, #tpu.memory_space<hbm>> -> memref<1x10000x64xbf16, #tpu.memory_space<hbm>>
        %dma_start3A_364 = tpu.memref_squeeze %dma_start3A_363 : memref<1x10000x64xbf16, #tpu.memory_space<hbm>> -> memref<10000x64xbf16, #tpu.memory_space<hbm>>
        %dma_start3A_365 = arith.constant 0 : i32
        %dma_start3A_366 = arith.constant 0 : i32
        %dma_start3A_367 = tpu.memref_slice %dma_start3A_364[%dma_start3A_365, %dma_start3A_366] : memref<10000x64xbf16, #tpu.memory_space<hbm>> -> memref<10000x64xbf16, #tpu.memory_space<hbm>>
        tpu.enqueue_indirect_dma source(%dma_start3A_367 : memref<10000x64xbf16, #tpu.memory_space<hbm>>) target(%arg8 : memref<128x64xbf16, #tpu.memory_space<vmem>>) offsets(%dma_start3A_360 : memref<128xi32, #tpu.memory_space<vmem>>) semaphore(%arg17 : memref<!tpu.dma_semaphore, #tpu.memory_space<semaphore_mem>>)
      } else {
      }
      %mul3A_291 = arith.constant 8 : i32
      %mul3A_292 = arith.muli %scan3A_101, %mul3A_291 : i32
      %add3A_293 = arith.constant 6 : i32
      %add3A_294 = arith.addi %mul3A_292, %add3A_293 : i32
      %dma_wait3A_295 = arith.constant 0 : i32
      %dma_wait3A_296 = tpu.memref_slice %arg5[%add3A_294, %dma_wait3A_295] : memref<80x128xi32, #tpu.memory_space<vmem>> -> memref<1x128xi32, #tpu.memory_space<vmem>>
      %dma_wait3A_297 = tpu.memref_squeeze %dma_wait3A_296 : memref<1x128xi32, #tpu.memory_space<vmem>> -> memref<128xi32, #tpu.memory_space<vmem>>
      %dma_wait3A_298 = arith.constant 0 : i32
      %dma_wait3A_299 = arith.constant 0 : i32
      %dma_wait3A_300 = tpu.memref_slice %arg2[%arg0, %dma_wait3A_298, %dma_wait3A_299] : memref<2x10000x64xbf16, #tpu.memory_space<hbm>> -> memref<1x10000x64xbf16, #tpu.memory_space<hbm>>
      %dma_wait3A_301 = tpu.memref_squeeze %dma_wait3A_300 : memref<1x10000x64xbf16, #tpu.memory_space<hbm>> -> memref<10000x64xbf16, #tpu.memory_space<hbm>>
      %dma_wait3A_302 = arith.constant 0 : i32
      %dma_wait3A_303 = arith.constant 0 : i32
      %dma_wait3A_304 = tpu.memref_slice %dma_wait3A_301[%dma_wait3A_302, %dma_wait3A_303] : memref<10000x64xbf16, #tpu.memory_space<hbm>> -> memref<10000x64xbf16, #tpu.memory_space<hbm>>
      tpu.wait_indirect_dma semaphore(%arg22 : memref<!tpu.dma_semaphore, #tpu.memory_space<semaphore_mem>>) src(%dma_wait3A_304 : memref<10000x64xbf16, #tpu.memory_space<hbm>>) dst(%arg13 : memref<128x64xbf16, #tpu.memory_space<vmem>>)
      %dma_start3A_305 = arith.constant 0 : i32
      %dma_start3A_306 = tpu.memref_slice %arg6[%add3A_294, %dma_start3A_305] : memref<80x128xi32, #tpu.memory_space<vmem>> -> memref<1x128xi32, #tpu.memory_space<vmem>>
      %dma_start3A_307 = tpu.memref_squeeze %dma_start3A_306 : memref<1x128xi32, #tpu.memory_space<vmem>> -> memref<128xi32, #tpu.memory_space<vmem>>
      %dma_start3A_308 = arith.constant 0 : i32
      %dma_start3A_309 = arith.constant 0 : i32
      %dma_start3A_310 = tpu.memref_slice %arg15[%dma_start3A_308, %dma_start3A_309] : memref<10112x64xbf16, #tpu.memory_space<vmem_shared>> -> memref<10112x64xbf16, #tpu.memory_space<vmem_shared>>
      tpu.enqueue_indirect_dma source(%arg13 : memref<128x64xbf16, #tpu.memory_space<vmem>>) target(%dma_start3A_310 : memref<10112x64xbf16, #tpu.memory_space<vmem_shared>>) offsets(%dma_start3A_307 : memref<128xi32, #tpu.memory_space<vmem>>) semaphore(%arg30 : memref<!tpu.dma_semaphore, #tpu.memory_space<semaphore_mem>>) {add = true}
      %ge3A_311 = arith.constant 4 : i32
      %ge3A_312 = arith.cmpi sge, %add3A_294, %ge3A_311 : i32
      %convert_element_type3A_313 = arith.extui %ge3A_312 : i1 to i32
      %cond3A_314 = arith.constant 0 : i32
      %cond3A_315 = arith.cmpi ne, %convert_element_type3A_313, %cond3A_314 : i32
      scf.if %cond3A_315 {
        %sub3A = arith.constant 4 : i32
        %sub3A_356 = arith.subi %add3A_294, %sub3A : i32
        %dma_wait3A_357 = arith.constant 0 : i32
        %dma_wait3A_358 = tpu.memref_slice %arg6[%sub3A_356, %dma_wait3A_357] : memref<80x128xi32, #tpu.memory_space<vmem>> -> memref<1x128xi32, #tpu.memory_space<vmem>>
        %dma_wait3A_359 = tpu.memref_squeeze %dma_wait3A_358 : memref<1x128xi32, #tpu.memory_space<vmem>> -> memref<128xi32, #tpu.memory_space<vmem>>
        %dma_wait3A_360 = arith.constant 0 : i32
        %dma_wait3A_361 = arith.constant 0 : i32
        %dma_wait3A_362 = tpu.memref_slice %arg15[%dma_wait3A_360, %dma_wait3A_361] : memref<10112x64xbf16, #tpu.memory_space<vmem_shared>> -> memref<10112x64xbf16, #tpu.memory_space<vmem_shared>>
        tpu.wait_indirect_dma semaphore(%arg26 : memref<!tpu.dma_semaphore, #tpu.memory_space<semaphore_mem>>) src(%arg9 : memref<128x64xbf16, #tpu.memory_space<vmem>>) dst(%dma_wait3A_362 : memref<10112x64xbf16, #tpu.memory_space<vmem_shared>>)
      } else {
      }
      %add3A_316 = arith.constant 4 : i32
      %add3A_317 = arith.addi %add3A_294, %add3A_316 : i32
      %lt3A_318 = arith.constant 80 : i32
      %lt3A_319 = arith.cmpi slt, %add3A_317, %lt3A_318 : i32
      %convert_element_type3A_320 = arith.extui %lt3A_319 : i1 to i32
      %cond3A_321 = arith.constant 0 : i32
      %cond3A_322 = arith.cmpi ne, %convert_element_type3A_320, %cond3A_321 : i32
      scf.if %cond3A_322 {
        %add3A_356 = arith.constant 4 : i32
        %add3A_357 = arith.addi %add3A_294, %add3A_356 : i32
        %dma_start3A_358 = arith.constant 0 : i32
        %dma_start3A_359 = tpu.memref_slice %arg5[%add3A_357, %dma_start3A_358] : memref<80x128xi32, #tpu.memory_space<vmem>> -> memref<1x128xi32, #tpu.memory_space<vmem>>
        %dma_start3A_360 = tpu.memref_squeeze %dma_start3A_359 : memref<1x128xi32, #tpu.memory_space<vmem>> -> memref<128xi32, #tpu.memory_space<vmem>>
        %dma_start3A_361 = arith.constant 0 : i32
        %dma_start3A_362 = arith.constant 0 : i32
        %dma_start3A_363 = tpu.memref_slice %arg2[%arg0, %dma_start3A_361, %dma_start3A_362] : memref<2x10000x64xbf16, #tpu.memory_space<hbm>> -> memref<1x10000x64xbf16, #tpu.memory_space<hbm>>
        %dma_start3A_364 = tpu.memref_squeeze %dma_start3A_363 : memref<1x10000x64xbf16, #tpu.memory_space<hbm>> -> memref<10000x64xbf16, #tpu.memory_space<hbm>>
        %dma_start3A_365 = arith.constant 0 : i32
        %dma_start3A_366 = arith.constant 0 : i32
        %dma_start3A_367 = tpu.memref_slice %dma_start3A_364[%dma_start3A_365, %dma_start3A_366] : memref<10000x64xbf16, #tpu.memory_space<hbm>> -> memref<10000x64xbf16, #tpu.memory_space<hbm>>
        tpu.enqueue_indirect_dma source(%dma_start3A_367 : memref<10000x64xbf16, #tpu.memory_space<hbm>>) target(%arg9 : memref<128x64xbf16, #tpu.memory_space<vmem>>) offsets(%dma_start3A_360 : memref<128xi32, #tpu.memory_space<vmem>>) semaphore(%arg18 : memref<!tpu.dma_semaphore, #tpu.memory_space<semaphore_mem>>)
      } else {
      }
      %mul3A_323 = arith.constant 8 : i32
      %mul3A_324 = arith.muli %scan3A_101, %mul3A_323 : i32
      %add3A_325 = arith.constant 7 : i32
      %add3A_326 = arith.addi %mul3A_324, %add3A_325 : i32
      %dma_wait3A_327 = arith.constant 0 : i32
      %dma_wait3A_328 = tpu.memref_slice %arg5[%add3A_326, %dma_wait3A_327] : memref<80x128xi32, #tpu.memory_space<vmem>> -> memref<1x128xi32, #tpu.memory_space<vmem>>
      %dma_wait3A_329 = tpu.memref_squeeze %dma_wait3A_328 : memref<1x128xi32, #tpu.memory_space<vmem>> -> memref<128xi32, #tpu.memory_space<vmem>>
      %dma_wait3A_330 = arith.constant 0 : i32
      %dma_wait3A_331 = arith.constant 0 : i32
      %dma_wait3A_332 = tpu.memref_slice %arg2[%arg0, %dma_wait3A_330, %dma_wait3A_331] : memref<2x10000x64xbf16, #tpu.memory_space<hbm>> -> memref<1x10000x64xbf16, #tpu.memory_space<hbm>>
      %dma_wait3A_333 = tpu.memref_squeeze %dma_wait3A_332 : memref<1x10000x64xbf16, #tpu.memory_space<hbm>> -> memref<10000x64xbf16, #tpu.memory_space<hbm>>
      %dma_wait3A_334 = arith.constant 0 : i32
      %dma_wait3A_335 = arith.constant 0 : i32
      %dma_wait3A_336 = tpu.memref_slice %dma_wait3A_333[%dma_wait3A_334, %dma_wait3A_335] : memref<10000x64xbf16, #tpu.memory_space<hbm>> -> memref<10000x64xbf16, #tpu.memory_space<hbm>>
      tpu.wait_indirect_dma semaphore(%arg23 : memref<!tpu.dma_semaphore, #tpu.memory_space<semaphore_mem>>) src(%dma_wait3A_336 : memref<10000x64xbf16, #tpu.memory_space<hbm>>) dst(%arg14 : memref<128x64xbf16, #tpu.memory_space<vmem>>)
      %dma_start3A_337 = arith.constant 0 : i32
      %dma_start3A_338 = tpu.memref_slice %arg6[%add3A_326, %dma_start3A_337] : memref<80x128xi32, #tpu.memory_space<vmem>> -> memref<1x128xi32, #tpu.memory_space<vmem>>
      %dma_start3A_339 = tpu.memref_squeeze %dma_start3A_338 : memref<1x128xi32, #tpu.memory_space<vmem>> -> memref<128xi32, #tpu.memory_space<vmem>>
      %dma_start3A_340 = arith.constant 0 : i32
      %dma_start3A_341 = arith.constant 0 : i32
      %dma_start3A_342 = tpu.memref_slice %arg15[%dma_start3A_340, %dma_start3A_341] : memref<10112x64xbf16, #tpu.memory_space<vmem_shared>> -> memref<10112x64xbf16, #tpu.memory_space<vmem_shared>>
      tpu.enqueue_indirect_dma source(%arg14 : memref<128x64xbf16, #tpu.memory_space<vmem>>) target(%dma_start3A_342 : memref<10112x64xbf16, #tpu.memory_space<vmem_shared>>) offsets(%dma_start3A_339 : memref<128xi32, #tpu.memory_space<vmem>>) semaphore(%arg31 : memref<!tpu.dma_semaphore, #tpu.memory_space<semaphore_mem>>) {add = true}
      %ge3A_343 = arith.constant 4 : i32
      %ge3A_344 = arith.cmpi sge, %add3A_326, %ge3A_343 : i32
      %convert_element_type3A_345 = arith.extui %ge3A_344 : i1 to i32
      %cond3A_346 = arith.constant 0 : i32
      %cond3A_347 = arith.cmpi ne, %convert_element_type3A_345, %cond3A_346 : i32
      scf.if %cond3A_347 {
        %sub3A = arith.constant 4 : i32
        %sub3A_356 = arith.subi %add3A_326, %sub3A : i32
        %dma_wait3A_357 = arith.constant 0 : i32
        %dma_wait3A_358 = tpu.memref_slice %arg6[%sub3A_356, %dma_wait3A_357] : memref<80x128xi32, #tpu.memory_space<vmem>> -> memref<1x128xi32, #tpu.memory_space<vmem>>
        %dma_wait3A_359 = tpu.memref_squeeze %dma_wait3A_358 : memref<1x128xi32, #tpu.memory_space<vmem>> -> memref<128xi32, #tpu.memory_space<vmem>>
        %dma_wait3A_360 = arith.constant 0 : i32
        %dma_wait3A_361 = arith.constant 0 : i32
        %dma_wait3A_362 = tpu.memref_slice %arg15[%dma_wait3A_360, %dma_wait3A_361] : memref<10112x64xbf16, #tpu.memory_space<vmem_shared>> -> memref<10112x64xbf16, #tpu.memory_space<vmem_shared>>
        tpu.wait_indirect_dma semaphore(%arg27 : memref<!tpu.dma_semaphore, #tpu.memory_space<semaphore_mem>>) src(%arg10 : memref<128x64xbf16, #tpu.memory_space<vmem>>) dst(%dma_wait3A_362 : memref<10112x64xbf16, #tpu.memory_space<vmem_shared>>)
      } else {
      }
      %add3A_348 = arith.constant 4 : i32
      %add3A_349 = arith.addi %add3A_326, %add3A_348 : i32
      %lt3A_350 = arith.constant 80 : i32
      %lt3A_351 = arith.cmpi slt, %add3A_349, %lt3A_350 : i32
      %convert_element_type3A_352 = arith.extui %lt3A_351 : i1 to i32
      %cond3A_353 = arith.constant 0 : i32
      %cond3A_354 = arith.cmpi ne, %convert_element_type3A_352, %cond3A_353 : i32
      scf.if %cond3A_354 {
        %add3A_356 = arith.constant 4 : i32
        %add3A_357 = arith.addi %add3A_326, %add3A_356 : i32
        %dma_start3A_358 = arith.constant 0 : i32
        %dma_start3A_359 = tpu.memref_slice %arg5[%add3A_357, %dma_start3A_358] : memref<80x128xi32, #tpu.memory_space<vmem>> -> memref<1x128xi32, #tpu.memory_space<vmem>>
        %dma_start3A_360 = tpu.memref_squeeze %dma_start3A_359 : memref<1x128xi32, #tpu.memory_space<vmem>> -> memref<128xi32, #tpu.memory_space<vmem>>
        %dma_start3A_361 = arith.constant 0 : i32
        %dma_start3A_362 = arith.constant 0 : i32
        %dma_start3A_363 = tpu.memref_slice %arg2[%arg0, %dma_start3A_361, %dma_start3A_362] : memref<2x10000x64xbf16, #tpu.memory_space<hbm>> -> memref<1x10000x64xbf16, #tpu.memory_space<hbm>>
        %dma_start3A_364 = tpu.memref_squeeze %dma_start3A_363 : memref<1x10000x64xbf16, #tpu.memory_space<hbm>> -> memref<10000x64xbf16, #tpu.memory_space<hbm>>
        %dma_start3A_365 = arith.constant 0 : i32
        %dma_start3A_366 = arith.constant 0 : i32
        %dma_start3A_367 = tpu.memref_slice %dma_start3A_364[%dma_start3A_365, %dma_start3A_366] : memref<10000x64xbf16, #tpu.memory_space<hbm>> -> memref<10000x64xbf16, #tpu.memory_space<hbm>>
        tpu.enqueue_indirect_dma source(%dma_start3A_367 : memref<10000x64xbf16, #tpu.memory_space<hbm>>) target(%arg10 : memref<128x64xbf16, #tpu.memory_space<vmem>>) offsets(%dma_start3A_360 : memref<128xi32, #tpu.memory_space<vmem>>) semaphore(%arg19 : memref<!tpu.dma_semaphore, #tpu.memory_space<semaphore_mem>>)
      } else {
      }
      %scan3A_355 = arith.constant 0 : i32
      scf.yield %scan3A_355 : i32
    }
    %scan3A_72 = arith.constant 10 : i32
    %dma_wait3A = arith.constant 76 : i32
    %dma_wait3A_73 = arith.constant 0 : i32
    %dma_wait3A_74 = tpu.memref_slice %arg6[%dma_wait3A, %dma_wait3A_73] : memref<80x128xi32, #tpu.memory_space<vmem>> -> memref<1x128xi32, #tpu.memory_space<vmem>>
    %dma_wait3A_75 = tpu.memref_squeeze %dma_wait3A_74 : memref<1x128xi32, #tpu.memory_space<vmem>> -> memref<128xi32, #tpu.memory_space<vmem>>
    %dma_wait3A_76 = arith.constant 0 : i32
    %dma_wait3A_77 = arith.constant 0 : i32
    %dma_wait3A_78 = tpu.memref_slice %arg15[%dma_wait3A_76, %dma_wait3A_77] : memref<10112x64xbf16, #tpu.memory_space<vmem_shared>> -> memref<10112x64xbf16, #tpu.memory_space<vmem_shared>>
    tpu.wait_indirect_dma semaphore(%arg28 : memref<!tpu.dma_semaphore, #tpu.memory_space<semaphore_mem>>) src(%arg11 : memref<128x64xbf16, #tpu.memory_space<vmem>>) dst(%dma_wait3A_78 : memref<10112x64xbf16, #tpu.memory_space<vmem_shared>>)
    %dma_wait3A_79 = arith.constant 77 : i32
    %dma_wait3A_80 = arith.constant 0 : i32
    %dma_wait3A_81 = tpu.memref_slice %arg6[%dma_wait3A_79, %dma_wait3A_80] : memref<80x128xi32, #tpu.memory_space<vmem>> -> memref<1x128xi32, #tpu.memory_space<vmem>>
    %dma_wait3A_82 = tpu.memref_squeeze %dma_wait3A_81 : memref<1x128xi32, #tpu.memory_space<vmem>> -> memref<128xi32, #tpu.memory_space<vmem>>
    %dma_wait3A_83 = arith.constant 0 : i32
    %dma_wait3A_84 = arith.constant 0 : i32
    %dma_wait3A_85 = tpu.memref_slice %arg15[%dma_wait3A_83, %dma_wait3A_84] : memref<10112x64xbf16, #tpu.memory_space<vmem_shared>> -> memref<10112x64xbf16, #tpu.memory_space<vmem_shared>>
    tpu.wait_indirect_dma semaphore(%arg29 : memref<!tpu.dma_semaphore, #tpu.memory_space<semaphore_mem>>) src(%arg12 : memref<128x64xbf16, #tpu.memory_space<vmem>>) dst(%dma_wait3A_85 : memref<10112x64xbf16, #tpu.memory_space<vmem_shared>>)
    %dma_wait3A_86 = arith.constant 78 : i32
    %dma_wait3A_87 = arith.constant 0 : i32
    %dma_wait3A_88 = tpu.memref_slice %arg6[%dma_wait3A_86, %dma_wait3A_87] : memref<80x128xi32, #tpu.memory_space<vmem>> -> memref<1x128xi32, #tpu.memory_space<vmem>>
    %dma_wait3A_89 = tpu.memref_squeeze %dma_wait3A_88 : memref<1x128xi32, #tpu.memory_space<vmem>> -> memref<128xi32, #tpu.memory_space<vmem>>
    %dma_wait3A_90 = arith.constant 0 : i32
    %dma_wait3A_91 = arith.constant 0 : i32
    %dma_wait3A_92 = tpu.memref_slice %arg15[%dma_wait3A_90, %dma_wait3A_91] : memref<10112x64xbf16, #tpu.memory_space<vmem_shared>> -> memref<10112x64xbf16, #tpu.memory_space<vmem_shared>>
    tpu.wait_indirect_dma semaphore(%arg30 : memref<!tpu.dma_semaphore, #tpu.memory_space<semaphore_mem>>) src(%arg13 : memref<128x64xbf16, #tpu.memory_space<vmem>>) dst(%dma_wait3A_92 : memref<10112x64xbf16, #tpu.memory_space<vmem_shared>>)
    %dma_wait3A_93 = arith.constant 79 : i32
    %dma_wait3A_94 = arith.constant 0 : i32
    %dma_wait3A_95 = tpu.memref_slice %arg6[%dma_wait3A_93, %dma_wait3A_94] : memref<80x128xi32, #tpu.memory_space<vmem>> -> memref<1x128xi32, #tpu.memory_space<vmem>>
    %dma_wait3A_96 = tpu.memref_squeeze %dma_wait3A_95 : memref<1x128xi32, #tpu.memory_space<vmem>> -> memref<128xi32, #tpu.memory_space<vmem>>
    %dma_wait3A_97 = arith.constant 0 : i32
    %dma_wait3A_98 = arith.constant 0 : i32
    %dma_wait3A_99 = tpu.memref_slice %arg15[%dma_wait3A_97, %dma_wait3A_98] : memref<10112x64xbf16, #tpu.memory_space<vmem_shared>> -> memref<10112x64xbf16, #tpu.memory_space<vmem_shared>>
    tpu.wait_indirect_dma semaphore(%arg31 : memref<!tpu.dma_semaphore, #tpu.memory_space<semaphore_mem>>) src(%arg14 : memref<128x64xbf16, #tpu.memory_space<vmem>>) dst(%dma_wait3A_99 : memref<10112x64xbf16, #tpu.memory_space<vmem_shared>>)
    %barrier3A_100 = arith.constant 0 : index
    tpu.barrier barrier_id(%barrier3A_100)
    "tpu.region"() ({
      %run_scoped3A = tpu.sem_alloc : memref<!tpu.dma_semaphore, #tpu.memory_space<semaphore_mem>>
      %dma_start3A_101 = arith.constant 0 : i32
      %dma_start3A_102 = arith.constant 0 : i32
      %dma_start3A_103 = tpu.memref_slice %arg4[%arg0, %dma_start3A_101, %dma_start3A_102] : memref<2x10112x64xbf16, #tpu.memory_space<hbm>> -> memref<1x10112x64xbf16, #tpu.memory_space<hbm>>
      %dma_start3A_104 = tpu.memref_squeeze %dma_start3A_103 : memref<1x10112x64xbf16, #tpu.memory_space<hbm>> -> memref<10112x64xbf16, #tpu.memory_space<hbm>>
      %dma_start3A_105 = arith.constant 0 : i32
      %dma_start3A_106 = tpu.memref_slice %dma_start3A_104[%mul3A_13, %dma_start3A_105] : memref<10112x64xbf16, #tpu.memory_space<hbm>> -> memref<632x64xbf16, #tpu.memory_space<hbm>>
      %dma_start3A_107 = arith.constant 0 : i32
      %dma_start3A_108 = tpu.memref_slice %arg15[%mul3A_13, %dma_start3A_107] : memref<10112x64xbf16, #tpu.memory_space<vmem_shared>> -> memref<632x64xbf16, #tpu.memory_space<vmem_shared>>
      tpu.enqueue_dma source(%dma_start3A_108 : memref<632x64xbf16, #tpu.memory_space<vmem_shared>>) target(%dma_start3A_106 : memref<632x64xbf16, #tpu.memory_space<hbm>>) target_semaphore(%run_scoped3A : memref<!tpu.dma_semaphore, #tpu.memory_space<semaphore_mem>>)
      %dma_wait3A_109 = arith.constant 0 : i32
      %dma_wait3A_110 = arith.constant 0 : i32
      %dma_wait3A_111 = tpu.memref_slice %arg4[%arg0, %dma_wait3A_109, %dma_wait3A_110] : memref<2x10112x64xbf16, #tpu.memory_space<hbm>> -> memref<1x10112x64xbf16, #tpu.memory_space<hbm>>
      %dma_wait3A_112 = tpu.memref_squeeze %dma_wait3A_111 : memref<1x10112x64xbf16, #tpu.memory_space<hbm>> -> memref<10112x64xbf16, #tpu.memory_space<hbm>>
      %dma_wait3A_113 = arith.constant 0 : i32
      %dma_wait3A_114 = tpu.memref_slice %dma_wait3A_112[%mul3A_13, %dma_wait3A_113] : memref<10112x64xbf16, #tpu.memory_space<hbm>> -> memref<632x64xbf16, #tpu.memory_space<hbm>>
      %dma_wait3A_115 = arith.constant 0 : i32
      %dma_wait3A_116 = tpu.memref_slice %arg15[%mul3A_13, %dma_wait3A_115] : memref<10112x64xbf16, #tpu.memory_space<vmem_shared>> -> memref<632x64xbf16, #tpu.memory_space<vmem_shared>>
      tpu.wait_dma2 semaphore(%run_scoped3A : memref<!tpu.dma_semaphore, #tpu.memory_space<semaphore_mem>>) src(%dma_wait3A_116 : memref<632x64xbf16, #tpu.memory_space<vmem_shared>>) dst(%dma_wait3A_114 : memref<632x64xbf16, #tpu.memory_space<hbm>>)
      tpu.yield
    }) : () -> ()
    return
  }
}

#map = affine_map<(d0, d1) -> (0, 0, 0)>
module attributes {stable_mosaic.version = 14 : i64} {
  func.func @agg(%arg0: i32, %arg1: i32, %arg2: memref<2x10000x128xbf16, #tpu.memory_space<hbm>>, %arg3: memref<16x80x128xi32, #tpu.memory_space<hbm>>, %arg4: memref<2x10112x128xbf16, #tpu.memory_space<hbm>>, %arg5: memref<80x128xi32, #tpu.memory_space<vmem>>, %arg6: memref<80x128xi32, #tpu.memory_space<vmem>>, %arg7: memref<128x128xbf16, #tpu.memory_space<vmem>>, %arg8: memref<128x128xbf16, #tpu.memory_space<vmem>>, %arg9: memref<128x128xbf16, #tpu.memory_space<vmem>>, %arg10: memref<128x128xbf16, #tpu.memory_space<vmem>>, %arg11: memref<128x128xbf16, #tpu.memory_space<vmem>>, %arg12: memref<128x128xbf16, #tpu.memory_space<vmem>>, %arg13: memref<128x128xbf16, #tpu.memory_space<vmem>>, %arg14: memref<128x128xbf16, #tpu.memory_space<vmem>>, %arg15: memref<10112x128xbf16, #tpu.memory_space<vmem_shared>>, %arg16: memref<!tpu.dma_semaphore, #tpu.memory_space<semaphore_mem>>, %arg17: memref<!tpu.dma_semaphore, #tpu.memory_space<semaphore_mem>>, %arg18: memref<!tpu.dma_semaphore, #tpu.memory_space<semaphore_mem>>, %arg19: memref<!tpu.dma_semaphore, #tpu.memory_space<semaphore_mem>>, %arg20: memref<!tpu.dma_semaphore, #tpu.memory_space<semaphore_mem>>, %arg21: memref<!tpu.dma_semaphore, #tpu.memory_space<semaphore_mem>>, %arg22: memref<!tpu.dma_semaphore, #tpu.memory_space<semaphore_mem>>, %arg23: memref<!tpu.dma_semaphore, #tpu.memory_space<semaphore_mem>>, %arg24: memref<!tpu.dma_semaphore, #tpu.memory_space<semaphore_mem>>, %arg25: memref<!tpu.dma_semaphore, #tpu.memory_space<semaphore_mem>>, %arg26: memref<!tpu.dma_semaphore, #tpu.memory_space<semaphore_mem>>, %arg27: memref<!tpu.dma_semaphore, #tpu.memory_space<semaphore_mem>>, %arg28: memref<!tpu.dma_semaphore, #tpu.memory_space<semaphore_mem>>, %arg29: memref<!tpu.dma_semaphore, #tpu.memory_space<semaphore_mem>>, %arg30: memref<!tpu.dma_semaphore, #tpu.memory_space<semaphore_mem>>, %arg31: memref<!tpu.dma_semaphore, #tpu.memory_space<semaphore_mem>>) attributes {dimension_semantics = [#tpu.dimension_semantics<core_parallel>, #tpu.dimension_semantics<subcore_parallel>], iteration_bounds = array<i64: 2, 16>, scalar_prefetch = 0 : i64, scratch_operands = 27 : i64, tpu.core_type = #tpu.core_type<sc_vector_subcore>, window_params = [{transform_indices = #map}, {transform_indices = #map}, {transform_indices = #map}]} {
    "tpu.region"() ({
      %run_scoped3A = tpu.sem_alloc : memref<!tpu.dma_semaphore, #tpu.memory_space<semaphore_mem>>
      %dma_start3A_101 = arith.constant 0 : i32
      %dma_start3A_102 = arith.constant 0 : i32
      %dma_start3A_103 = tpu.memref_slice %arg3[%arg1, %dma_start3A_101, %dma_start3A_102] : memref<16x80x128xi32, #tpu.memory_space<hbm>> -> memref<1x80x128xi32, #tpu.memory_space<hbm>>
      %dma_start3A_104 = tpu.memref_squeeze %dma_start3A_103 : memref<1x80x128xi32, #tpu.memory_space<hbm>> -> memref<80x128xi32, #tpu.memory_space<hbm>>
      %dma_start3A_105 = arith.constant 0 : i32
      %dma_start3A_106 = arith.constant 0 : i32
      %dma_start3A_107 = tpu.memref_slice %arg3[%arg1, %dma_start3A_105, %dma_start3A_106] : memref<16x80x128xi32, #tpu.memory_space<hbm>> -> memref<1x80x128xi32, #tpu.memory_space<hbm>>
      %dma_start3A_108 = tpu.memref_squeeze %dma_start3A_107 : memref<1x80x128xi32, #tpu.memory_space<hbm>> -> memref<80x128xi32, #tpu.memory_space<hbm>>
      tpu.enqueue_dma source(%dma_start3A_108 : memref<80x128xi32, #tpu.memory_space<hbm>>) target(%arg6 : memref<80x128xi32, #tpu.memory_space<vmem>>) target_semaphore(%run_scoped3A : memref<!tpu.dma_semaphore, #tpu.memory_space<semaphore_mem>>)
      %dma_wait3A_109 = arith.constant 0 : i32
      %dma_wait3A_110 = arith.constant 0 : i32
      %dma_wait3A_111 = tpu.memref_slice %arg3[%arg1, %dma_wait3A_109, %dma_wait3A_110] : memref<16x80x128xi32, #tpu.memory_space<hbm>> -> memref<1x80x128xi32, #tpu.memory_space<hbm>>
      %dma_wait3A_112 = tpu.memref_squeeze %dma_wait3A_111 : memref<1x80x128xi32, #tpu.memory_space<hbm>> -> memref<80x128xi32, #tpu.memory_space<hbm>>
      %dma_wait3A_113 = arith.constant 0 : i32
      %dma_wait3A_114 = arith.constant 0 : i32
      %dma_wait3A_115 = tpu.memref_slice %arg3[%arg1, %dma_wait3A_113, %dma_wait3A_114] : memref<16x80x128xi32, #tpu.memory_space<hbm>> -> memref<1x80x128xi32, #tpu.memory_space<hbm>>
      %dma_wait3A_116 = tpu.memref_squeeze %dma_wait3A_115 : memref<1x80x128xi32, #tpu.memory_space<hbm>> -> memref<80x128xi32, #tpu.memory_space<hbm>>
      tpu.wait_dma2 semaphore(%run_scoped3A : memref<!tpu.dma_semaphore, #tpu.memory_space<semaphore_mem>>) src(%dma_wait3A_116 : memref<80x128xi32, #tpu.memory_space<hbm>>) dst(%arg6 : memref<80x128xi32, #tpu.memory_space<vmem>>)
      tpu.yield
    }) : () -> ()
    %scan3A = arith.constant 0 : i32
    %scan3A_0 = arith.constant 0 : i32
    %scan3A_1 = arith.constant 640 : i32
    %scan3A_2 = arith.addi %scan3A_0, %scan3A_1 : i32
    %scan3A_3 = arith.constant 1 : i32
    %scan3A_4 = scf.for %scan3A_101 = %scan3A_0 to %scan3A_2 step %scan3A_3 iter_args(%scan3A_102 = %scan3A) -> (i32)  : i32 {
      %jit3A = arith.constant 8 : i32
      %div3A = arith.divsi %scan3A_101, %jit3A : i32
      %sign3A = arith.constant 0 : i32
      %sign3A_103 = arith.cmpi sgt, %scan3A_101, %sign3A : i32
      %sign3A_104 = arith.extui %sign3A_103 : i1 to i32
      %sign3A_105 = arith.constant 0 : i32
      %sign3A_106 = arith.cmpi slt, %scan3A_101, %sign3A_105 : i32
      %sign3A_107 = arith.extui %sign3A_106 : i1 to i32
      %sign3A_108 = arith.subi %sign3A_104, %sign3A_107 : i32
      %sign3A_109 = arith.constant 0 : i32
      %sign3A_110 = arith.cmpi sgt, %jit3A, %sign3A_109 : i32
      %sign3A_111 = arith.extui %sign3A_110 : i1 to i32
      %sign3A_112 = arith.constant 0 : i32
      %sign3A_113 = arith.cmpi slt, %jit3A, %sign3A_112 : i32
      %sign3A_114 = arith.extui %sign3A_113 : i1 to i32
      %sign3A_115 = arith.subi %sign3A_111, %sign3A_114 : i32
      %ne3A = arith.cmpi ne, %sign3A_108, %sign3A_115 : i32
      %rem3A = arith.remsi %scan3A_101, %jit3A : i32
      %ne3A_116 = arith.constant 0 : i32
      %ne3A_117 = arith.cmpi ne, %rem3A, %ne3A_116 : i32
      %and3A = arith.andi %ne3A, %ne3A_117 : i1
      %sub3A = arith.constant 1 : i32
      %sub3A_118 = arith.subi %div3A, %sub3A : i32
      %select_n3A = arith.select %and3A, %sub3A_118, %div3A : i32
      %jit3A_119 = arith.constant 8 : i32
      %eq3A = arith.constant 0 : i32
      %eq3A_120 = arith.cmpi eq, %jit3A_119, %eq3A : i32
      %jit3A_121 = arith.constant 1 : i32
      %select_n3A_122 = arith.select %eq3A_120, %jit3A_121, %jit3A_119 : i32
      %rem3A_123 = arith.remsi %scan3A_101, %select_n3A_122 : i32
      %ne3A_124 = arith.constant 0 : i32
      %ne3A_125 = arith.cmpi ne, %rem3A_123, %ne3A_124 : i32
      %lt3A = arith.constant 0 : i32
      %lt3A_126 = arith.cmpi slt, %rem3A_123, %lt3A : i32
      %lt3A_127 = arith.constant 0 : i32
      %lt3A_128 = arith.cmpi slt, %select_n3A_122, %lt3A_127 : i32
      %ne3A_129 = arith.xori %lt3A_126, %lt3A_128 : i1
      %and3A_130 = arith.andi %ne3A_129, %ne3A_125 : i1
      %add3A_131 = arith.addi %rem3A_123, %select_n3A_122 : i32
      %select_n3A_132 = arith.select %and3A_130, %add3A_131, %rem3A_123 : i32
      %mul3A_133 = arith.constant 16 : i32
      %mul3A_134 = arith.muli %select_n3A_132, %mul3A_133 : i32
      %get3A = arith.index_cast %select_n3A : i32 to index
      %get3A_135 = arith.index_cast %mul3A_134 : i32 to index
      %get3A_136 = tpu.vector_load %arg6[%get3A, %get3A_135] {strides = array<i32>} : memref<80x128xi32, #tpu.memory_space<vmem>>, vector<16xi32>,
      %shift_right_logical3A = arith.constant 14 : i32
      %shift_right_logical3A_137 = vector.broadcast %shift_right_logical3A : i32 to vector<16xi32>
      %shift_right_logical3A_138 = arith.shrui %get3A_136, %shift_right_logical3A_137 : vector<16xi32>
      %mul3A_139 = arith.constant 16 : i32
      %mul3A_140 = arith.muli %select_n3A_132, %mul3A_139 : i32
      %swap3A = arith.index_cast %select_n3A : i32 to index
      %swap3A_141 = arith.index_cast %mul3A_140 : i32 to index
      %swap3A_142 = tpu.vector_load %arg5[%swap3A, %swap3A_141] {strides = array<i32>} : memref<80x128xi32, #tpu.memory_space<vmem>>, vector<16xi32>,
      tpu.vector_store %arg5[%swap3A, %swap3A_141], %shift_right_logical3A_138 {strides = array<i32>} : memref<80x128xi32, #tpu.memory_space<vmem>>, vector<16xi32>,
      %and3A_143 = arith.constant 16383 : i32
      %and3A_144 = vector.broadcast %and3A_143 : i32 to vector<16xi32>
      %and3A_145 = arith.andi %get3A_136, %and3A_144 : vector<16xi32>
      %mul3A_146 = arith.constant 16 : i32
      %mul3A_147 = arith.muli %select_n3A_132, %mul3A_146 : i32
      %swap3A_148 = arith.index_cast %select_n3A : i32 to index
      %swap3A_149 = arith.index_cast %mul3A_147 : i32 to index
      %swap3A_150 = tpu.vector_load %arg6[%swap3A_148, %swap3A_149] {strides = array<i32>} : memref<80x128xi32, #tpu.memory_space<vmem>>, vector<16xi32>,
      tpu.vector_store %arg6[%swap3A_148, %swap3A_149], %and3A_145 {strides = array<i32>} : memref<80x128xi32, #tpu.memory_space<vmem>>, vector<16xi32>,
      %scan3A_151 = arith.constant 0 : i32
      scf.yield %scan3A_151 : i32
    }
    %scan3A_5 = arith.constant 640 : i32
    %scan3A_6 = arith.constant 0 : i32
    %scan3A_7 = arith.constant 0 : i32
    %scan3A_8 = arith.constant 128 : i32
    %scan3A_9 = arith.addi %scan3A_7, %scan3A_8 : i32
    %scan3A_10 = arith.constant 1 : i32
    %scan3A_11 = scf.for %scan3A_101 = %scan3A_7 to %scan3A_9 step %scan3A_10 iter_args(%scan3A_102 = %scan3A_6) -> (i32)  : i32 {
      %broadcast_in_dim3A = arith.constant 0.000000e+00 : bf16
      %broadcast_in_dim3A_103 = vector.broadcast %broadcast_in_dim3A : bf16 to vector<32xbf16>
      %swap3A = arith.index_cast %scan3A_101 : i32 to index
      %swap3A_104 = arith.constant 0 : index
      %swap3A_105 = tpu.vector_load %arg7[%swap3A, %swap3A_104] {strides = array<i32>} : memref<128x128xbf16, #tpu.memory_space<vmem>>, vector<32xbf16>,
      tpu.vector_store %arg7[%swap3A, %swap3A_104], %broadcast_in_dim3A_103 {strides = array<i32>} : memref<128x128xbf16, #tpu.memory_space<vmem>>, vector<32xbf16>,
      %broadcast_in_dim3A_106 = arith.constant 0.000000e+00 : bf16
      %broadcast_in_dim3A_107 = vector.broadcast %broadcast_in_dim3A_106 : bf16 to vector<32xbf16>
      %swap3A_108 = arith.index_cast %scan3A_101 : i32 to index
      %swap3A_109 = arith.constant 32 : index
      %swap3A_110 = tpu.vector_load %arg7[%swap3A_108, %swap3A_109] {strides = array<i32>} : memref<128x128xbf16, #tpu.memory_space<vmem>>, vector<32xbf16>,
      tpu.vector_store %arg7[%swap3A_108, %swap3A_109], %broadcast_in_dim3A_107 {strides = array<i32>} : memref<128x128xbf16, #tpu.memory_space<vmem>>, vector<32xbf16>,
      %broadcast_in_dim3A_111 = arith.constant 0.000000e+00 : bf16
      %broadcast_in_dim3A_112 = vector.broadcast %broadcast_in_dim3A_111 : bf16 to vector<32xbf16>
      %swap3A_113 = arith.index_cast %scan3A_101 : i32 to index
      %swap3A_114 = arith.constant 64 : index
      %swap3A_115 = tpu.vector_load %arg7[%swap3A_113, %swap3A_114] {strides = array<i32>} : memref<128x128xbf16, #tpu.memory_space<vmem>>, vector<32xbf16>,
      tpu.vector_store %arg7[%swap3A_113, %swap3A_114], %broadcast_in_dim3A_112 {strides = array<i32>} : memref<128x128xbf16, #tpu.memory_space<vmem>>, vector<32xbf16>,
      %broadcast_in_dim3A_116 = arith.constant 0.000000e+00 : bf16
      %broadcast_in_dim3A_117 = vector.broadcast %broadcast_in_dim3A_116 : bf16 to vector<32xbf16>
      %swap3A_118 = arith.index_cast %scan3A_101 : i32 to index
      %swap3A_119 = arith.constant 96 : index
      %swap3A_120 = tpu.vector_load %arg7[%swap3A_118, %swap3A_119] {strides = array<i32>} : memref<128x128xbf16, #tpu.memory_space<vmem>>, vector<32xbf16>,
      tpu.vector_store %arg7[%swap3A_118, %swap3A_119], %broadcast_in_dim3A_117 {strides = array<i32>} : memref<128x128xbf16, #tpu.memory_space<vmem>>, vector<32xbf16>,
      %scan3A_121 = arith.constant 0 : i32
      scf.yield %scan3A_121 : i32
    }
    %scan3A_12 = arith.constant 128 : i32
    %mul3A = arith.constant 632 : i32
    %mul3A_13 = arith.muli %arg1, %mul3A : i32
    %add3A = arith.constant 0 : i32
    %add3A_14 = arith.addi %mul3A_13, %add3A : i32
    "tpu.region"() ({
      %run_scoped3A = tpu.sem_alloc : memref<!tpu.dma_semaphore, #tpu.memory_space<semaphore_mem>>
      %dma_start3A_101 = arith.constant 0 : i32
      %dma_start3A_102 = tpu.memref_slice %arg15[%add3A_14, %dma_start3A_101] : memref<10112x128xbf16, #tpu.memory_space<vmem_shared>> -> memref<128x128xbf16, #tpu.memory_space<vmem_shared>>
      %dma_start3A_103 = arith.constant 0 : i32
      %dma_start3A_104 = tpu.memref_slice %arg15[%add3A_14, %dma_start3A_103] : memref<10112x128xbf16, #tpu.memory_space<vmem_shared>> -> memref<128x128xbf16, #tpu.memory_space<vmem_shared>>
      tpu.enqueue_dma source(%arg7 : memref<128x128xbf16, #tpu.memory_space<vmem>>) target(%dma_start3A_104 : memref<128x128xbf16, #tpu.memory_space<vmem_shared>>) target_semaphore(%run_scoped3A : memref<!tpu.dma_semaphore, #tpu.memory_space<semaphore_mem>>)
      %dma_wait3A_105 = arith.constant 0 : i32
      %dma_wait3A_106 = tpu.memref_slice %arg15[%add3A_14, %dma_wait3A_105] : memref<10112x128xbf16, #tpu.memory_space<vmem_shared>> -> memref<128x128xbf16, #tpu.memory_space<vmem_shared>>
      %dma_wait3A_107 = arith.constant 0 : i32
      %dma_wait3A_108 = tpu.memref_slice %arg15[%add3A_14, %dma_wait3A_107] : memref<10112x128xbf16, #tpu.memory_space<vmem_shared>> -> memref<128x128xbf16, #tpu.memory_space<vmem_shared>>
      tpu.wait_dma2 semaphore(%run_scoped3A : memref<!tpu.dma_semaphore, #tpu.memory_space<semaphore_mem>>) src(%arg7 : memref<128x128xbf16, #tpu.memory_space<vmem>>) dst(%dma_wait3A_108 : memref<128x128xbf16, #tpu.memory_space<vmem_shared>>)
      tpu.yield
    }) : () -> ()
    %add3A_15 = arith.constant 128 : i32
    %add3A_16 = arith.addi %mul3A_13, %add3A_15 : i32
    "tpu.region"() ({
      %run_scoped3A = tpu.sem_alloc : memref<!tpu.dma_semaphore, #tpu.memory_space<semaphore_mem>>
      %dma_start3A_101 = arith.constant 0 : i32
      %dma_start3A_102 = tpu.memref_slice %arg15[%add3A_16, %dma_start3A_101] : memref<10112x128xbf16, #tpu.memory_space<vmem_shared>> -> memref<128x128xbf16, #tpu.memory_space<vmem_shared>>
      %dma_start3A_103 = arith.constant 0 : i32
      %dma_start3A_104 = tpu.memref_slice %arg15[%add3A_16, %dma_start3A_103] : memref<10112x128xbf16, #tpu.memory_space<vmem_shared>> -> memref<128x128xbf16, #tpu.memory_space<vmem_shared>>
      tpu.enqueue_dma source(%arg7 : memref<128x128xbf16, #tpu.memory_space<vmem>>) target(%dma_start3A_104 : memref<128x128xbf16, #tpu.memory_space<vmem_shared>>) target_semaphore(%run_scoped3A : memref<!tpu.dma_semaphore, #tpu.memory_space<semaphore_mem>>)
      %dma_wait3A_105 = arith.constant 0 : i32
      %dma_wait3A_106 = tpu.memref_slice %arg15[%add3A_16, %dma_wait3A_105] : memref<10112x128xbf16, #tpu.memory_space<vmem_shared>> -> memref<128x128xbf16, #tpu.memory_space<vmem_shared>>
      %dma_wait3A_107 = arith.constant 0 : i32
      %dma_wait3A_108 = tpu.memref_slice %arg15[%add3A_16, %dma_wait3A_107] : memref<10112x128xbf16, #tpu.memory_space<vmem_shared>> -> memref<128x128xbf16, #tpu.memory_space<vmem_shared>>
      tpu.wait_dma2 semaphore(%run_scoped3A : memref<!tpu.dma_semaphore, #tpu.memory_space<semaphore_mem>>) src(%arg7 : memref<128x128xbf16, #tpu.memory_space<vmem>>) dst(%dma_wait3A_108 : memref<128x128xbf16, #tpu.memory_space<vmem_shared>>)
      tpu.yield
    }) : () -> ()
    %add3A_17 = arith.constant 256 : i32
    %add3A_18 = arith.addi %mul3A_13, %add3A_17 : i32
    "tpu.region"() ({
      %run_scoped3A = tpu.sem_alloc : memref<!tpu.dma_semaphore, #tpu.memory_space<semaphore_mem>>
      %dma_start3A_101 = arith.constant 0 : i32
      %dma_start3A_102 = tpu.memref_slice %arg15[%add3A_18, %dma_start3A_101] : memref<10112x128xbf16, #tpu.memory_space<vmem_shared>> -> memref<128x128xbf16, #tpu.memory_space<vmem_shared>>
      %dma_start3A_103 = arith.constant 0 : i32
      %dma_start3A_104 = tpu.memref_slice %arg15[%add3A_18, %dma_start3A_103] : memref<10112x128xbf16, #tpu.memory_space<vmem_shared>> -> memref<128x128xbf16, #tpu.memory_space<vmem_shared>>
      tpu.enqueue_dma source(%arg7 : memref<128x128xbf16, #tpu.memory_space<vmem>>) target(%dma_start3A_104 : memref<128x128xbf16, #tpu.memory_space<vmem_shared>>) target_semaphore(%run_scoped3A : memref<!tpu.dma_semaphore, #tpu.memory_space<semaphore_mem>>)
      %dma_wait3A_105 = arith.constant 0 : i32
      %dma_wait3A_106 = tpu.memref_slice %arg15[%add3A_18, %dma_wait3A_105] : memref<10112x128xbf16, #tpu.memory_space<vmem_shared>> -> memref<128x128xbf16, #tpu.memory_space<vmem_shared>>
      %dma_wait3A_107 = arith.constant 0 : i32
      %dma_wait3A_108 = tpu.memref_slice %arg15[%add3A_18, %dma_wait3A_107] : memref<10112x128xbf16, #tpu.memory_space<vmem_shared>> -> memref<128x128xbf16, #tpu.memory_space<vmem_shared>>
      tpu.wait_dma2 semaphore(%run_scoped3A : memref<!tpu.dma_semaphore, #tpu.memory_space<semaphore_mem>>) src(%arg7 : memref<128x128xbf16, #tpu.memory_space<vmem>>) dst(%dma_wait3A_108 : memref<128x128xbf16, #tpu.memory_space<vmem_shared>>)
      tpu.yield
    }) : () -> ()
    %add3A_19 = arith.constant 384 : i32
    %add3A_20 = arith.addi %mul3A_13, %add3A_19 : i32
    "tpu.region"() ({
      %run_scoped3A = tpu.sem_alloc : memref<!tpu.dma_semaphore, #tpu.memory_space<semaphore_mem>>
      %dma_start3A_101 = arith.constant 0 : i32
      %dma_start3A_102 = tpu.memref_slice %arg15[%add3A_20, %dma_start3A_101] : memref<10112x128xbf16, #tpu.memory_space<vmem_shared>> -> memref<128x128xbf16, #tpu.memory_space<vmem_shared>>
      %dma_start3A_103 = arith.constant 0 : i32
      %dma_start3A_104 = tpu.memref_slice %arg15[%add3A_20, %dma_start3A_103] : memref<10112x128xbf16, #tpu.memory_space<vmem_shared>> -> memref<128x128xbf16, #tpu.memory_space<vmem_shared>>
      tpu.enqueue_dma source(%arg7 : memref<128x128xbf16, #tpu.memory_space<vmem>>) target(%dma_start3A_104 : memref<128x128xbf16, #tpu.memory_space<vmem_shared>>) target_semaphore(%run_scoped3A : memref<!tpu.dma_semaphore, #tpu.memory_space<semaphore_mem>>)
      %dma_wait3A_105 = arith.constant 0 : i32
      %dma_wait3A_106 = tpu.memref_slice %arg15[%add3A_20, %dma_wait3A_105] : memref<10112x128xbf16, #tpu.memory_space<vmem_shared>> -> memref<128x128xbf16, #tpu.memory_space<vmem_shared>>
      %dma_wait3A_107 = arith.constant 0 : i32
      %dma_wait3A_108 = tpu.memref_slice %arg15[%add3A_20, %dma_wait3A_107] : memref<10112x128xbf16, #tpu.memory_space<vmem_shared>> -> memref<128x128xbf16, #tpu.memory_space<vmem_shared>>
      tpu.wait_dma2 semaphore(%run_scoped3A : memref<!tpu.dma_semaphore, #tpu.memory_space<semaphore_mem>>) src(%arg7 : memref<128x128xbf16, #tpu.memory_space<vmem>>) dst(%dma_wait3A_108 : memref<128x128xbf16, #tpu.memory_space<vmem_shared>>)
      tpu.yield
    }) : () -> ()
    %add3A_21 = arith.constant 512 : i32
    %add3A_22 = arith.addi %mul3A_13, %add3A_21 : i32
    "tpu.region"() ({
      %run_scoped3A = tpu.sem_alloc : memref<!tpu.dma_semaphore, #tpu.memory_space<semaphore_mem>>
      %dma_start3A_101 = arith.constant 0 : i32
      %dma_start3A_102 = arith.constant 0 : i32
      %dma_start3A_103 = tpu.memref_slice %arg7[%dma_start3A_101, %dma_start3A_102] : memref<128x128xbf16, #tpu.memory_space<vmem>> -> memref<120x128xbf16, #tpu.memory_space<vmem>>
      %dma_start3A_104 = arith.constant 0 : i32
      %dma_start3A_105 = tpu.memref_slice %arg15[%add3A_22, %dma_start3A_104] : memref<10112x128xbf16, #tpu.memory_space<vmem_shared>> -> memref<120x128xbf16, #tpu.memory_space<vmem_shared>>
      %dma_start3A_106 = arith.constant 0 : i32
      %dma_start3A_107 = tpu.memref_slice %arg15[%add3A_22, %dma_start3A_106] : memref<10112x128xbf16, #tpu.memory_space<vmem_shared>> -> memref<120x128xbf16, #tpu.memory_space<vmem_shared>>
      %dma_start3A_108 = arith.constant 0 : i32
      %dma_start3A_109 = arith.constant 0 : i32
      %dma_start3A_110 = tpu.memref_slice %arg7[%dma_start3A_108, %dma_start3A_109] : memref<128x128xbf16, #tpu.memory_space<vmem>> -> memref<120x128xbf16, #tpu.memory_space<vmem>>
      tpu.enqueue_dma source(%dma_start3A_110 : memref<120x128xbf16, #tpu.memory_space<vmem>>) target(%dma_start3A_107 : memref<120x128xbf16, #tpu.memory_space<vmem_shared>>) target_semaphore(%run_scoped3A : memref<!tpu.dma_semaphore, #tpu.memory_space<semaphore_mem>>)
      %dma_wait3A_111 = arith.constant 0 : i32
      %dma_wait3A_112 = arith.constant 0 : i32
      %dma_wait3A_113 = tpu.memref_slice %arg7[%dma_wait3A_111, %dma_wait3A_112] : memref<128x128xbf16, #tpu.memory_space<vmem>> -> memref<120x128xbf16, #tpu.memory_space<vmem>>
      %dma_wait3A_114 = arith.constant 0 : i32
      %dma_wait3A_115 = tpu.memref_slice %arg15[%add3A_22, %dma_wait3A_114] : memref<10112x128xbf16, #tpu.memory_space<vmem_shared>> -> memref<120x128xbf16, #tpu.memory_space<vmem_shared>>
      %dma_wait3A_116 = arith.constant 0 : i32
      %dma_wait3A_117 = tpu.memref_slice %arg15[%add3A_22, %dma_wait3A_116] : memref<10112x128xbf16, #tpu.memory_space<vmem_shared>> -> memref<120x128xbf16, #tpu.memory_space<vmem_shared>>
      %dma_wait3A_118 = arith.constant 0 : i32
      %dma_wait3A_119 = arith.constant 0 : i32
      %dma_wait3A_120 = tpu.memref_slice %arg7[%dma_wait3A_118, %dma_wait3A_119] : memref<128x128xbf16, #tpu.memory_space<vmem>> -> memref<120x128xbf16, #tpu.memory_space<vmem>>
      tpu.wait_dma2 semaphore(%run_scoped3A : memref<!tpu.dma_semaphore, #tpu.memory_space<semaphore_mem>>) src(%dma_wait3A_120 : memref<120x128xbf16, #tpu.memory_space<vmem>>) dst(%dma_wait3A_117 : memref<120x128xbf16, #tpu.memory_space<vmem_shared>>)
      tpu.yield
    }) : () -> ()
    %barrier3A = arith.constant 0 : index
    tpu.barrier barrier_id(%barrier3A)
    %dma_start3A = arith.constant 0 : i32
    %dma_start3A_23 = arith.constant 0 : i32
    %dma_start3A_24 = tpu.memref_slice %arg5[%dma_start3A, %dma_start3A_23] : memref<80x128xi32, #tpu.memory_space<vmem>> -> memref<1x128xi32, #tpu.memory_space<vmem>>
    %dma_start3A_25 = tpu.memref_squeeze %dma_start3A_24 : memref<1x128xi32, #tpu.memory_space<vmem>> -> memref<128xi32, #tpu.memory_space<vmem>>
    %dma_start3A_26 = arith.constant 0 : i32
    %dma_start3A_27 = arith.constant 0 : i32
    %dma_start3A_28 = tpu.memref_slice %arg2[%arg0, %dma_start3A_26, %dma_start3A_27] : memref<2x10000x128xbf16, #tpu.memory_space<hbm>> -> memref<1x10000x128xbf16, #tpu.memory_space<hbm>>
    %dma_start3A_29 = tpu.memref_squeeze %dma_start3A_28 : memref<1x10000x128xbf16, #tpu.memory_space<hbm>> -> memref<10000x128xbf16, #tpu.memory_space<hbm>>
    %dma_start3A_30 = arith.constant 0 : i32
    %dma_start3A_31 = arith.constant 0 : i32
    %dma_start3A_32 = tpu.memref_slice %dma_start3A_29[%dma_start3A_30, %dma_start3A_31] : memref<10000x128xbf16, #tpu.memory_space<hbm>> -> memref<10000x128xbf16, #tpu.memory_space<hbm>>
    tpu.enqueue_indirect_dma source(%dma_start3A_32 : memref<10000x128xbf16, #tpu.memory_space<hbm>>) target(%arg7 : memref<128x128xbf16, #tpu.memory_space<vmem>>) offsets(%dma_start3A_25 : memref<128xi32, #tpu.memory_space<vmem>>) semaphore(%arg16 : memref<!tpu.dma_semaphore, #tpu.memory_space<semaphore_mem>>)
    %dma_start3A_33 = arith.constant 1 : i32
    %dma_start3A_34 = arith.constant 0 : i32
    %dma_start3A_35 = tpu.memref_slice %arg5[%dma_start3A_33, %dma_start3A_34] : memref<80x128xi32, #tpu.memory_space<vmem>> -> memref<1x128xi32, #tpu.memory_space<vmem>>
    %dma_start3A_36 = tpu.memref_squeeze %dma_start3A_35 : memref<1x128xi32, #tpu.memory_space<vmem>> -> memref<128xi32, #tpu.memory_space<vmem>>
    %dma_start3A_37 = arith.constant 0 : i32
    %dma_start3A_38 = arith.constant 0 : i32
    %dma_start3A_39 = tpu.memref_slice %arg2[%arg0, %dma_start3A_37, %dma_start3A_38] : memref<2x10000x128xbf16, #tpu.memory_space<hbm>> -> memref<1x10000x128xbf16, #tpu.memory_space<hbm>>
    %dma_start3A_40 = tpu.memref_squeeze %dma_start3A_39 : memref<1x10000x128xbf16, #tpu.memory_space<hbm>> -> memref<10000x128xbf16, #tpu.memory_space<hbm>>
    %dma_start3A_41 = arith.constant 0 : i32
    %dma_start3A_42 = arith.constant 0 : i32
    %dma_start3A_43 = tpu.memref_slice %dma_start3A_40[%dma_start3A_41, %dma_start3A_42] : memref<10000x128xbf16, #tpu.memory_space<hbm>> -> memref<10000x128xbf16, #tpu.memory_space<hbm>>
    tpu.enqueue_indirect_dma source(%dma_start3A_43 : memref<10000x128xbf16, #tpu.memory_space<hbm>>) target(%arg8 : memref<128x128xbf16, #tpu.memory_space<vmem>>) offsets(%dma_start3A_36 : memref<128xi32, #tpu.memory_space<vmem>>) semaphore(%arg17 : memref<!tpu.dma_semaphore, #tpu.memory_space<semaphore_mem>>)
    %dma_start3A_44 = arith.constant 2 : i32
    %dma_start3A_45 = arith.constant 0 : i32
    %dma_start3A_46 = tpu.memref_slice %arg5[%dma_start3A_44, %dma_start3A_45] : memref<80x128xi32, #tpu.memory_space<vmem>> -> memref<1x128xi32, #tpu.memory_space<vmem>>
    %dma_start3A_47 = tpu.memref_squeeze %dma_start3A_46 : memref<1x128xi32, #tpu.memory_space<vmem>> -> memref<128xi32, #tpu.memory_space<vmem>>
    %dma_start3A_48 = arith.constant 0 : i32
    %dma_start3A_49 = arith.constant 0 : i32
    %dma_start3A_50 = tpu.memref_slice %arg2[%arg0, %dma_start3A_48, %dma_start3A_49] : memref<2x10000x128xbf16, #tpu.memory_space<hbm>> -> memref<1x10000x128xbf16, #tpu.memory_space<hbm>>
    %dma_start3A_51 = tpu.memref_squeeze %dma_start3A_50 : memref<1x10000x128xbf16, #tpu.memory_space<hbm>> -> memref<10000x128xbf16, #tpu.memory_space<hbm>>
    %dma_start3A_52 = arith.constant 0 : i32
    %dma_start3A_53 = arith.constant 0 : i32
    %dma_start3A_54 = tpu.memref_slice %dma_start3A_51[%dma_start3A_52, %dma_start3A_53] : memref<10000x128xbf16, #tpu.memory_space<hbm>> -> memref<10000x128xbf16, #tpu.memory_space<hbm>>
    tpu.enqueue_indirect_dma source(%dma_start3A_54 : memref<10000x128xbf16, #tpu.memory_space<hbm>>) target(%arg9 : memref<128x128xbf16, #tpu.memory_space<vmem>>) offsets(%dma_start3A_47 : memref<128xi32, #tpu.memory_space<vmem>>) semaphore(%arg18 : memref<!tpu.dma_semaphore, #tpu.memory_space<semaphore_mem>>)
    %dma_start3A_55 = arith.constant 3 : i32
    %dma_start3A_56 = arith.constant 0 : i32
    %dma_start3A_57 = tpu.memref_slice %arg5[%dma_start3A_55, %dma_start3A_56] : memref<80x128xi32, #tpu.memory_space<vmem>> -> memref<1x128xi32, #tpu.memory_space<vmem>>
    %dma_start3A_58 = tpu.memref_squeeze %dma_start3A_57 : memref<1x128xi32, #tpu.memory_space<vmem>> -> memref<128xi32, #tpu.memory_space<vmem>>
    %dma_start3A_59 = arith.constant 0 : i32
    %dma_start3A_60 = arith.constant 0 : i32
    %dma_start3A_61 = tpu.memref_slice %arg2[%arg0, %dma_start3A_59, %dma_start3A_60] : memref<2x10000x128xbf16, #tpu.memory_space<hbm>> -> memref<1x10000x128xbf16, #tpu.memory_space<hbm>>
    %dma_start3A_62 = tpu.memref_squeeze %dma_start3A_61 : memref<1x10000x128xbf16, #tpu.memory_space<hbm>> -> memref<10000x128xbf16, #tpu.memory_space<hbm>>
    %dma_start3A_63 = arith.constant 0 : i32
    %dma_start3A_64 = arith.constant 0 : i32
    %dma_start3A_65 = tpu.memref_slice %dma_start3A_62[%dma_start3A_63, %dma_start3A_64] : memref<10000x128xbf16, #tpu.memory_space<hbm>> -> memref<10000x128xbf16, #tpu.memory_space<hbm>>
    tpu.enqueue_indirect_dma source(%dma_start3A_65 : memref<10000x128xbf16, #tpu.memory_space<hbm>>) target(%arg10 : memref<128x128xbf16, #tpu.memory_space<vmem>>) offsets(%dma_start3A_58 : memref<128xi32, #tpu.memory_space<vmem>>) semaphore(%arg19 : memref<!tpu.dma_semaphore, #tpu.memory_space<semaphore_mem>>)
    %scan3A_66 = arith.constant 0 : i32
    %scan3A_67 = arith.constant 0 : i32
    %scan3A_68 = arith.constant 10 : i32
    %scan3A_69 = arith.addi %scan3A_67, %scan3A_68 : i32
    %scan3A_70 = arith.constant 1 : i32
    %scan3A_71 = scf.for %scan3A_101 = %scan3A_67 to %scan3A_69 step %scan3A_70 iter_args(%scan3A_102 = %scan3A_66) -> (i32)  : i32 {
      %mul3A_103 = arith.constant 8 : i32
      %mul3A_104 = arith.muli %scan3A_101, %mul3A_103 : i32
      %add3A_105 = arith.constant 0 : i32
      %add3A_106 = arith.addi %mul3A_104, %add3A_105 : i32
      %dma_wait3A_107 = arith.constant 0 : i32
      %dma_wait3A_108 = tpu.memref_slice %arg5[%add3A_106, %dma_wait3A_107] : memref<80x128xi32, #tpu.memory_space<vmem>> -> memref<1x128xi32, #tpu.memory_space<vmem>>
      %dma_wait3A_109 = tpu.memref_squeeze %dma_wait3A_108 : memref<1x128xi32, #tpu.memory_space<vmem>> -> memref<128xi32, #tpu.memory_space<vmem>>
      %dma_wait3A_110 = arith.constant 0 : i32
      %dma_wait3A_111 = arith.constant 0 : i32
      %dma_wait3A_112 = tpu.memref_slice %arg2[%arg0, %dma_wait3A_110, %dma_wait3A_111] : memref<2x10000x128xbf16, #tpu.memory_space<hbm>> -> memref<1x10000x128xbf16, #tpu.memory_space<hbm>>
      %dma_wait3A_113 = tpu.memref_squeeze %dma_wait3A_112 : memref<1x10000x128xbf16, #tpu.memory_space<hbm>> -> memref<10000x128xbf16, #tpu.memory_space<hbm>>
      %dma_wait3A_114 = arith.constant 0 : i32
      %dma_wait3A_115 = arith.constant 0 : i32
      %dma_wait3A_116 = tpu.memref_slice %dma_wait3A_113[%dma_wait3A_114, %dma_wait3A_115] : memref<10000x128xbf16, #tpu.memory_space<hbm>> -> memref<10000x128xbf16, #tpu.memory_space<hbm>>
      tpu.wait_indirect_dma semaphore(%arg16 : memref<!tpu.dma_semaphore, #tpu.memory_space<semaphore_mem>>) src(%dma_wait3A_116 : memref<10000x128xbf16, #tpu.memory_space<hbm>>) dst(%arg7 : memref<128x128xbf16, #tpu.memory_space<vmem>>)
      %dma_start3A_117 = arith.constant 0 : i32
      %dma_start3A_118 = tpu.memref_slice %arg6[%add3A_106, %dma_start3A_117] : memref<80x128xi32, #tpu.memory_space<vmem>> -> memref<1x128xi32, #tpu.memory_space<vmem>>
      %dma_start3A_119 = tpu.memref_squeeze %dma_start3A_118 : memref<1x128xi32, #tpu.memory_space<vmem>> -> memref<128xi32, #tpu.memory_space<vmem>>
      %dma_start3A_120 = arith.constant 0 : i32
      %dma_start3A_121 = arith.constant 0 : i32
      %dma_start3A_122 = tpu.memref_slice %arg15[%dma_start3A_120, %dma_start3A_121] : memref<10112x128xbf16, #tpu.memory_space<vmem_shared>> -> memref<10112x128xbf16, #tpu.memory_space<vmem_shared>>
      tpu.enqueue_indirect_dma source(%arg7 : memref<128x128xbf16, #tpu.memory_space<vmem>>) target(%dma_start3A_122 : memref<10112x128xbf16, #tpu.memory_space<vmem_shared>>) offsets(%dma_start3A_119 : memref<128xi32, #tpu.memory_space<vmem>>) semaphore(%arg24 : memref<!tpu.dma_semaphore, #tpu.memory_space<semaphore_mem>>) {add = true}
      %ge3A = arith.constant 4 : i32
      %ge3A_123 = arith.cmpi sge, %add3A_106, %ge3A : i32
      %convert_element_type3A = arith.extui %ge3A_123 : i1 to i32
      %cond3A = arith.constant 0 : i32
      %cond3A_124 = arith.cmpi ne, %convert_element_type3A, %cond3A : i32
      scf.if %cond3A_124 {
        %sub3A = arith.constant 4 : i32
        %sub3A_356 = arith.subi %add3A_106, %sub3A : i32
        %dma_wait3A_357 = arith.constant 0 : i32
        %dma_wait3A_358 = tpu.memref_slice %arg6[%sub3A_356, %dma_wait3A_357] : memref<80x128xi32, #tpu.memory_space<vmem>> -> memref<1x128xi32, #tpu.memory_space<vmem>>
        %dma_wait3A_359 = tpu.memref_squeeze %dma_wait3A_358 : memref<1x128xi32, #tpu.memory_space<vmem>> -> memref<128xi32, #tpu.memory_space<vmem>>
        %dma_wait3A_360 = arith.constant 0 : i32
        %dma_wait3A_361 = arith.constant 0 : i32
        %dma_wait3A_362 = tpu.memref_slice %arg15[%dma_wait3A_360, %dma_wait3A_361] : memref<10112x128xbf16, #tpu.memory_space<vmem_shared>> -> memref<10112x128xbf16, #tpu.memory_space<vmem_shared>>
        tpu.wait_indirect_dma semaphore(%arg28 : memref<!tpu.dma_semaphore, #tpu.memory_space<semaphore_mem>>) src(%arg11 : memref<128x128xbf16, #tpu.memory_space<vmem>>) dst(%dma_wait3A_362 : memref<10112x128xbf16, #tpu.memory_space<vmem_shared>>)
      } else {
      }
      %add3A_125 = arith.constant 4 : i32
      %add3A_126 = arith.addi %add3A_106, %add3A_125 : i32
      %lt3A = arith.constant 80 : i32
      %lt3A_127 = arith.cmpi slt, %add3A_126, %lt3A : i32
      %convert_element_type3A_128 = arith.extui %lt3A_127 : i1 to i32
      %cond3A_129 = arith.constant 0 : i32
      %cond3A_130 = arith.cmpi ne, %convert_element_type3A_128, %cond3A_129 : i32
      scf.if %cond3A_130 {
        %add3A_356 = arith.constant 4 : i32
        %add3A_357 = arith.addi %add3A_106, %add3A_356 : i32
        %dma_start3A_358 = arith.constant 0 : i32
        %dma_start3A_359 = tpu.memref_slice %arg5[%add3A_357, %dma_start3A_358] : memref<80x128xi32, #tpu.memory_space<vmem>> -> memref<1x128xi32, #tpu.memory_space<vmem>>
        %dma_start3A_360 = tpu.memref_squeeze %dma_start3A_359 : memref<1x128xi32, #tpu.memory_space<vmem>> -> memref<128xi32, #tpu.memory_space<vmem>>
        %dma_start3A_361 = arith.constant 0 : i32
        %dma_start3A_362 = arith.constant 0 : i32
        %dma_start3A_363 = tpu.memref_slice %arg2[%arg0, %dma_start3A_361, %dma_start3A_362] : memref<2x10000x128xbf16, #tpu.memory_space<hbm>> -> memref<1x10000x128xbf16, #tpu.memory_space<hbm>>
        %dma_start3A_364 = tpu.memref_squeeze %dma_start3A_363 : memref<1x10000x128xbf16, #tpu.memory_space<hbm>> -> memref<10000x128xbf16, #tpu.memory_space<hbm>>
        %dma_start3A_365 = arith.constant 0 : i32
        %dma_start3A_366 = arith.constant 0 : i32
        %dma_start3A_367 = tpu.memref_slice %dma_start3A_364[%dma_start3A_365, %dma_start3A_366] : memref<10000x128xbf16, #tpu.memory_space<hbm>> -> memref<10000x128xbf16, #tpu.memory_space<hbm>>
        tpu.enqueue_indirect_dma source(%dma_start3A_367 : memref<10000x128xbf16, #tpu.memory_space<hbm>>) target(%arg11 : memref<128x128xbf16, #tpu.memory_space<vmem>>) offsets(%dma_start3A_360 : memref<128xi32, #tpu.memory_space<vmem>>) semaphore(%arg20 : memref<!tpu.dma_semaphore, #tpu.memory_space<semaphore_mem>>)
      } else {
      }
      %mul3A_131 = arith.constant 8 : i32
      %mul3A_132 = arith.muli %scan3A_101, %mul3A_131 : i32
      %add3A_133 = arith.constant 1 : i32
      %add3A_134 = arith.addi %mul3A_132, %add3A_133 : i32
      %dma_wait3A_135 = arith.constant 0 : i32
      %dma_wait3A_136 = tpu.memref_slice %arg5[%add3A_134, %dma_wait3A_135] : memref<80x128xi32, #tpu.memory_space<vmem>> -> memref<1x128xi32, #tpu.memory_space<vmem>>
      %dma_wait3A_137 = tpu.memref_squeeze %dma_wait3A_136 : memref<1x128xi32, #tpu.memory_space<vmem>> -> memref<128xi32, #tpu.memory_space<vmem>>
      %dma_wait3A_138 = arith.constant 0 : i32
      %dma_wait3A_139 = arith.constant 0 : i32
      %dma_wait3A_140 = tpu.memref_slice %arg2[%arg0, %dma_wait3A_138, %dma_wait3A_139] : memref<2x10000x128xbf16, #tpu.memory_space<hbm>> -> memref<1x10000x128xbf16, #tpu.memory_space<hbm>>
      %dma_wait3A_141 = tpu.memref_squeeze %dma_wait3A_140 : memref<1x10000x128xbf16, #tpu.memory_space<hbm>> -> memref<10000x128xbf16, #tpu.memory_space<hbm>>
      %dma_wait3A_142 = arith.constant 0 : i32
      %dma_wait3A_143 = arith.constant 0 : i32
      %dma_wait3A_144 = tpu.memref_slice %dma_wait3A_141[%dma_wait3A_142, %dma_wait3A_143] : memref<10000x128xbf16, #tpu.memory_space<hbm>> -> memref<10000x128xbf16, #tpu.memory_space<hbm>>
      tpu.wait_indirect_dma semaphore(%arg17 : memref<!tpu.dma_semaphore, #tpu.memory_space<semaphore_mem>>) src(%dma_wait3A_144 : memref<10000x128xbf16, #tpu.memory_space<hbm>>) dst(%arg8 : memref<128x128xbf16, #tpu.memory_space<vmem>>)
      %dma_start3A_145 = arith.constant 0 : i32
      %dma_start3A_146 = tpu.memref_slice %arg6[%add3A_134, %dma_start3A_145] : memref<80x128xi32, #tpu.memory_space<vmem>> -> memref<1x128xi32, #tpu.memory_space<vmem>>
      %dma_start3A_147 = tpu.memref_squeeze %dma_start3A_146 : memref<1x128xi32, #tpu.memory_space<vmem>> -> memref<128xi32, #tpu.memory_space<vmem>>
      %dma_start3A_148 = arith.constant 0 : i32
      %dma_start3A_149 = arith.constant 0 : i32
      %dma_start3A_150 = tpu.memref_slice %arg15[%dma_start3A_148, %dma_start3A_149] : memref<10112x128xbf16, #tpu.memory_space<vmem_shared>> -> memref<10112x128xbf16, #tpu.memory_space<vmem_shared>>
      tpu.enqueue_indirect_dma source(%arg8 : memref<128x128xbf16, #tpu.memory_space<vmem>>) target(%dma_start3A_150 : memref<10112x128xbf16, #tpu.memory_space<vmem_shared>>) offsets(%dma_start3A_147 : memref<128xi32, #tpu.memory_space<vmem>>) semaphore(%arg25 : memref<!tpu.dma_semaphore, #tpu.memory_space<semaphore_mem>>) {add = true}
      %ge3A_151 = arith.constant 4 : i32
      %ge3A_152 = arith.cmpi sge, %add3A_134, %ge3A_151 : i32
      %convert_element_type3A_153 = arith.extui %ge3A_152 : i1 to i32
      %cond3A_154 = arith.constant 0 : i32
      %cond3A_155 = arith.cmpi ne, %convert_element_type3A_153, %cond3A_154 : i32
      scf.if %cond3A_155 {
        %sub3A = arith.constant 4 : i32
        %sub3A_356 = arith.subi %add3A_134, %sub3A : i32
        %dma_wait3A_357 = arith.constant 0 : i32
        %dma_wait3A_358 = tpu.memref_slice %arg6[%sub3A_356, %dma_wait3A_357] : memref<80x128xi32, #tpu.memory_space<vmem>> -> memref<1x128xi32, #tpu.memory_space<vmem>>
        %dma_wait3A_359 = tpu.memref_squeeze %dma_wait3A_358 : memref<1x128xi32, #tpu.memory_space<vmem>> -> memref<128xi32, #tpu.memory_space<vmem>>
        %dma_wait3A_360 = arith.constant 0 : i32
        %dma_wait3A_361 = arith.constant 0 : i32
        %dma_wait3A_362 = tpu.memref_slice %arg15[%dma_wait3A_360, %dma_wait3A_361] : memref<10112x128xbf16, #tpu.memory_space<vmem_shared>> -> memref<10112x128xbf16, #tpu.memory_space<vmem_shared>>
        tpu.wait_indirect_dma semaphore(%arg29 : memref<!tpu.dma_semaphore, #tpu.memory_space<semaphore_mem>>) src(%arg12 : memref<128x128xbf16, #tpu.memory_space<vmem>>) dst(%dma_wait3A_362 : memref<10112x128xbf16, #tpu.memory_space<vmem_shared>>)
      } else {
      }
      %add3A_156 = arith.constant 4 : i32
      %add3A_157 = arith.addi %add3A_134, %add3A_156 : i32
      %lt3A_158 = arith.constant 80 : i32
      %lt3A_159 = arith.cmpi slt, %add3A_157, %lt3A_158 : i32
      %convert_element_type3A_160 = arith.extui %lt3A_159 : i1 to i32
      %cond3A_161 = arith.constant 0 : i32
      %cond3A_162 = arith.cmpi ne, %convert_element_type3A_160, %cond3A_161 : i32
      scf.if %cond3A_162 {
        %add3A_356 = arith.constant 4 : i32
        %add3A_357 = arith.addi %add3A_134, %add3A_356 : i32
        %dma_start3A_358 = arith.constant 0 : i32
        %dma_start3A_359 = tpu.memref_slice %arg5[%add3A_357, %dma_start3A_358] : memref<80x128xi32, #tpu.memory_space<vmem>> -> memref<1x128xi32, #tpu.memory_space<vmem>>
        %dma_start3A_360 = tpu.memref_squeeze %dma_start3A_359 : memref<1x128xi32, #tpu.memory_space<vmem>> -> memref<128xi32, #tpu.memory_space<vmem>>
        %dma_start3A_361 = arith.constant 0 : i32
        %dma_start3A_362 = arith.constant 0 : i32
        %dma_start3A_363 = tpu.memref_slice %arg2[%arg0, %dma_start3A_361, %dma_start3A_362] : memref<2x10000x128xbf16, #tpu.memory_space<hbm>> -> memref<1x10000x128xbf16, #tpu.memory_space<hbm>>
        %dma_start3A_364 = tpu.memref_squeeze %dma_start3A_363 : memref<1x10000x128xbf16, #tpu.memory_space<hbm>> -> memref<10000x128xbf16, #tpu.memory_space<hbm>>
        %dma_start3A_365 = arith.constant 0 : i32
        %dma_start3A_366 = arith.constant 0 : i32
        %dma_start3A_367 = tpu.memref_slice %dma_start3A_364[%dma_start3A_365, %dma_start3A_366] : memref<10000x128xbf16, #tpu.memory_space<hbm>> -> memref<10000x128xbf16, #tpu.memory_space<hbm>>
        tpu.enqueue_indirect_dma source(%dma_start3A_367 : memref<10000x128xbf16, #tpu.memory_space<hbm>>) target(%arg12 : memref<128x128xbf16, #tpu.memory_space<vmem>>) offsets(%dma_start3A_360 : memref<128xi32, #tpu.memory_space<vmem>>) semaphore(%arg21 : memref<!tpu.dma_semaphore, #tpu.memory_space<semaphore_mem>>)
      } else {
      }
      %mul3A_163 = arith.constant 8 : i32
      %mul3A_164 = arith.muli %scan3A_101, %mul3A_163 : i32
      %add3A_165 = arith.constant 2 : i32
      %add3A_166 = arith.addi %mul3A_164, %add3A_165 : i32
      %dma_wait3A_167 = arith.constant 0 : i32
      %dma_wait3A_168 = tpu.memref_slice %arg5[%add3A_166, %dma_wait3A_167] : memref<80x128xi32, #tpu.memory_space<vmem>> -> memref<1x128xi32, #tpu.memory_space<vmem>>
      %dma_wait3A_169 = tpu.memref_squeeze %dma_wait3A_168 : memref<1x128xi32, #tpu.memory_space<vmem>> -> memref<128xi32, #tpu.memory_space<vmem>>
      %dma_wait3A_170 = arith.constant 0 : i32
      %dma_wait3A_171 = arith.constant 0 : i32
      %dma_wait3A_172 = tpu.memref_slice %arg2[%arg0, %dma_wait3A_170, %dma_wait3A_171] : memref<2x10000x128xbf16, #tpu.memory_space<hbm>> -> memref<1x10000x128xbf16, #tpu.memory_space<hbm>>
      %dma_wait3A_173 = tpu.memref_squeeze %dma_wait3A_172 : memref<1x10000x128xbf16, #tpu.memory_space<hbm>> -> memref<10000x128xbf16, #tpu.memory_space<hbm>>
      %dma_wait3A_174 = arith.constant 0 : i32
      %dma_wait3A_175 = arith.constant 0 : i32
      %dma_wait3A_176 = tpu.memref_slice %dma_wait3A_173[%dma_wait3A_174, %dma_wait3A_175] : memref<10000x128xbf16, #tpu.memory_space<hbm>> -> memref<10000x128xbf16, #tpu.memory_space<hbm>>
      tpu.wait_indirect_dma semaphore(%arg18 : memref<!tpu.dma_semaphore, #tpu.memory_space<semaphore_mem>>) src(%dma_wait3A_176 : memref<10000x128xbf16, #tpu.memory_space<hbm>>) dst(%arg9 : memref<128x128xbf16, #tpu.memory_space<vmem>>)
      %dma_start3A_177 = arith.constant 0 : i32
      %dma_start3A_178 = tpu.memref_slice %arg6[%add3A_166, %dma_start3A_177] : memref<80x128xi32, #tpu.memory_space<vmem>> -> memref<1x128xi32, #tpu.memory_space<vmem>>
      %dma_start3A_179 = tpu.memref_squeeze %dma_start3A_178 : memref<1x128xi32, #tpu.memory_space<vmem>> -> memref<128xi32, #tpu.memory_space<vmem>>
      %dma_start3A_180 = arith.constant 0 : i32
      %dma_start3A_181 = arith.constant 0 : i32
      %dma_start3A_182 = tpu.memref_slice %arg15[%dma_start3A_180, %dma_start3A_181] : memref<10112x128xbf16, #tpu.memory_space<vmem_shared>> -> memref<10112x128xbf16, #tpu.memory_space<vmem_shared>>
      tpu.enqueue_indirect_dma source(%arg9 : memref<128x128xbf16, #tpu.memory_space<vmem>>) target(%dma_start3A_182 : memref<10112x128xbf16, #tpu.memory_space<vmem_shared>>) offsets(%dma_start3A_179 : memref<128xi32, #tpu.memory_space<vmem>>) semaphore(%arg26 : memref<!tpu.dma_semaphore, #tpu.memory_space<semaphore_mem>>) {add = true}
      %ge3A_183 = arith.constant 4 : i32
      %ge3A_184 = arith.cmpi sge, %add3A_166, %ge3A_183 : i32
      %convert_element_type3A_185 = arith.extui %ge3A_184 : i1 to i32
      %cond3A_186 = arith.constant 0 : i32
      %cond3A_187 = arith.cmpi ne, %convert_element_type3A_185, %cond3A_186 : i32
      scf.if %cond3A_187 {
        %sub3A = arith.constant 4 : i32
        %sub3A_356 = arith.subi %add3A_166, %sub3A : i32
        %dma_wait3A_357 = arith.constant 0 : i32
        %dma_wait3A_358 = tpu.memref_slice %arg6[%sub3A_356, %dma_wait3A_357] : memref<80x128xi32, #tpu.memory_space<vmem>> -> memref<1x128xi32, #tpu.memory_space<vmem>>
        %dma_wait3A_359 = tpu.memref_squeeze %dma_wait3A_358 : memref<1x128xi32, #tpu.memory_space<vmem>> -> memref<128xi32, #tpu.memory_space<vmem>>
        %dma_wait3A_360 = arith.constant 0 : i32
        %dma_wait3A_361 = arith.constant 0 : i32
        %dma_wait3A_362 = tpu.memref_slice %arg15[%dma_wait3A_360, %dma_wait3A_361] : memref<10112x128xbf16, #tpu.memory_space<vmem_shared>> -> memref<10112x128xbf16, #tpu.memory_space<vmem_shared>>
        tpu.wait_indirect_dma semaphore(%arg30 : memref<!tpu.dma_semaphore, #tpu.memory_space<semaphore_mem>>) src(%arg13 : memref<128x128xbf16, #tpu.memory_space<vmem>>) dst(%dma_wait3A_362 : memref<10112x128xbf16, #tpu.memory_space<vmem_shared>>)
      } else {
      }
      %add3A_188 = arith.constant 4 : i32
      %add3A_189 = arith.addi %add3A_166, %add3A_188 : i32
      %lt3A_190 = arith.constant 80 : i32
      %lt3A_191 = arith.cmpi slt, %add3A_189, %lt3A_190 : i32
      %convert_element_type3A_192 = arith.extui %lt3A_191 : i1 to i32
      %cond3A_193 = arith.constant 0 : i32
      %cond3A_194 = arith.cmpi ne, %convert_element_type3A_192, %cond3A_193 : i32
      scf.if %cond3A_194 {
        %add3A_356 = arith.constant 4 : i32
        %add3A_357 = arith.addi %add3A_166, %add3A_356 : i32
        %dma_start3A_358 = arith.constant 0 : i32
        %dma_start3A_359 = tpu.memref_slice %arg5[%add3A_357, %dma_start3A_358] : memref<80x128xi32, #tpu.memory_space<vmem>> -> memref<1x128xi32, #tpu.memory_space<vmem>>
        %dma_start3A_360 = tpu.memref_squeeze %dma_start3A_359 : memref<1x128xi32, #tpu.memory_space<vmem>> -> memref<128xi32, #tpu.memory_space<vmem>>
        %dma_start3A_361 = arith.constant 0 : i32
        %dma_start3A_362 = arith.constant 0 : i32
        %dma_start3A_363 = tpu.memref_slice %arg2[%arg0, %dma_start3A_361, %dma_start3A_362] : memref<2x10000x128xbf16, #tpu.memory_space<hbm>> -> memref<1x10000x128xbf16, #tpu.memory_space<hbm>>
        %dma_start3A_364 = tpu.memref_squeeze %dma_start3A_363 : memref<1x10000x128xbf16, #tpu.memory_space<hbm>> -> memref<10000x128xbf16, #tpu.memory_space<hbm>>
        %dma_start3A_365 = arith.constant 0 : i32
        %dma_start3A_366 = arith.constant 0 : i32
        %dma_start3A_367 = tpu.memref_slice %dma_start3A_364[%dma_start3A_365, %dma_start3A_366] : memref<10000x128xbf16, #tpu.memory_space<hbm>> -> memref<10000x128xbf16, #tpu.memory_space<hbm>>
        tpu.enqueue_indirect_dma source(%dma_start3A_367 : memref<10000x128xbf16, #tpu.memory_space<hbm>>) target(%arg13 : memref<128x128xbf16, #tpu.memory_space<vmem>>) offsets(%dma_start3A_360 : memref<128xi32, #tpu.memory_space<vmem>>) semaphore(%arg22 : memref<!tpu.dma_semaphore, #tpu.memory_space<semaphore_mem>>)
      } else {
      }
      %mul3A_195 = arith.constant 8 : i32
      %mul3A_196 = arith.muli %scan3A_101, %mul3A_195 : i32
      %add3A_197 = arith.constant 3 : i32
      %add3A_198 = arith.addi %mul3A_196, %add3A_197 : i32
      %dma_wait3A_199 = arith.constant 0 : i32
      %dma_wait3A_200 = tpu.memref_slice %arg5[%add3A_198, %dma_wait3A_199] : memref<80x128xi32, #tpu.memory_space<vmem>> -> memref<1x128xi32, #tpu.memory_space<vmem>>
      %dma_wait3A_201 = tpu.memref_squeeze %dma_wait3A_200 : memref<1x128xi32, #tpu.memory_space<vmem>> -> memref<128xi32, #tpu.memory_space<vmem>>
      %dma_wait3A_202 = arith.constant 0 : i32
      %dma_wait3A_203 = arith.constant 0 : i32
      %dma_wait3A_204 = tpu.memref_slice %arg2[%arg0, %dma_wait3A_202, %dma_wait3A_203] : memref<2x10000x128xbf16, #tpu.memory_space<hbm>> -> memref<1x10000x128xbf16, #tpu.memory_space<hbm>>
      %dma_wait3A_205 = tpu.memref_squeeze %dma_wait3A_204 : memref<1x10000x128xbf16, #tpu.memory_space<hbm>> -> memref<10000x128xbf16, #tpu.memory_space<hbm>>
      %dma_wait3A_206 = arith.constant 0 : i32
      %dma_wait3A_207 = arith.constant 0 : i32
      %dma_wait3A_208 = tpu.memref_slice %dma_wait3A_205[%dma_wait3A_206, %dma_wait3A_207] : memref<10000x128xbf16, #tpu.memory_space<hbm>> -> memref<10000x128xbf16, #tpu.memory_space<hbm>>
      tpu.wait_indirect_dma semaphore(%arg19 : memref<!tpu.dma_semaphore, #tpu.memory_space<semaphore_mem>>) src(%dma_wait3A_208 : memref<10000x128xbf16, #tpu.memory_space<hbm>>) dst(%arg10 : memref<128x128xbf16, #tpu.memory_space<vmem>>)
      %dma_start3A_209 = arith.constant 0 : i32
      %dma_start3A_210 = tpu.memref_slice %arg6[%add3A_198, %dma_start3A_209] : memref<80x128xi32, #tpu.memory_space<vmem>> -> memref<1x128xi32, #tpu.memory_space<vmem>>
      %dma_start3A_211 = tpu.memref_squeeze %dma_start3A_210 : memref<1x128xi32, #tpu.memory_space<vmem>> -> memref<128xi32, #tpu.memory_space<vmem>>
      %dma_start3A_212 = arith.constant 0 : i32
      %dma_start3A_213 = arith.constant 0 : i32
      %dma_start3A_214 = tpu.memref_slice %arg15[%dma_start3A_212, %dma_start3A_213] : memref<10112x128xbf16, #tpu.memory_space<vmem_shared>> -> memref<10112x128xbf16, #tpu.memory_space<vmem_shared>>
      tpu.enqueue_indirect_dma source(%arg10 : memref<128x128xbf16, #tpu.memory_space<vmem>>) target(%dma_start3A_214 : memref<10112x128xbf16, #tpu.memory_space<vmem_shared>>) offsets(%dma_start3A_211 : memref<128xi32, #tpu.memory_space<vmem>>) semaphore(%arg27 : memref<!tpu.dma_semaphore, #tpu.memory_space<semaphore_mem>>) {add = true}
      %ge3A_215 = arith.constant 4 : i32
      %ge3A_216 = arith.cmpi sge, %add3A_198, %ge3A_215 : i32
      %convert_element_type3A_217 = arith.extui %ge3A_216 : i1 to i32
      %cond3A_218 = arith.constant 0 : i32
      %cond3A_219 = arith.cmpi ne, %convert_element_type3A_217, %cond3A_218 : i32
      scf.if %cond3A_219 {
        %sub3A = arith.constant 4 : i32
        %sub3A_356 = arith.subi %add3A_198, %sub3A : i32
        %dma_wait3A_357 = arith.constant 0 : i32
        %dma_wait3A_358 = tpu.memref_slice %arg6[%sub3A_356, %dma_wait3A_357] : memref<80x128xi32, #tpu.memory_space<vmem>> -> memref<1x128xi32, #tpu.memory_space<vmem>>
        %dma_wait3A_359 = tpu.memref_squeeze %dma_wait3A_358 : memref<1x128xi32, #tpu.memory_space<vmem>> -> memref<128xi32, #tpu.memory_space<vmem>>
        %dma_wait3A_360 = arith.constant 0 : i32
        %dma_wait3A_361 = arith.constant 0 : i32
        %dma_wait3A_362 = tpu.memref_slice %arg15[%dma_wait3A_360, %dma_wait3A_361] : memref<10112x128xbf16, #tpu.memory_space<vmem_shared>> -> memref<10112x128xbf16, #tpu.memory_space<vmem_shared>>
        tpu.wait_indirect_dma semaphore(%arg31 : memref<!tpu.dma_semaphore, #tpu.memory_space<semaphore_mem>>) src(%arg14 : memref<128x128xbf16, #tpu.memory_space<vmem>>) dst(%dma_wait3A_362 : memref<10112x128xbf16, #tpu.memory_space<vmem_shared>>)
      } else {
      }
      %add3A_220 = arith.constant 4 : i32
      %add3A_221 = arith.addi %add3A_198, %add3A_220 : i32
      %lt3A_222 = arith.constant 80 : i32
      %lt3A_223 = arith.cmpi slt, %add3A_221, %lt3A_222 : i32
      %convert_element_type3A_224 = arith.extui %lt3A_223 : i1 to i32
      %cond3A_225 = arith.constant 0 : i32
      %cond3A_226 = arith.cmpi ne, %convert_element_type3A_224, %cond3A_225 : i32
      scf.if %cond3A_226 {
        %add3A_356 = arith.constant 4 : i32
        %add3A_357 = arith.addi %add3A_198, %add3A_356 : i32
        %dma_start3A_358 = arith.constant 0 : i32
        %dma_start3A_359 = tpu.memref_slice %arg5[%add3A_357, %dma_start3A_358] : memref<80x128xi32, #tpu.memory_space<vmem>> -> memref<1x128xi32, #tpu.memory_space<vmem>>
        %dma_start3A_360 = tpu.memref_squeeze %dma_start3A_359 : memref<1x128xi32, #tpu.memory_space<vmem>> -> memref<128xi32, #tpu.memory_space<vmem>>
        %dma_start3A_361 = arith.constant 0 : i32
        %dma_start3A_362 = arith.constant 0 : i32
        %dma_start3A_363 = tpu.memref_slice %arg2[%arg0, %dma_start3A_361, %dma_start3A_362] : memref<2x10000x128xbf16, #tpu.memory_space<hbm>> -> memref<1x10000x128xbf16, #tpu.memory_space<hbm>>
        %dma_start3A_364 = tpu.memref_squeeze %dma_start3A_363 : memref<1x10000x128xbf16, #tpu.memory_space<hbm>> -> memref<10000x128xbf16, #tpu.memory_space<hbm>>
        %dma_start3A_365 = arith.constant 0 : i32
        %dma_start3A_366 = arith.constant 0 : i32
        %dma_start3A_367 = tpu.memref_slice %dma_start3A_364[%dma_start3A_365, %dma_start3A_366] : memref<10000x128xbf16, #tpu.memory_space<hbm>> -> memref<10000x128xbf16, #tpu.memory_space<hbm>>
        tpu.enqueue_indirect_dma source(%dma_start3A_367 : memref<10000x128xbf16, #tpu.memory_space<hbm>>) target(%arg14 : memref<128x128xbf16, #tpu.memory_space<vmem>>) offsets(%dma_start3A_360 : memref<128xi32, #tpu.memory_space<vmem>>) semaphore(%arg23 : memref<!tpu.dma_semaphore, #tpu.memory_space<semaphore_mem>>)
      } else {
      }
      %mul3A_227 = arith.constant 8 : i32
      %mul3A_228 = arith.muli %scan3A_101, %mul3A_227 : i32
      %add3A_229 = arith.constant 4 : i32
      %add3A_230 = arith.addi %mul3A_228, %add3A_229 : i32
      %dma_wait3A_231 = arith.constant 0 : i32
      %dma_wait3A_232 = tpu.memref_slice %arg5[%add3A_230, %dma_wait3A_231] : memref<80x128xi32, #tpu.memory_space<vmem>> -> memref<1x128xi32, #tpu.memory_space<vmem>>
      %dma_wait3A_233 = tpu.memref_squeeze %dma_wait3A_232 : memref<1x128xi32, #tpu.memory_space<vmem>> -> memref<128xi32, #tpu.memory_space<vmem>>
      %dma_wait3A_234 = arith.constant 0 : i32
      %dma_wait3A_235 = arith.constant 0 : i32
      %dma_wait3A_236 = tpu.memref_slice %arg2[%arg0, %dma_wait3A_234, %dma_wait3A_235] : memref<2x10000x128xbf16, #tpu.memory_space<hbm>> -> memref<1x10000x128xbf16, #tpu.memory_space<hbm>>
      %dma_wait3A_237 = tpu.memref_squeeze %dma_wait3A_236 : memref<1x10000x128xbf16, #tpu.memory_space<hbm>> -> memref<10000x128xbf16, #tpu.memory_space<hbm>>
      %dma_wait3A_238 = arith.constant 0 : i32
      %dma_wait3A_239 = arith.constant 0 : i32
      %dma_wait3A_240 = tpu.memref_slice %dma_wait3A_237[%dma_wait3A_238, %dma_wait3A_239] : memref<10000x128xbf16, #tpu.memory_space<hbm>> -> memref<10000x128xbf16, #tpu.memory_space<hbm>>
      tpu.wait_indirect_dma semaphore(%arg20 : memref<!tpu.dma_semaphore, #tpu.memory_space<semaphore_mem>>) src(%dma_wait3A_240 : memref<10000x128xbf16, #tpu.memory_space<hbm>>) dst(%arg11 : memref<128x128xbf16, #tpu.memory_space<vmem>>)
      %dma_start3A_241 = arith.constant 0 : i32
      %dma_start3A_242 = tpu.memref_slice %arg6[%add3A_230, %dma_start3A_241] : memref<80x128xi32, #tpu.memory_space<vmem>> -> memref<1x128xi32, #tpu.memory_space<vmem>>
      %dma_start3A_243 = tpu.memref_squeeze %dma_start3A_242 : memref<1x128xi32, #tpu.memory_space<vmem>> -> memref<128xi32, #tpu.memory_space<vmem>>
      %dma_start3A_244 = arith.constant 0 : i32
      %dma_start3A_245 = arith.constant 0 : i32
      %dma_start3A_246 = tpu.memref_slice %arg15[%dma_start3A_244, %dma_start3A_245] : memref<10112x128xbf16, #tpu.memory_space<vmem_shared>> -> memref<10112x128xbf16, #tpu.memory_space<vmem_shared>>
      tpu.enqueue_indirect_dma source(%arg11 : memref<128x128xbf16, #tpu.memory_space<vmem>>) target(%dma_start3A_246 : memref<10112x128xbf16, #tpu.memory_space<vmem_shared>>) offsets(%dma_start3A_243 : memref<128xi32, #tpu.memory_space<vmem>>) semaphore(%arg28 : memref<!tpu.dma_semaphore, #tpu.memory_space<semaphore_mem>>) {add = true}
      %ge3A_247 = arith.constant 4 : i32
      %ge3A_248 = arith.cmpi sge, %add3A_230, %ge3A_247 : i32
      %convert_element_type3A_249 = arith.extui %ge3A_248 : i1 to i32
      %cond3A_250 = arith.constant 0 : i32
      %cond3A_251 = arith.cmpi ne, %convert_element_type3A_249, %cond3A_250 : i32
      scf.if %cond3A_251 {
        %sub3A = arith.constant 4 : i32
        %sub3A_356 = arith.subi %add3A_230, %sub3A : i32
        %dma_wait3A_357 = arith.constant 0 : i32
        %dma_wait3A_358 = tpu.memref_slice %arg6[%sub3A_356, %dma_wait3A_357] : memref<80x128xi32, #tpu.memory_space<vmem>> -> memref<1x128xi32, #tpu.memory_space<vmem>>
        %dma_wait3A_359 = tpu.memref_squeeze %dma_wait3A_358 : memref<1x128xi32, #tpu.memory_space<vmem>> -> memref<128xi32, #tpu.memory_space<vmem>>
        %dma_wait3A_360 = arith.constant 0 : i32
        %dma_wait3A_361 = arith.constant 0 : i32
        %dma_wait3A_362 = tpu.memref_slice %arg15[%dma_wait3A_360, %dma_wait3A_361] : memref<10112x128xbf16, #tpu.memory_space<vmem_shared>> -> memref<10112x128xbf16, #tpu.memory_space<vmem_shared>>
        tpu.wait_indirect_dma semaphore(%arg24 : memref<!tpu.dma_semaphore, #tpu.memory_space<semaphore_mem>>) src(%arg7 : memref<128x128xbf16, #tpu.memory_space<vmem>>) dst(%dma_wait3A_362 : memref<10112x128xbf16, #tpu.memory_space<vmem_shared>>)
      } else {
      }
      %add3A_252 = arith.constant 4 : i32
      %add3A_253 = arith.addi %add3A_230, %add3A_252 : i32
      %lt3A_254 = arith.constant 80 : i32
      %lt3A_255 = arith.cmpi slt, %add3A_253, %lt3A_254 : i32
      %convert_element_type3A_256 = arith.extui %lt3A_255 : i1 to i32
      %cond3A_257 = arith.constant 0 : i32
      %cond3A_258 = arith.cmpi ne, %convert_element_type3A_256, %cond3A_257 : i32
      scf.if %cond3A_258 {
        %add3A_356 = arith.constant 4 : i32
        %add3A_357 = arith.addi %add3A_230, %add3A_356 : i32
        %dma_start3A_358 = arith.constant 0 : i32
        %dma_start3A_359 = tpu.memref_slice %arg5[%add3A_357, %dma_start3A_358] : memref<80x128xi32, #tpu.memory_space<vmem>> -> memref<1x128xi32, #tpu.memory_space<vmem>>
        %dma_start3A_360 = tpu.memref_squeeze %dma_start3A_359 : memref<1x128xi32, #tpu.memory_space<vmem>> -> memref<128xi32, #tpu.memory_space<vmem>>
        %dma_start3A_361 = arith.constant 0 : i32
        %dma_start3A_362 = arith.constant 0 : i32
        %dma_start3A_363 = tpu.memref_slice %arg2[%arg0, %dma_start3A_361, %dma_start3A_362] : memref<2x10000x128xbf16, #tpu.memory_space<hbm>> -> memref<1x10000x128xbf16, #tpu.memory_space<hbm>>
        %dma_start3A_364 = tpu.memref_squeeze %dma_start3A_363 : memref<1x10000x128xbf16, #tpu.memory_space<hbm>> -> memref<10000x128xbf16, #tpu.memory_space<hbm>>
        %dma_start3A_365 = arith.constant 0 : i32
        %dma_start3A_366 = arith.constant 0 : i32
        %dma_start3A_367 = tpu.memref_slice %dma_start3A_364[%dma_start3A_365, %dma_start3A_366] : memref<10000x128xbf16, #tpu.memory_space<hbm>> -> memref<10000x128xbf16, #tpu.memory_space<hbm>>
        tpu.enqueue_indirect_dma source(%dma_start3A_367 : memref<10000x128xbf16, #tpu.memory_space<hbm>>) target(%arg7 : memref<128x128xbf16, #tpu.memory_space<vmem>>) offsets(%dma_start3A_360 : memref<128xi32, #tpu.memory_space<vmem>>) semaphore(%arg16 : memref<!tpu.dma_semaphore, #tpu.memory_space<semaphore_mem>>)
      } else {
      }
      %mul3A_259 = arith.constant 8 : i32
      %mul3A_260 = arith.muli %scan3A_101, %mul3A_259 : i32
      %add3A_261 = arith.constant 5 : i32
      %add3A_262 = arith.addi %mul3A_260, %add3A_261 : i32
      %dma_wait3A_263 = arith.constant 0 : i32
      %dma_wait3A_264 = tpu.memref_slice %arg5[%add3A_262, %dma_wait3A_263] : memref<80x128xi32, #tpu.memory_space<vmem>> -> memref<1x128xi32, #tpu.memory_space<vmem>>
      %dma_wait3A_265 = tpu.memref_squeeze %dma_wait3A_264 : memref<1x128xi32, #tpu.memory_space<vmem>> -> memref<128xi32, #tpu.memory_space<vmem>>
      %dma_wait3A_266 = arith.constant 0 : i32
      %dma_wait3A_267 = arith.constant 0 : i32
      %dma_wait3A_268 = tpu.memref_slice %arg2[%arg0, %dma_wait3A_266, %dma_wait3A_267] : memref<2x10000x128xbf16, #tpu.memory_space<hbm>> -> memref<1x10000x128xbf16, #tpu.memory_space<hbm>>
      %dma_wait3A_269 = tpu.memref_squeeze %dma_wait3A_268 : memref<1x10000x128xbf16, #tpu.memory_space<hbm>> -> memref<10000x128xbf16, #tpu.memory_space<hbm>>
      %dma_wait3A_270 = arith.constant 0 : i32
      %dma_wait3A_271 = arith.constant 0 : i32
      %dma_wait3A_272 = tpu.memref_slice %dma_wait3A_269[%dma_wait3A_270, %dma_wait3A_271] : memref<10000x128xbf16, #tpu.memory_space<hbm>> -> memref<10000x128xbf16, #tpu.memory_space<hbm>>
      tpu.wait_indirect_dma semaphore(%arg21 : memref<!tpu.dma_semaphore, #tpu.memory_space<semaphore_mem>>) src(%dma_wait3A_272 : memref<10000x128xbf16, #tpu.memory_space<hbm>>) dst(%arg12 : memref<128x128xbf16, #tpu.memory_space<vmem>>)
      %dma_start3A_273 = arith.constant 0 : i32
      %dma_start3A_274 = tpu.memref_slice %arg6[%add3A_262, %dma_start3A_273] : memref<80x128xi32, #tpu.memory_space<vmem>> -> memref<1x128xi32, #tpu.memory_space<vmem>>
      %dma_start3A_275 = tpu.memref_squeeze %dma_start3A_274 : memref<1x128xi32, #tpu.memory_space<vmem>> -> memref<128xi32, #tpu.memory_space<vmem>>
      %dma_start3A_276 = arith.constant 0 : i32
      %dma_start3A_277 = arith.constant 0 : i32
      %dma_start3A_278 = tpu.memref_slice %arg15[%dma_start3A_276, %dma_start3A_277] : memref<10112x128xbf16, #tpu.memory_space<vmem_shared>> -> memref<10112x128xbf16, #tpu.memory_space<vmem_shared>>
      tpu.enqueue_indirect_dma source(%arg12 : memref<128x128xbf16, #tpu.memory_space<vmem>>) target(%dma_start3A_278 : memref<10112x128xbf16, #tpu.memory_space<vmem_shared>>) offsets(%dma_start3A_275 : memref<128xi32, #tpu.memory_space<vmem>>) semaphore(%arg29 : memref<!tpu.dma_semaphore, #tpu.memory_space<semaphore_mem>>) {add = true}
      %ge3A_279 = arith.constant 4 : i32
      %ge3A_280 = arith.cmpi sge, %add3A_262, %ge3A_279 : i32
      %convert_element_type3A_281 = arith.extui %ge3A_280 : i1 to i32
      %cond3A_282 = arith.constant 0 : i32
      %cond3A_283 = arith.cmpi ne, %convert_element_type3A_281, %cond3A_282 : i32
      scf.if %cond3A_283 {
        %sub3A = arith.constant 4 : i32
        %sub3A_356 = arith.subi %add3A_262, %sub3A : i32
        %dma_wait3A_357 = arith.constant 0 : i32
        %dma_wait3A_358 = tpu.memref_slice %arg6[%sub3A_356, %dma_wait3A_357] : memref<80x128xi32, #tpu.memory_space<vmem>> -> memref<1x128xi32, #tpu.memory_space<vmem>>
        %dma_wait3A_359 = tpu.memref_squeeze %dma_wait3A_358 : memref<1x128xi32, #tpu.memory_space<vmem>> -> memref<128xi32, #tpu.memory_space<vmem>>
        %dma_wait3A_360 = arith.constant 0 : i32
        %dma_wait3A_361 = arith.constant 0 : i32
        %dma_wait3A_362 = tpu.memref_slice %arg15[%dma_wait3A_360, %dma_wait3A_361] : memref<10112x128xbf16, #tpu.memory_space<vmem_shared>> -> memref<10112x128xbf16, #tpu.memory_space<vmem_shared>>
        tpu.wait_indirect_dma semaphore(%arg25 : memref<!tpu.dma_semaphore, #tpu.memory_space<semaphore_mem>>) src(%arg8 : memref<128x128xbf16, #tpu.memory_space<vmem>>) dst(%dma_wait3A_362 : memref<10112x128xbf16, #tpu.memory_space<vmem_shared>>)
      } else {
      }
      %add3A_284 = arith.constant 4 : i32
      %add3A_285 = arith.addi %add3A_262, %add3A_284 : i32
      %lt3A_286 = arith.constant 80 : i32
      %lt3A_287 = arith.cmpi slt, %add3A_285, %lt3A_286 : i32
      %convert_element_type3A_288 = arith.extui %lt3A_287 : i1 to i32
      %cond3A_289 = arith.constant 0 : i32
      %cond3A_290 = arith.cmpi ne, %convert_element_type3A_288, %cond3A_289 : i32
      scf.if %cond3A_290 {
        %add3A_356 = arith.constant 4 : i32
        %add3A_357 = arith.addi %add3A_262, %add3A_356 : i32
        %dma_start3A_358 = arith.constant 0 : i32
        %dma_start3A_359 = tpu.memref_slice %arg5[%add3A_357, %dma_start3A_358] : memref<80x128xi32, #tpu.memory_space<vmem>> -> memref<1x128xi32, #tpu.memory_space<vmem>>
        %dma_start3A_360 = tpu.memref_squeeze %dma_start3A_359 : memref<1x128xi32, #tpu.memory_space<vmem>> -> memref<128xi32, #tpu.memory_space<vmem>>
        %dma_start3A_361 = arith.constant 0 : i32
        %dma_start3A_362 = arith.constant 0 : i32
        %dma_start3A_363 = tpu.memref_slice %arg2[%arg0, %dma_start3A_361, %dma_start3A_362] : memref<2x10000x128xbf16, #tpu.memory_space<hbm>> -> memref<1x10000x128xbf16, #tpu.memory_space<hbm>>
        %dma_start3A_364 = tpu.memref_squeeze %dma_start3A_363 : memref<1x10000x128xbf16, #tpu.memory_space<hbm>> -> memref<10000x128xbf16, #tpu.memory_space<hbm>>
        %dma_start3A_365 = arith.constant 0 : i32
        %dma_start3A_366 = arith.constant 0 : i32
        %dma_start3A_367 = tpu.memref_slice %dma_start3A_364[%dma_start3A_365, %dma_start3A_366] : memref<10000x128xbf16, #tpu.memory_space<hbm>> -> memref<10000x128xbf16, #tpu.memory_space<hbm>>
        tpu.enqueue_indirect_dma source(%dma_start3A_367 : memref<10000x128xbf16, #tpu.memory_space<hbm>>) target(%arg8 : memref<128x128xbf16, #tpu.memory_space<vmem>>) offsets(%dma_start3A_360 : memref<128xi32, #tpu.memory_space<vmem>>) semaphore(%arg17 : memref<!tpu.dma_semaphore, #tpu.memory_space<semaphore_mem>>)
      } else {
      }
      %mul3A_291 = arith.constant 8 : i32
      %mul3A_292 = arith.muli %scan3A_101, %mul3A_291 : i32
      %add3A_293 = arith.constant 6 : i32
      %add3A_294 = arith.addi %mul3A_292, %add3A_293 : i32
      %dma_wait3A_295 = arith.constant 0 : i32
      %dma_wait3A_296 = tpu.memref_slice %arg5[%add3A_294, %dma_wait3A_295] : memref<80x128xi32, #tpu.memory_space<vmem>> -> memref<1x128xi32, #tpu.memory_space<vmem>>
      %dma_wait3A_297 = tpu.memref_squeeze %dma_wait3A_296 : memref<1x128xi32, #tpu.memory_space<vmem>> -> memref<128xi32, #tpu.memory_space<vmem>>
      %dma_wait3A_298 = arith.constant 0 : i32
      %dma_wait3A_299 = arith.constant 0 : i32
      %dma_wait3A_300 = tpu.memref_slice %arg2[%arg0, %dma_wait3A_298, %dma_wait3A_299] : memref<2x10000x128xbf16, #tpu.memory_space<hbm>> -> memref<1x10000x128xbf16, #tpu.memory_space<hbm>>
      %dma_wait3A_301 = tpu.memref_squeeze %dma_wait3A_300 : memref<1x10000x128xbf16, #tpu.memory_space<hbm>> -> memref<10000x128xbf16, #tpu.memory_space<hbm>>
      %dma_wait3A_302 = arith.constant 0 : i32
      %dma_wait3A_303 = arith.constant 0 : i32
      %dma_wait3A_304 = tpu.memref_slice %dma_wait3A_301[%dma_wait3A_302, %dma_wait3A_303] : memref<10000x128xbf16, #tpu.memory_space<hbm>> -> memref<10000x128xbf16, #tpu.memory_space<hbm>>
      tpu.wait_indirect_dma semaphore(%arg22 : memref<!tpu.dma_semaphore, #tpu.memory_space<semaphore_mem>>) src(%dma_wait3A_304 : memref<10000x128xbf16, #tpu.memory_space<hbm>>) dst(%arg13 : memref<128x128xbf16, #tpu.memory_space<vmem>>)
      %dma_start3A_305 = arith.constant 0 : i32
      %dma_start3A_306 = tpu.memref_slice %arg6[%add3A_294, %dma_start3A_305] : memref<80x128xi32, #tpu.memory_space<vmem>> -> memref<1x128xi32, #tpu.memory_space<vmem>>
      %dma_start3A_307 = tpu.memref_squeeze %dma_start3A_306 : memref<1x128xi32, #tpu.memory_space<vmem>> -> memref<128xi32, #tpu.memory_space<vmem>>
      %dma_start3A_308 = arith.constant 0 : i32
      %dma_start3A_309 = arith.constant 0 : i32
      %dma_start3A_310 = tpu.memref_slice %arg15[%dma_start3A_308, %dma_start3A_309] : memref<10112x128xbf16, #tpu.memory_space<vmem_shared>> -> memref<10112x128xbf16, #tpu.memory_space<vmem_shared>>
      tpu.enqueue_indirect_dma source(%arg13 : memref<128x128xbf16, #tpu.memory_space<vmem>>) target(%dma_start3A_310 : memref<10112x128xbf16, #tpu.memory_space<vmem_shared>>) offsets(%dma_start3A_307 : memref<128xi32, #tpu.memory_space<vmem>>) semaphore(%arg30 : memref<!tpu.dma_semaphore, #tpu.memory_space<semaphore_mem>>) {add = true}
      %ge3A_311 = arith.constant 4 : i32
      %ge3A_312 = arith.cmpi sge, %add3A_294, %ge3A_311 : i32
      %convert_element_type3A_313 = arith.extui %ge3A_312 : i1 to i32
      %cond3A_314 = arith.constant 0 : i32
      %cond3A_315 = arith.cmpi ne, %convert_element_type3A_313, %cond3A_314 : i32
      scf.if %cond3A_315 {
        %sub3A = arith.constant 4 : i32
        %sub3A_356 = arith.subi %add3A_294, %sub3A : i32
        %dma_wait3A_357 = arith.constant 0 : i32
        %dma_wait3A_358 = tpu.memref_slice %arg6[%sub3A_356, %dma_wait3A_357] : memref<80x128xi32, #tpu.memory_space<vmem>> -> memref<1x128xi32, #tpu.memory_space<vmem>>
        %dma_wait3A_359 = tpu.memref_squeeze %dma_wait3A_358 : memref<1x128xi32, #tpu.memory_space<vmem>> -> memref<128xi32, #tpu.memory_space<vmem>>
        %dma_wait3A_360 = arith.constant 0 : i32
        %dma_wait3A_361 = arith.constant 0 : i32
        %dma_wait3A_362 = tpu.memref_slice %arg15[%dma_wait3A_360, %dma_wait3A_361] : memref<10112x128xbf16, #tpu.memory_space<vmem_shared>> -> memref<10112x128xbf16, #tpu.memory_space<vmem_shared>>
        tpu.wait_indirect_dma semaphore(%arg26 : memref<!tpu.dma_semaphore, #tpu.memory_space<semaphore_mem>>) src(%arg9 : memref<128x128xbf16, #tpu.memory_space<vmem>>) dst(%dma_wait3A_362 : memref<10112x128xbf16, #tpu.memory_space<vmem_shared>>)
      } else {
      }
      %add3A_316 = arith.constant 4 : i32
      %add3A_317 = arith.addi %add3A_294, %add3A_316 : i32
      %lt3A_318 = arith.constant 80 : i32
      %lt3A_319 = arith.cmpi slt, %add3A_317, %lt3A_318 : i32
      %convert_element_type3A_320 = arith.extui %lt3A_319 : i1 to i32
      %cond3A_321 = arith.constant 0 : i32
      %cond3A_322 = arith.cmpi ne, %convert_element_type3A_320, %cond3A_321 : i32
      scf.if %cond3A_322 {
        %add3A_356 = arith.constant 4 : i32
        %add3A_357 = arith.addi %add3A_294, %add3A_356 : i32
        %dma_start3A_358 = arith.constant 0 : i32
        %dma_start3A_359 = tpu.memref_slice %arg5[%add3A_357, %dma_start3A_358] : memref<80x128xi32, #tpu.memory_space<vmem>> -> memref<1x128xi32, #tpu.memory_space<vmem>>
        %dma_start3A_360 = tpu.memref_squeeze %dma_start3A_359 : memref<1x128xi32, #tpu.memory_space<vmem>> -> memref<128xi32, #tpu.memory_space<vmem>>
        %dma_start3A_361 = arith.constant 0 : i32
        %dma_start3A_362 = arith.constant 0 : i32
        %dma_start3A_363 = tpu.memref_slice %arg2[%arg0, %dma_start3A_361, %dma_start3A_362] : memref<2x10000x128xbf16, #tpu.memory_space<hbm>> -> memref<1x10000x128xbf16, #tpu.memory_space<hbm>>
        %dma_start3A_364 = tpu.memref_squeeze %dma_start3A_363 : memref<1x10000x128xbf16, #tpu.memory_space<hbm>> -> memref<10000x128xbf16, #tpu.memory_space<hbm>>
        %dma_start3A_365 = arith.constant 0 : i32
        %dma_start3A_366 = arith.constant 0 : i32
        %dma_start3A_367 = tpu.memref_slice %dma_start3A_364[%dma_start3A_365, %dma_start3A_366] : memref<10000x128xbf16, #tpu.memory_space<hbm>> -> memref<10000x128xbf16, #tpu.memory_space<hbm>>
        tpu.enqueue_indirect_dma source(%dma_start3A_367 : memref<10000x128xbf16, #tpu.memory_space<hbm>>) target(%arg9 : memref<128x128xbf16, #tpu.memory_space<vmem>>) offsets(%dma_start3A_360 : memref<128xi32, #tpu.memory_space<vmem>>) semaphore(%arg18 : memref<!tpu.dma_semaphore, #tpu.memory_space<semaphore_mem>>)
      } else {
      }
      %mul3A_323 = arith.constant 8 : i32
      %mul3A_324 = arith.muli %scan3A_101, %mul3A_323 : i32
      %add3A_325 = arith.constant 7 : i32
      %add3A_326 = arith.addi %mul3A_324, %add3A_325 : i32
      %dma_wait3A_327 = arith.constant 0 : i32
      %dma_wait3A_328 = tpu.memref_slice %arg5[%add3A_326, %dma_wait3A_327] : memref<80x128xi32, #tpu.memory_space<vmem>> -> memref<1x128xi32, #tpu.memory_space<vmem>>
      %dma_wait3A_329 = tpu.memref_squeeze %dma_wait3A_328 : memref<1x128xi32, #tpu.memory_space<vmem>> -> memref<128xi32, #tpu.memory_space<vmem>>
      %dma_wait3A_330 = arith.constant 0 : i32
      %dma_wait3A_331 = arith.constant 0 : i32
      %dma_wait3A_332 = tpu.memref_slice %arg2[%arg0, %dma_wait3A_330, %dma_wait3A_331] : memref<2x10000x128xbf16, #tpu.memory_space<hbm>> -> memref<1x10000x128xbf16, #tpu.memory_space<hbm>>
      %dma_wait3A_333 = tpu.memref_squeeze %dma_wait3A_332 : memref<1x10000x128xbf16, #tpu.memory_space<hbm>> -> memref<10000x128xbf16, #tpu.memory_space<hbm>>
      %dma_wait3A_334 = arith.constant 0 : i32
      %dma_wait3A_335 = arith.constant 0 : i32
      %dma_wait3A_336 = tpu.memref_slice %dma_wait3A_333[%dma_wait3A_334, %dma_wait3A_335] : memref<10000x128xbf16, #tpu.memory_space<hbm>> -> memref<10000x128xbf16, #tpu.memory_space<hbm>>
      tpu.wait_indirect_dma semaphore(%arg23 : memref<!tpu.dma_semaphore, #tpu.memory_space<semaphore_mem>>) src(%dma_wait3A_336 : memref<10000x128xbf16, #tpu.memory_space<hbm>>) dst(%arg14 : memref<128x128xbf16, #tpu.memory_space<vmem>>)
      %dma_start3A_337 = arith.constant 0 : i32
      %dma_start3A_338 = tpu.memref_slice %arg6[%add3A_326, %dma_start3A_337] : memref<80x128xi32, #tpu.memory_space<vmem>> -> memref<1x128xi32, #tpu.memory_space<vmem>>
      %dma_start3A_339 = tpu.memref_squeeze %dma_start3A_338 : memref<1x128xi32, #tpu.memory_space<vmem>> -> memref<128xi32, #tpu.memory_space<vmem>>
      %dma_start3A_340 = arith.constant 0 : i32
      %dma_start3A_341 = arith.constant 0 : i32
      %dma_start3A_342 = tpu.memref_slice %arg15[%dma_start3A_340, %dma_start3A_341] : memref<10112x128xbf16, #tpu.memory_space<vmem_shared>> -> memref<10112x128xbf16, #tpu.memory_space<vmem_shared>>
      tpu.enqueue_indirect_dma source(%arg14 : memref<128x128xbf16, #tpu.memory_space<vmem>>) target(%dma_start3A_342 : memref<10112x128xbf16, #tpu.memory_space<vmem_shared>>) offsets(%dma_start3A_339 : memref<128xi32, #tpu.memory_space<vmem>>) semaphore(%arg31 : memref<!tpu.dma_semaphore, #tpu.memory_space<semaphore_mem>>) {add = true}
      %ge3A_343 = arith.constant 4 : i32
      %ge3A_344 = arith.cmpi sge, %add3A_326, %ge3A_343 : i32
      %convert_element_type3A_345 = arith.extui %ge3A_344 : i1 to i32
      %cond3A_346 = arith.constant 0 : i32
      %cond3A_347 = arith.cmpi ne, %convert_element_type3A_345, %cond3A_346 : i32
      scf.if %cond3A_347 {
        %sub3A = arith.constant 4 : i32
        %sub3A_356 = arith.subi %add3A_326, %sub3A : i32
        %dma_wait3A_357 = arith.constant 0 : i32
        %dma_wait3A_358 = tpu.memref_slice %arg6[%sub3A_356, %dma_wait3A_357] : memref<80x128xi32, #tpu.memory_space<vmem>> -> memref<1x128xi32, #tpu.memory_space<vmem>>
        %dma_wait3A_359 = tpu.memref_squeeze %dma_wait3A_358 : memref<1x128xi32, #tpu.memory_space<vmem>> -> memref<128xi32, #tpu.memory_space<vmem>>
        %dma_wait3A_360 = arith.constant 0 : i32
        %dma_wait3A_361 = arith.constant 0 : i32
        %dma_wait3A_362 = tpu.memref_slice %arg15[%dma_wait3A_360, %dma_wait3A_361] : memref<10112x128xbf16, #tpu.memory_space<vmem_shared>> -> memref<10112x128xbf16, #tpu.memory_space<vmem_shared>>
        tpu.wait_indirect_dma semaphore(%arg27 : memref<!tpu.dma_semaphore, #tpu.memory_space<semaphore_mem>>) src(%arg10 : memref<128x128xbf16, #tpu.memory_space<vmem>>) dst(%dma_wait3A_362 : memref<10112x128xbf16, #tpu.memory_space<vmem_shared>>)
      } else {
      }
      %add3A_348 = arith.constant 4 : i32
      %add3A_349 = arith.addi %add3A_326, %add3A_348 : i32
      %lt3A_350 = arith.constant 80 : i32
      %lt3A_351 = arith.cmpi slt, %add3A_349, %lt3A_350 : i32
      %convert_element_type3A_352 = arith.extui %lt3A_351 : i1 to i32
      %cond3A_353 = arith.constant 0 : i32
      %cond3A_354 = arith.cmpi ne, %convert_element_type3A_352, %cond3A_353 : i32
      scf.if %cond3A_354 {
        %add3A_356 = arith.constant 4 : i32
        %add3A_357 = arith.addi %add3A_326, %add3A_356 : i32
        %dma_start3A_358 = arith.constant 0 : i32
        %dma_start3A_359 = tpu.memref_slice %arg5[%add3A_357, %dma_start3A_358] : memref<80x128xi32, #tpu.memory_space<vmem>> -> memref<1x128xi32, #tpu.memory_space<vmem>>
        %dma_start3A_360 = tpu.memref_squeeze %dma_start3A_359 : memref<1x128xi32, #tpu.memory_space<vmem>> -> memref<128xi32, #tpu.memory_space<vmem>>
        %dma_start3A_361 = arith.constant 0 : i32
        %dma_start3A_362 = arith.constant 0 : i32
        %dma_start3A_363 = tpu.memref_slice %arg2[%arg0, %dma_start3A_361, %dma_start3A_362] : memref<2x10000x128xbf16, #tpu.memory_space<hbm>> -> memref<1x10000x128xbf16, #tpu.memory_space<hbm>>
        %dma_start3A_364 = tpu.memref_squeeze %dma_start3A_363 : memref<1x10000x128xbf16, #tpu.memory_space<hbm>> -> memref<10000x128xbf16, #tpu.memory_space<hbm>>
        %dma_start3A_365 = arith.constant 0 : i32
        %dma_start3A_366 = arith.constant 0 : i32
        %dma_start3A_367 = tpu.memref_slice %dma_start3A_364[%dma_start3A_365, %dma_start3A_366] : memref<10000x128xbf16, #tpu.memory_space<hbm>> -> memref<10000x128xbf16, #tpu.memory_space<hbm>>
        tpu.enqueue_indirect_dma source(%dma_start3A_367 : memref<10000x128xbf16, #tpu.memory_space<hbm>>) target(%arg10 : memref<128x128xbf16, #tpu.memory_space<vmem>>) offsets(%dma_start3A_360 : memref<128xi32, #tpu.memory_space<vmem>>) semaphore(%arg19 : memref<!tpu.dma_semaphore, #tpu.memory_space<semaphore_mem>>)
      } else {
      }
      %scan3A_355 = arith.constant 0 : i32
      scf.yield %scan3A_355 : i32
    }
    %scan3A_72 = arith.constant 10 : i32
    %dma_wait3A = arith.constant 76 : i32
    %dma_wait3A_73 = arith.constant 0 : i32
    %dma_wait3A_74 = tpu.memref_slice %arg6[%dma_wait3A, %dma_wait3A_73] : memref<80x128xi32, #tpu.memory_space<vmem>> -> memref<1x128xi32, #tpu.memory_space<vmem>>
    %dma_wait3A_75 = tpu.memref_squeeze %dma_wait3A_74 : memref<1x128xi32, #tpu.memory_space<vmem>> -> memref<128xi32, #tpu.memory_space<vmem>>
    %dma_wait3A_76 = arith.constant 0 : i32
    %dma_wait3A_77 = arith.constant 0 : i32
    %dma_wait3A_78 = tpu.memref_slice %arg15[%dma_wait3A_76, %dma_wait3A_77] : memref<10112x128xbf16, #tpu.memory_space<vmem_shared>> -> memref<10112x128xbf16, #tpu.memory_space<vmem_shared>>
    tpu.wait_indirect_dma semaphore(%arg28 : memref<!tpu.dma_semaphore, #tpu.memory_space<semaphore_mem>>) src(%arg11 : memref<128x128xbf16, #tpu.memory_space<vmem>>) dst(%dma_wait3A_78 : memref<10112x128xbf16, #tpu.memory_space<vmem_shared>>)
    %dma_wait3A_79 = arith.constant 77 : i32
    %dma_wait3A_80 = arith.constant 0 : i32
    %dma_wait3A_81 = tpu.memref_slice %arg6[%dma_wait3A_79, %dma_wait3A_80] : memref<80x128xi32, #tpu.memory_space<vmem>> -> memref<1x128xi32, #tpu.memory_space<vmem>>
    %dma_wait3A_82 = tpu.memref_squeeze %dma_wait3A_81 : memref<1x128xi32, #tpu.memory_space<vmem>> -> memref<128xi32, #tpu.memory_space<vmem>>
    %dma_wait3A_83 = arith.constant 0 : i32
    %dma_wait3A_84 = arith.constant 0 : i32
    %dma_wait3A_85 = tpu.memref_slice %arg15[%dma_wait3A_83, %dma_wait3A_84] : memref<10112x128xbf16, #tpu.memory_space<vmem_shared>> -> memref<10112x128xbf16, #tpu.memory_space<vmem_shared>>
    tpu.wait_indirect_dma semaphore(%arg29 : memref<!tpu.dma_semaphore, #tpu.memory_space<semaphore_mem>>) src(%arg12 : memref<128x128xbf16, #tpu.memory_space<vmem>>) dst(%dma_wait3A_85 : memref<10112x128xbf16, #tpu.memory_space<vmem_shared>>)
    %dma_wait3A_86 = arith.constant 78 : i32
    %dma_wait3A_87 = arith.constant 0 : i32
    %dma_wait3A_88 = tpu.memref_slice %arg6[%dma_wait3A_86, %dma_wait3A_87] : memref<80x128xi32, #tpu.memory_space<vmem>> -> memref<1x128xi32, #tpu.memory_space<vmem>>
    %dma_wait3A_89 = tpu.memref_squeeze %dma_wait3A_88 : memref<1x128xi32, #tpu.memory_space<vmem>> -> memref<128xi32, #tpu.memory_space<vmem>>
    %dma_wait3A_90 = arith.constant 0 : i32
    %dma_wait3A_91 = arith.constant 0 : i32
    %dma_wait3A_92 = tpu.memref_slice %arg15[%dma_wait3A_90, %dma_wait3A_91] : memref<10112x128xbf16, #tpu.memory_space<vmem_shared>> -> memref<10112x128xbf16, #tpu.memory_space<vmem_shared>>
    tpu.wait_indirect_dma semaphore(%arg30 : memref<!tpu.dma_semaphore, #tpu.memory_space<semaphore_mem>>) src(%arg13 : memref<128x128xbf16, #tpu.memory_space<vmem>>) dst(%dma_wait3A_92 : memref<10112x128xbf16, #tpu.memory_space<vmem_shared>>)
    %dma_wait3A_93 = arith.constant 79 : i32
    %dma_wait3A_94 = arith.constant 0 : i32
    %dma_wait3A_95 = tpu.memref_slice %arg6[%dma_wait3A_93, %dma_wait3A_94] : memref<80x128xi32, #tpu.memory_space<vmem>> -> memref<1x128xi32, #tpu.memory_space<vmem>>
    %dma_wait3A_96 = tpu.memref_squeeze %dma_wait3A_95 : memref<1x128xi32, #tpu.memory_space<vmem>> -> memref<128xi32, #tpu.memory_space<vmem>>
    %dma_wait3A_97 = arith.constant 0 : i32
    %dma_wait3A_98 = arith.constant 0 : i32
    %dma_wait3A_99 = tpu.memref_slice %arg15[%dma_wait3A_97, %dma_wait3A_98] : memref<10112x128xbf16, #tpu.memory_space<vmem_shared>> -> memref<10112x128xbf16, #tpu.memory_space<vmem_shared>>
    tpu.wait_indirect_dma semaphore(%arg31 : memref<!tpu.dma_semaphore, #tpu.memory_space<semaphore_mem>>) src(%arg14 : memref<128x128xbf16, #tpu.memory_space<vmem>>) dst(%dma_wait3A_99 : memref<10112x128xbf16, #tpu.memory_space<vmem_shared>>)
    %barrier3A_100 = arith.constant 0 : index
    tpu.barrier barrier_id(%barrier3A_100)
    "tpu.region"() ({
      %run_scoped3A = tpu.sem_alloc : memref<!tpu.dma_semaphore, #tpu.memory_space<semaphore_mem>>
      %dma_start3A_101 = arith.constant 0 : i32
      %dma_start3A_102 = arith.constant 0 : i32
      %dma_start3A_103 = tpu.memref_slice %arg4[%arg0, %dma_start3A_101, %dma_start3A_102] : memref<2x10112x128xbf16, #tpu.memory_space<hbm>> -> memref<1x10112x128xbf16, #tpu.memory_space<hbm>>
      %dma_start3A_104 = tpu.memref_squeeze %dma_start3A_103 : memref<1x10112x128xbf16, #tpu.memory_space<hbm>> -> memref<10112x128xbf16, #tpu.memory_space<hbm>>
      %dma_start3A_105 = arith.constant 0 : i32
      %dma_start3A_106 = tpu.memref_slice %dma_start3A_104[%mul3A_13, %dma_start3A_105] : memref<10112x128xbf16, #tpu.memory_space<hbm>> -> memref<632x128xbf16, #tpu.memory_space<hbm>>
      %dma_start3A_107 = arith.constant 0 : i32
      %dma_start3A_108 = tpu.memref_slice %arg15[%mul3A_13, %dma_start3A_107] : memref<10112x128xbf16, #tpu.memory_space<vmem_shared>> -> memref<632x128xbf16, #tpu.memory_space<vmem_shared>>
      tpu.enqueue_dma source(%dma_start3A_108 : memref<632x128xbf16, #tpu.memory_space<vmem_shared>>) target(%dma_start3A_106 : memref<632x128xbf16, #tpu.memory_space<hbm>>) target_semaphore(%run_scoped3A : memref<!tpu.dma_semaphore, #tpu.memory_space<semaphore_mem>>)
      %dma_wait3A_109 = arith.constant 0 : i32
      %dma_wait3A_110 = arith.constant 0 : i32
      %dma_wait3A_111 = tpu.memref_slice %arg4[%arg0, %dma_wait3A_109, %dma_wait3A_110] : memref<2x10112x128xbf16, #tpu.memory_space<hbm>> -> memref<1x10112x128xbf16, #tpu.memory_space<hbm>>
      %dma_wait3A_112 = tpu.memref_squeeze %dma_wait3A_111 : memref<1x10112x128xbf16, #tpu.memory_space<hbm>> -> memref<10112x128xbf16, #tpu.memory_space<hbm>>
      %dma_wait3A_113 = arith.constant 0 : i32
      %dma_wait3A_114 = tpu.memref_slice %dma_wait3A_112[%mul3A_13, %dma_wait3A_113] : memref<10112x128xbf16, #tpu.memory_space<hbm>> -> memref<632x128xbf16, #tpu.memory_space<hbm>>
      %dma_wait3A_115 = arith.constant 0 : i32
      %dma_wait3A_116 = tpu.memref_slice %arg15[%mul3A_13, %dma_wait3A_115] : memref<10112x128xbf16, #tpu.memory_space<vmem_shared>> -> memref<632x128xbf16, #tpu.memory_space<vmem_shared>>
      tpu.wait_dma2 semaphore(%run_scoped3A : memref<!tpu.dma_semaphore, #tpu.memory_space<semaphore_mem>>) src(%dma_wait3A_116 : memref<632x128xbf16, #tpu.memory_space<vmem_shared>>) dst(%dma_wait3A_114 : memref<632x128xbf16, #tpu.memory_space<hbm>>)
      tpu.yield
    }) : () -> ()
    return
  }
}

module attributes {stable_mosaic.version = 14 : i64} {
  func.func @_mm1_body(%arg0: i32, %arg1: i32, %arg2: memref<2000x32xf32, #tpu.memory_space<vmem>>, %arg3: memref<2000x256xf32, #tpu.memory_space<vmem>>, %arg4: memref<1x256x128xf32, #tpu.memory_space<vmem>>, %arg5: memref<1x2000x128xbf16, #tpu.memory_space<vmem>>) attributes {dimension_semantics = [#tpu.dimension_semantics<arbitrary>, #tpu.dimension_semantics<arbitrary>], iteration_bounds = array<i64: 2, 5>, scalar_prefetch = 0 : i64, scratch_operands = 0 : i64, tpu.core_type = #tpu.core_type<tc>, window_params = [{transform_indices = @transform_0, window_bounds = array<i64: 2000, 32>}, {transform_indices = @transform_1, window_bounds = array<i64: 2000, 256>}, {transform_indices = @transform_2, window_bounds = array<i64: 1, 256, 128>}, {transform_indices = @transform_3, window_bounds = array<i64: 1, 2000, 128>}]} {
    %get3A = arith.constant 0 : index
    %get3A_0 = arith.constant 0 : index
    %get3A_1 = vector.load %arg2[%get3A, %get3A_0] : memref<2000x32xf32, #tpu.memory_space<vmem>>, vector<2000x32xf32>
    %reduce_sum3A = arith.constant dense<0.000000e+00> : vector<2000xf32>
    %reduce_sum3A_2 = vector.multi_reduction <add>, %get3A_1, %reduce_sum3A [1] : vector<2000x32xf32> to vector<2000xf32>
    %add3A = arith.constant 1.000000e+00 : f32
    %add3A_3 = vector.broadcast %add3A : f32 to vector<2000xf32>
    %add3A_4 = arith.addf %reduce_sum3A_2, %add3A_3 : vector<2000xf32>
    %rsqrt3A = math.rsqrt %add3A_4 : vector<2000xf32>
    %get3A_5 = arith.constant 0 : index
    %get3A_6 = arith.constant 0 : index
    %get3A_7 = vector.load %arg3[%get3A_5, %get3A_6] : memref<2000x256xf32, #tpu.memory_space<vmem>>, vector<2000x256xf32>
    %get3A_8 = arith.constant 0 : index
    %get3A_9 = arith.constant 0 : index
    %get3A_10 = arith.constant 0 : index
    %get3A_11 = vector.load %arg4[%get3A_8, %get3A_9, %get3A_10] : memref<1x256x128xf32, #tpu.memory_space<vmem>>, vector<1x256x128xf32>
    %get3A_12 = vector.shape_cast %get3A_11 : vector<1x256x128xf32> to vector<256x128xf32>
    %dot_general3A = arith.constant dense<0.000000e+00> : vector<2000x128xf32>
    %dot_general3A_13 = tpu.matmul %get3A_7, %get3A_12, %dot_general3A {dimension_numbers = #tpu.dot_dimension_numbers<[1], [0], [0], [1], [0, 0, 1, 1], [], []>, transpose_lhs_hint = false} : vector<2000x256xf32>, vector<256x128xf32>, vector<2000x128xf32> -> vector<2000x128xf32>
    %broadcast_in_dim3A = vector.shape_cast %rsqrt3A : vector<2000xf32> to vector<2000x1xf32>
    %mul3A = vector.broadcast %broadcast_in_dim3A : vector<2000x1xf32> to vector<2000x128xf32>
    %mul3A_14 = arith.mulf %dot_general3A_13, %mul3A : vector<2000x128xf32>
    %convert_element_type3A = arith.truncf %mul3A_14 : vector<2000x128xf32> to vector<2000x128xbf16>
    %swap3A = arith.constant 0 : index
    %swap3A_15 = arith.constant 0 : index
    %swap3A_16 = arith.constant 0 : index
    %swap3A_17 = vector.load %arg5[%swap3A, %swap3A_15, %swap3A_16] : memref<1x2000x128xbf16, #tpu.memory_space<vmem>>, vector<1x2000x128xbf16>
    %swap3A_18 = vector.shape_cast %swap3A_17 : vector<1x2000x128xbf16> to vector<2000x128xbf16>
    %swap3A_19 = vector.shape_cast %convert_element_type3A : vector<2000x128xbf16> to vector<1x2000x128xbf16>
    tpu.vector_store %arg5[%swap3A, %swap3A_15, %swap3A_16], %swap3A_19 {strides = array<i32>} : memref<1x2000x128xbf16, #tpu.memory_space<vmem>>, vector<1x2000x128xbf16>,
    return
  }
  func.func @transform_0(%arg0: i32, %arg1: i32) -> (i32, i32) {
    %c0_i32 = arith.constant 0 : i32
    %c0_i32_0 = arith.constant 0 : i32
    return %arg1, %c0_i32 : i32, i32
  }
  func.func @transform_1(%arg0: i32, %arg1: i32) -> (i32, i32) {
    %c0_i32 = arith.constant 0 : i32
    %c0_i32_0 = arith.constant 0 : i32
    return %arg1, %c0_i32 : i32, i32
  }
  func.func @transform_2(%arg0: i32, %arg1: i32) -> (i32, i32, i32) {
    %c0_i32 = arith.constant 0 : i32
    %c0_i32_0 = arith.constant 0 : i32
    %c0_i32_1 = arith.constant 0 : i32
    return %arg0, %c0_i32, %c0_i32_0 : i32, i32, i32
  }
  func.func @transform_3(%arg0: i32, %arg1: i32) -> (i32, i32, i32) {
    %c0_i32 = arith.constant 0 : i32
    %c0_i32_0 = arith.constant 0 : i32
    return %arg0, %arg1, %c0_i32 : i32, i32, i32
  }
}

module attributes {stable_mosaic.version = 14 : i64} {
  func.func @_mm2_body(%arg0: i32, %arg1: i32, %arg2: memref<2000x32xf32, #tpu.memory_space<vmem>>, %arg3: memref<2x2000x128xbf16, #tpu.memory_space<vmem>>, %arg4: memref<2x2000x128xbf16, #tpu.memory_space<vmem>>, %arg5: memref<256xf32, #tpu.memory_space<vmem>>, %arg6: memref<1x256x64xf32, #tpu.memory_space<vmem>>, %arg7: memref<1x2000x64xbf16, #tpu.memory_space<vmem>>) attributes {dimension_semantics = [#tpu.dimension_semantics<arbitrary>, #tpu.dimension_semantics<arbitrary>], iteration_bounds = array<i64: 2, 5>, scalar_prefetch = 0 : i64, scratch_operands = 0 : i64, tpu.core_type = #tpu.core_type<tc>, window_params = [{transform_indices = @transform_0, window_bounds = array<i64: 2000, 32>}, {transform_indices = @transform_1, window_bounds = array<i64: 2, 2000, 128>}, {transform_indices = @transform_2, window_bounds = array<i64: 2, 2000, 128>}, {pipeline_mode = #tpu.pipeline_mode<synchronous>, transform_indices = @transform_3, window_bounds = array<i64: 256>}, {transform_indices = @transform_4, window_bounds = array<i64: 1, 256, 64>}, {transform_indices = @transform_5, window_bounds = array<i64: 1, 2000, 64>}]} {
    %get3A = arith.constant 0 : index
    %get3A_0 = arith.constant 0 : index
    %get3A_1 = vector.load %arg2[%get3A, %get3A_0] : memref<2000x32xf32, #tpu.memory_space<vmem>>, vector<2000x32xf32>
    %reduce_sum3A = arith.constant dense<0.000000e+00> : vector<2000xf32>
    %reduce_sum3A_2 = vector.multi_reduction <add>, %get3A_1, %reduce_sum3A [1] : vector<2000x32xf32> to vector<2000xf32>
    %add3A = arith.constant 1.000000e+00 : f32
    %add3A_3 = vector.broadcast %add3A : f32 to vector<2000xf32>
    %add3A_4 = arith.addf %reduce_sum3A_2, %add3A_3 : vector<2000xf32>
    %rsqrt3A = math.rsqrt %add3A_4 : vector<2000xf32>
    %get3A_5 = arith.constant 0 : index
    %get3A_6 = arith.constant 0 : index
    %get3A_7 = arith.constant 0 : index
    %get3A_8 = vector.load %arg3[%get3A_5, %get3A_6, %get3A_7] : memref<2x2000x128xbf16, #tpu.memory_space<vmem>>, vector<1x2000x128xbf16>
    %get3A_9 = vector.shape_cast %get3A_8 : vector<1x2000x128xbf16> to vector<2000x128xbf16>
    %get3A_10 = arith.constant 1 : index
    %get3A_11 = arith.constant 0 : index
    %get3A_12 = arith.constant 0 : index
    %get3A_13 = vector.load %arg3[%get3A_10, %get3A_11, %get3A_12] : memref<2x2000x128xbf16, #tpu.memory_space<vmem>>, vector<1x2000x128xbf16>
    %get3A_14 = vector.shape_cast %get3A_13 : vector<1x2000x128xbf16> to vector<2000x128xbf16>
    %concatenate3A = tpu.concatenate %get3A_9, %get3A_14 in 1 : vector<2000x128xbf16>, vector<2000x128xbf16> -> vector<2000x256xbf16>
    %convert_element_type3A = arith.extf %concatenate3A : vector<2000x256xbf16> to vector<2000x256xf32>
    %get3A_15 = arith.constant 0 : index
    %get3A_16 = arith.constant 0 : index
    %get3A_17 = arith.constant 0 : index
    %get3A_18 = vector.load %arg4[%get3A_15, %get3A_16, %get3A_17] : memref<2x2000x128xbf16, #tpu.memory_space<vmem>>, vector<1x2000x128xbf16>
    %get3A_19 = vector.shape_cast %get3A_18 : vector<1x2000x128xbf16> to vector<2000x128xbf16>
    %get3A_20 = arith.constant 1 : index
    %get3A_21 = arith.constant 0 : index
    %get3A_22 = arith.constant 0 : index
    %get3A_23 = vector.load %arg4[%get3A_20, %get3A_21, %get3A_22] : memref<2x2000x128xbf16, #tpu.memory_space<vmem>>, vector<1x2000x128xbf16>
    %get3A_24 = vector.shape_cast %get3A_23 : vector<1x2000x128xbf16> to vector<2000x128xbf16>
    %concatenate3A_25 = tpu.concatenate %get3A_19, %get3A_24 in 1 : vector<2000x128xbf16>, vector<2000x128xbf16> -> vector<2000x256xbf16>
    %convert_element_type3A_26 = arith.extf %concatenate3A_25 : vector<2000x256xbf16> to vector<2000x256xf32>
    %broadcast_in_dim3A = vector.shape_cast %rsqrt3A : vector<2000xf32> to vector<2000x1xf32>
    %add3A_27 = arith.addf %convert_element_type3A, %convert_element_type3A_26 : vector<2000x256xf32>
    %mul3A = vector.broadcast %broadcast_in_dim3A : vector<2000x1xf32> to vector<2000x256xf32>
    %mul3A_28 = arith.mulf %mul3A, %add3A_27 : vector<2000x256xf32>
    %get3A_29 = arith.constant 0 : index
    %get3A_30 = vector.load %arg5[%get3A_29] : memref<256xf32, #tpu.memory_space<vmem>>, vector<256xf32>
    %broadcast_in_dim3A_31 = vector.shape_cast %get3A_30 : vector<256xf32> to vector<1x256xf32>
    %add3A_32 = vector.broadcast %broadcast_in_dim3A_31 : vector<1x256xf32> to vector<2000x256xf32>
    %add3A_33 = arith.addf %mul3A_28, %add3A_32 : vector<2000x256xf32>
    %max3A = arith.constant 0.000000e+00 : f32
    %max3A_34 = vector.broadcast %max3A : f32 to vector<2000x256xf32>
    %max3A_35 = arith.maximumf %add3A_33, %max3A_34 : vector<2000x256xf32>
    %get3A_36 = arith.constant 0 : index
    %get3A_37 = arith.constant 0 : index
    %get3A_38 = arith.constant 0 : index
    %get3A_39 = vector.load %arg6[%get3A_36, %get3A_37, %get3A_38] : memref<1x256x64xf32, #tpu.memory_space<vmem>>, vector<1x256x64xf32>
    %get3A_40 = vector.shape_cast %get3A_39 : vector<1x256x64xf32> to vector<256x64xf32>
    %dot_general3A = arith.constant dense<0.000000e+00> : vector<2000x64xf32>
    %dot_general3A_41 = tpu.matmul %max3A_35, %get3A_40, %dot_general3A {dimension_numbers = #tpu.dot_dimension_numbers<[1], [0], [0], [1], [0, 0, 1, 1], [], []>, transpose_lhs_hint = false} : vector<2000x256xf32>, vector<256x64xf32>, vector<2000x64xf32> -> vector<2000x64xf32>
    %broadcast_in_dim3A_42 = vector.shape_cast %rsqrt3A : vector<2000xf32> to vector<2000x1xf32>
    %mul3A_43 = vector.broadcast %broadcast_in_dim3A_42 : vector<2000x1xf32> to vector<2000x64xf32>
    %mul3A_44 = arith.mulf %dot_general3A_41, %mul3A_43 : vector<2000x64xf32>
    %convert_element_type3A_45 = arith.truncf %mul3A_44 : vector<2000x64xf32> to vector<2000x64xbf16>
    %swap3A = arith.constant 0 : index
    %swap3A_46 = arith.constant 0 : index
    %swap3A_47 = arith.constant 0 : index
    %swap3A_48 = vector.load %arg7[%swap3A, %swap3A_46, %swap3A_47] : memref<1x2000x64xbf16, #tpu.memory_space<vmem>>, vector<1x2000x64xbf16>
    %swap3A_49 = vector.shape_cast %swap3A_48 : vector<1x2000x64xbf16> to vector<2000x64xbf16>
    %swap3A_50 = vector.shape_cast %convert_element_type3A_45 : vector<2000x64xbf16> to vector<1x2000x64xbf16>
    tpu.vector_store %arg7[%swap3A, %swap3A_46, %swap3A_47], %swap3A_50 {strides = array<i32>} : memref<1x2000x64xbf16, #tpu.memory_space<vmem>>, vector<1x2000x64xbf16>,
    return
  }
  func.func @transform_0(%arg0: i32, %arg1: i32) -> (i32, i32) {
    %c0_i32 = arith.constant 0 : i32
    %c0_i32_0 = arith.constant 0 : i32
    return %arg1, %c0_i32 : i32, i32
  }
  func.func @transform_1(%arg0: i32, %arg1: i32) -> (i32, i32, i32) {
    %c0_i32 = arith.constant 0 : i32
    %c0_i32_0 = arith.constant 0 : i32
    %c0_i32_1 = arith.constant 0 : i32
    return %c0_i32, %arg1, %c0_i32_0 : i32, i32, i32
  }
  func.func @transform_2(%arg0: i32, %arg1: i32) -> (i32, i32, i32) {
    %c0_i32 = arith.constant 0 : i32
    %c0_i32_0 = arith.constant 0 : i32
    %c0_i32_1 = arith.constant 0 : i32
    return %c0_i32, %arg1, %c0_i32_0 : i32, i32, i32
  }
  func.func @transform_3(%arg0: i32, %arg1: i32) -> i32 {
    %c0_i32 = arith.constant 0 : i32
    %c0_i32_0 = arith.constant 0 : i32
    return %c0_i32 : i32
  }
  func.func @transform_4(%arg0: i32, %arg1: i32) -> (i32, i32, i32) {
    %c0_i32 = arith.constant 0 : i32
    %c0_i32_0 = arith.constant 0 : i32
    %c0_i32_1 = arith.constant 0 : i32
    return %arg0, %c0_i32, %c0_i32_0 : i32, i32, i32
  }
  func.func @transform_5(%arg0: i32, %arg1: i32) -> (i32, i32, i32) {
    %c0_i32 = arith.constant 0 : i32
    %c0_i32_0 = arith.constant 0 : i32
    return %arg0, %arg1, %c0_i32 : i32, i32, i32
  }
}

module attributes {stable_mosaic.version = 14 : i64} {
  func.func @_mm3_body(%arg0: i32, %arg1: memref<2000x32xf32, #tpu.memory_space<vmem>>, %arg2: memref<2x2000x64xbf16, #tpu.memory_space<vmem>>, %arg3: memref<2x2000x64xbf16, #tpu.memory_space<vmem>>, %arg4: memref<128xf32, #tpu.memory_space<vmem>>, %arg5: memref<2000x128xf32, #tpu.memory_space<vmem>>) attributes {dimension_semantics = [#tpu.dimension_semantics<arbitrary>], iteration_bounds = array<i64: 5>, scalar_prefetch = 0 : i64, scratch_operands = 0 : i64, tpu.core_type = #tpu.core_type<tc>, window_params = [{transform_indices = @transform_0, window_bounds = array<i64: 2000, 32>}, {transform_indices = @transform_1, window_bounds = array<i64: 2, 2000, 64>}, {transform_indices = @transform_2, window_bounds = array<i64: 2, 2000, 64>}, {pipeline_mode = #tpu.pipeline_mode<synchronous>, transform_indices = @transform_3, window_bounds = array<i64: 128>}, {transform_indices = @transform_4, window_bounds = array<i64: 2000, 128>}]} {
    %get3A = arith.constant 0 : index
    %get3A_0 = arith.constant 0 : index
    %get3A_1 = vector.load %arg1[%get3A, %get3A_0] : memref<2000x32xf32, #tpu.memory_space<vmem>>, vector<2000x32xf32>
    %reduce_sum3A = arith.constant dense<0.000000e+00> : vector<2000xf32>
    %reduce_sum3A_2 = vector.multi_reduction <add>, %get3A_1, %reduce_sum3A [1] : vector<2000x32xf32> to vector<2000xf32>
    %add3A = arith.constant 1.000000e+00 : f32
    %add3A_3 = vector.broadcast %add3A : f32 to vector<2000xf32>
    %add3A_4 = arith.addf %reduce_sum3A_2, %add3A_3 : vector<2000xf32>
    %rsqrt3A = math.rsqrt %add3A_4 : vector<2000xf32>
    %get3A_5 = arith.constant 0 : index
    %get3A_6 = arith.constant 0 : index
    %get3A_7 = arith.constant 0 : index
    %get3A_8 = vector.load %arg2[%get3A_5, %get3A_6, %get3A_7] : memref<2x2000x64xbf16, #tpu.memory_space<vmem>>, vector<1x2000x64xbf16>
    %get3A_9 = vector.shape_cast %get3A_8 : vector<1x2000x64xbf16> to vector<2000x64xbf16>
    %get3A_10 = arith.constant 1 : index
    %get3A_11 = arith.constant 0 : index
    %get3A_12 = arith.constant 0 : index
    %get3A_13 = vector.load %arg2[%get3A_10, %get3A_11, %get3A_12] : memref<2x2000x64xbf16, #tpu.memory_space<vmem>>, vector<1x2000x64xbf16>
    %get3A_14 = vector.shape_cast %get3A_13 : vector<1x2000x64xbf16> to vector<2000x64xbf16>
    %concatenate3A = tpu.concatenate %get3A_9, %get3A_14 in 1 : vector<2000x64xbf16>, vector<2000x64xbf16> -> vector<2000x128xbf16>
    %convert_element_type3A = arith.extf %concatenate3A : vector<2000x128xbf16> to vector<2000x128xf32>
    %get3A_15 = arith.constant 0 : index
    %get3A_16 = arith.constant 0 : index
    %get3A_17 = arith.constant 0 : index
    %get3A_18 = vector.load %arg3[%get3A_15, %get3A_16, %get3A_17] : memref<2x2000x64xbf16, #tpu.memory_space<vmem>>, vector<1x2000x64xbf16>
    %get3A_19 = vector.shape_cast %get3A_18 : vector<1x2000x64xbf16> to vector<2000x64xbf16>
    %get3A_20 = arith.constant 1 : index
    %get3A_21 = arith.constant 0 : index
    %get3A_22 = arith.constant 0 : index
    %get3A_23 = vector.load %arg3[%get3A_20, %get3A_21, %get3A_22] : memref<2x2000x64xbf16, #tpu.memory_space<vmem>>, vector<1x2000x64xbf16>
    %get3A_24 = vector.shape_cast %get3A_23 : vector<1x2000x64xbf16> to vector<2000x64xbf16>
    %concatenate3A_25 = tpu.concatenate %get3A_19, %get3A_24 in 1 : vector<2000x64xbf16>, vector<2000x64xbf16> -> vector<2000x128xbf16>
    %convert_element_type3A_26 = arith.extf %concatenate3A_25 : vector<2000x128xbf16> to vector<2000x128xf32>
    %broadcast_in_dim3A = vector.shape_cast %rsqrt3A : vector<2000xf32> to vector<2000x1xf32>
    %add3A_27 = arith.addf %convert_element_type3A, %convert_element_type3A_26 : vector<2000x128xf32>
    %mul3A = vector.broadcast %broadcast_in_dim3A : vector<2000x1xf32> to vector<2000x128xf32>
    %mul3A_28 = arith.mulf %mul3A, %add3A_27 : vector<2000x128xf32>
    %get3A_29 = arith.constant 0 : index
    %get3A_30 = vector.load %arg4[%get3A_29] : memref<128xf32, #tpu.memory_space<vmem>>, vector<128xf32>
    %broadcast_in_dim3A_31 = vector.shape_cast %get3A_30 : vector<128xf32> to vector<1x128xf32>
    %add3A_32 = vector.broadcast %broadcast_in_dim3A_31 : vector<1x128xf32> to vector<2000x128xf32>
    %add3A_33 = arith.addf %mul3A_28, %add3A_32 : vector<2000x128xf32>
    %reduce_max3A = arith.constant dense<0xFF800000> : vector<2000xf32>
    %reduce_max3A_34 = vector.multi_reduction <maximumf>, %add3A_33, %reduce_max3A [1] : vector<2000x128xf32> to vector<2000xf32>
    %broadcast_in_dim3A_35 = vector.shape_cast %reduce_max3A_34 : vector<2000xf32> to vector<2000x1xf32>
    %sub3A = vector.broadcast %broadcast_in_dim3A_35 : vector<2000x1xf32> to vector<2000x128xf32>
    %sub3A_36 = arith.subf %add3A_33, %sub3A : vector<2000x128xf32>
    %exp3A = math.exp %sub3A_36 : vector<2000x128xf32>
    %reduce_sum3A_37 = arith.constant dense<0.000000e+00> : vector<2000xf32>
    %reduce_sum3A_38 = vector.multi_reduction <add>, %exp3A, %reduce_sum3A_37 [1] : vector<2000x128xf32> to vector<2000xf32>
    %broadcast_in_dim3A_39 = vector.shape_cast %reduce_sum3A_38 : vector<2000xf32> to vector<2000x1xf32>
    %log3A = math.log %broadcast_in_dim3A_39 : vector<2000x1xf32>
    %sub3A_40 = vector.broadcast %log3A : vector<2000x1xf32> to vector<2000x128xf32>
    %sub3A_41 = arith.subf %sub3A_36, %sub3A_40 : vector<2000x128xf32>
    %swap3A = arith.constant 0 : index
    %swap3A_42 = arith.constant 0 : index
    %swap3A_43 = vector.load %arg5[%swap3A, %swap3A_42] : memref<2000x128xf32, #tpu.memory_space<vmem>>, vector<2000x128xf32>
    tpu.vector_store %arg5[%swap3A, %swap3A_42], %sub3A_41 {strides = array<i32>} : memref<2000x128xf32, #tpu.memory_space<vmem>>, vector<2000x128xf32>,
    return
  }
  func.func @transform_0(%arg0: i32) -> (i32, i32) {
    %c0_i32 = arith.constant 0 : i32
    %c0_i32_0 = arith.constant 0 : i32
    return %arg0, %c0_i32 : i32, i32
  }
  func.func @transform_1(%arg0: i32) -> (i32, i32, i32) {
    %c0_i32 = arith.constant 0 : i32
    %c0_i32_0 = arith.constant 0 : i32
    %c0_i32_1 = arith.constant 0 : i32
    return %c0_i32, %arg0, %c0_i32_0 : i32, i32, i32
  }
  func.func @transform_2(%arg0: i32) -> (i32, i32, i32) {
    %c0_i32 = arith.constant 0 : i32
    %c0_i32_0 = arith.constant 0 : i32
    %c0_i32_1 = arith.constant 0 : i32
    return %c0_i32, %arg0, %c0_i32_0 : i32, i32, i32
  }
  func.func @transform_3(%arg0: i32) -> i32 {
    %c0_i32 = arith.constant 0 : i32
    %c0_i32_0 = arith.constant 0 : i32
    return %c0_i32 : i32
  }
  func.func @transform_4(%arg0: i32) -> (i32, i32) {
    %c0_i32 = arith.constant 0 : i32
    %c0_i32_0 = arith.constant 0 : i32
    return %arg0, %c0_i32 : i32, i32
  }
}

</mosaic_0001>

<sc_bundles>
// kernel: kernel.11.cloned.1.call-start
scs
__scs_entry_jumppad:
0x0: {  	(pc) =	sbr.rel $0x88, $3  }
0x1: {  	(tag) =	ssettag $0x0;
	lr =	simm.s32 $0x1  }
0x2: {  	[smem:$0x3F9B] =	sst lr;
	_ =	strace $0xD0000000  }
0x3: {  	_ = 	snop  }
0x4: {  	_ = 	snop  }
0x5: {  	_ = 	snop  }
0x6: {  	_ = 	snop  }
0x7: {  	_ = 	snop  }
__scs_overlays_trampoline_lowered:
0x8: {  	[smem:$0x3FAA] =	sst s0  }
0x9: {  	[smem:$0x3FAB] =	sst s1  }
0xa: {  	[smem:$0x3FAC] =	sst s2  }
0xb: {  	[smem:$0x3FAD] =	sst s3  }
0xc: {  	[smem:$0x3FAE] =	sst s4  }
0xd: {  	[smem:$0x3FAF] =	sst s5  }
0xe: {  	[smem:$0x3FB0] =	sst s6  }
0xf: {  	[smem:$0x3FB1] =	sst s7  }
0x10: {  	[smem:$0x3FB2] =	sst s8  }
0x11: {  	[smem:$0x3FB3] =	sst s9;
	s0 =	simm.s32 @!p0 $0x0  }
0x12: {  	s1 =	sld [smem:$0x3F99];
	s0 =	simm.s32 @p0 $0x1  }
0x13: {  	[smem:$0x3FB4] =	sst s0;
	s0 =	simm.s32 @!p1 $0x0  }
0x14: {  	s2 =	sld [smem:$0x3F98];
	s0 =	simm.s32 @p1 $0x1  }
0x15: {  	[smem:$0x3FB5] =	sst s0;
	s0 =	simm.s32 @!p2 $0x0  }
0x16: {  	s3 =	sld [smem:$0x3FDB];
	s0 =	simm.s32 @p2 $0x1  }
0x17: {  	s4 =	simm.s32 $0x1BF5;
	[smem:$0x3FB7] =	sst s0  }
0x18: {  	s0 =	sld [smem:$0x3F9A];
	_ =	swait.ge [sflag:s4], $0x0  }
0x19: {  	s7 =	sld [smem:$0x3F9B]  }
0x1a: {  	s8 =	sadd.s32 $0xFFFFE003, lr  }
0x1b: {  	s9 =	sadd.s32 $0xFFFFFEF7, lr;
	s5 =	simm.s32 $0xFFFFFFFF;
	p2 =	slt.u32 s8, $0xFFFFF086  }
0x1c: {  	p1 =	slt.u32 s9, $0xF7A;
	s5 =	simm.s32 @!p2 $0x0  }
0x1d: {  	s5 =	simm.s32 @p1 $0x1;
	p0 =	seq.s32 s7, s2  }
0x1e: {  	s7 =	smul.u32 @!p0 $0xF7A, s2;
	p2 =	seq.s32 @!p0 s5, $0x0  }
0x1f: {  	s9 =	smul.u32 $0xF7A, s1;
	s8 =	simm.s32 @!p0 $0x1BF5;
	p2 =	por !p2, p0  }
0x20: {  	[sflag:s8] =	ssyncset.s32 @!p0 $0xFFFFF086;
	s6 =	sadd.s32 @!p0 s3, s7;
	s7 =	simm.s32 @!p0 $0x108  }
0x21: {  	s3 =	sadd.s32 s3, s9;
	s6 =	sadd.s32 @!p0 $0x88, s6;
	s7 =	simm.s32 @p2 $0x1082  }
0x22: {  	[simem:s7], [sflag:s8] =	dma.local @!p0 [hbm:s6], $0xF7A  }
0x23: {  	s9 =	sor.u32 $0xD0000000, s2;
	s6 =	simm.s32 $0x108;
	_ =	swait.ge @!p0 [sflag:s8], $0x0  }
0x24: {  	s3 =	sadd.s32 $0x88, s3;
	s6 =	simm.s32 @!p1 $0x1082;
	[sflag:s4] =	ssyncset.s32 $0xFFFFF086  }
0x25: {  	[simem:s6], [sflag:s4] =	dma.local [hbm:s3], $0xF7A  }
0x26: {  	[smem:$0x3F9B] =	sst s1;
	(tag) =	ssettag s2;
	_ =	strace s9  }
0x27: {  	s1 =	sld [smem:$0x3FAB]  }
0x28: {  	s2 =	sld [smem:$0x3FAC]  }
0x29: {  	s4 =	sld [smem:$0x3FAE]  }
0x2a: {  	p0 =	seq.s32 s5, $0x0;
	s5 =	sld [smem:$0x3FAF]  }
0x2b: {  	s6 =	sld [smem:$0x3FB0]  }
0x2c: {  	s7 =	sld [smem:$0x3FB1]  }
0x2d: {  	s3 =	simm.s32 $0x108;
	s8 =	sld [smem:$0x3FB2]  }
0x2e: {  	s3 =	simm.s32 @!p0 $0x1082;
	s9 =	sld [smem:$0x3FB3]  }
0x2f: {  	lr =	sadd.s32 s0, s3;
	s0 =	sld [smem:$0x3FAA]  }
0x30: {  	s3 =	sld [smem:$0x3FAD]  }
0x31: {  	[smem:$0x3FB6] =	sst s10  }
0x32: {  	s10 =	sld [smem:$0x3FB4];
	_ =	sdelay $0x3  }
0x33: {  	p0 =	seq.s32 s10, $0x1;
	s10 =	sld [smem:$0x3FB6];
	_ =	sdelay $0x3  }
0x34: {  	[smem:$0x3FB6] =	sst s10  }
0x35: {  	s10 =	sld [smem:$0x3FB5];
	_ =	sdelay $0x3  }
0x36: {  	p1 =	seq.s32 s10, $0x1;
	s10 =	sld [smem:$0x3FB6];
	_ =	sdelay $0x3  }
0x37: {  	[smem:$0x3FB6] =	sst s10  }
0x38: {  	s10 =	sld [smem:$0x3FB7]  }
0x39: {  	_ = 	snop;
	(pc) =	sbr.ind lr, $3  }
0x3a: {  	_ = 	snop  }
0x3b: {  	_ = 	snop  }
0x3c: {  	p2 =	seq.s32 s10, $0x1;
	s10 =	sld [smem:$0x3FB6]  }
0x3d: {  	_ =	shalt  }
0x3e: {  	_ =	shalt  }
0x3f: {  	_ =	shalt  }
0x40: {  	_ =	shalt  }
0x41: {  	_ =	shalt  }
0x42: {  	_ =	shalt  }
0x43: {  	_ =	shalt  }
0x44: {  	_ =	shalt  }
0x45: {  	_ =	shalt  }
0x46: {  	_ =	shalt  }
0x47: {  	_ =	shalt  }
0x48: {  	_ =	shalt  }
0x49: {  	_ =	shalt  }
0x4a: {  	_ =	shalt  }
0x4b: {  	_ =	shalt  }
0x4c: {  	_ =	shalt  }
0x4d: {  	_ =	shalt  }
0x4e: {  	_ =	shalt  }
0x4f: {  	_ =	shalt  }
0x50: {  	_ =	shalt  }
0x51: {  	_ =	shalt  }
0x52: {  	_ =	shalt  }
0x53: {  	_ =	shalt  }
0x54: {  	_ =	shalt  }
0x55: {  	_ =	shalt  }
0x56: {  	_ =	shalt  }
0x57: {  	_ =	shalt  }
0x58: {  	_ =	shalt  }
0x59: {  	_ =	shalt  }
0x5a: {  	_ =	shalt  }
0x5b: {  	_ =	shalt  }
0x5c: {  	_ =	shalt  }
0x5d: {  	_ =	shalt  }
0x5e: {  	_ =	shalt  }
0x5f: {  	_ =	shalt  }
0x60: {  	_ =	shalt  }
0x61: {  	_ =	shalt  }
0x62: {  	_ =	shalt  }
0x63: {  	_ =	shalt  }
0x64: {  	_ =	shalt  }
0x65: {  	_ =	shalt  }
0x66: {  	_ =	shalt  }
0x67: {  	_ =	shalt  }
0x68: {  	_ =	shalt  }
0x69: {  	_ =	shalt  }
0x6a: {  	_ =	shalt  }
0x6b: {  	_ =	shalt  }
0x6c: {  	_ =	shalt  }
0x6d: {  	_ =	shalt  }
0x6e: {  	_ =	shalt  }
0x6f: {  	_ =	shalt  }
0x70: {  	_ =	shalt  }
0x71: {  	_ =	shalt  }
0x72: {  	_ =	shalt  }
0x73: {  	_ =	shalt  }
0x74: {  	_ =	shalt  }
0x75: {  	_ =	shalt  }
0x76: {  	_ =	shalt  }
0x77: {  	_ =	shalt  }
0x78: {  	_ =	shalt  }
0x79: {  	_ =	shalt  }
0x7a: {  	_ =	shalt  }
0x7b: {  	_ =	shalt  }
0x7c: {  	_ =	shalt  }
0x7d: {  	_ =	shalt  }
0x7e: {  	_ =	shalt  }
0x7f: {  	_ =	shalt  }
0x80: {  	_ =	shalt  }
0x81: {  	_ =	shalt  }
0x82: {  	_ =	shalt  }
0x83: {  	_ =	shalt  }
0x84: {  	_ =	shalt  }
0x85: {  	_ =	shalt  }
0x86: {  	_ =	shalt  }
0x87: {  	_ =	shalt  }
.Lfunc_end0:
.L_simem_size_0:
called_computation.1_lowered:
.L_overlay_start_0:
0x88: {  	s2 =	sld [smem:$0x3FD9]  }
0x89: {  	s3 =	sld [smem:$0x3FFE];
	_ =	sdelay $0x1  }
0x8a: {  	s1 =	srdreg.scid  }
0x8b: {  	s0 =	sand.u32 $0x1, s1  }
0x8c: {  	s17 =	sshll.u32 s0, $0xA;
	s2 =	sadd.s32 s3, s2  }
0x8d: {  	s2 =	sadd.s32 s2, s17  }
0x8e: {  	[smem:$0x3FC2] =	sst s2  }
0x8f: {  	_ = 	snop  }
0x90: {  	s2 =	sld [smem:$0x3FD0];
	(tm) =	ssettm $0x1  }
0x91: {  	s18 =	sld [smem:$0x3FFB];
	_ =	sdelay $0x3  }
0x92: {  	_ =	strace s18  }
0x93: {  	s3 =	sld [smem:$0x3FFC];
	_ =	sdelay $0x3  }
0x94: {  	_ =	strace s3  }
0x95: {  	s3 =	sld [smem:$0x3FFD];
	_ =	sdelay $0x3  }
0x96: {  	_ =	strace s3  }
0x97: {  	_ =	strace $0x8FFFFFFF  }
0x98: {  	s19 =	sld [smem:$0x3FDB];
	_ =	sdelay $0x1  }
0x99: {  	s4 =	simm.s32 $_scs_section_size  }
0x9a: {  	s5 =	simm.s32 $_size__tile_overlayer_lowered;
	s6 =	simm.s32 $_tile_overlayer_lowered  }
0x9b: {  	s22 =	simm.s32 $0x1BFF;
	s21 =	sshll.u32 s6, $0x1;
	s3 =	sadd.s32 s4, s19  }
0x9c: {  	s7 =	simm.s32 $0x0;
	s20 =	sshll.u32 s5, $0x1;
	s5 =	sadd.s32 s21, s3  }
0x9d: {  	[timem:s7], [sflag:s22] =	dma.local [hbm:s5], s20  }
0x9e: {  	_ =	swait.ge [sflag:s22], s20  }
0x9f: {  	s4 =	ssub.s32 $0x0, s20;
	[sflag:s22] =	ssyncset.done $0x0  }
0xa0: {  	[sflag:s22] =	ssyncadd.s32 s4;
	_ =	sdelay $0x1  }
0xa1: {  	s23 =	simm.s32 $0x1B8B  }
0xa2: {  	_ =	swait.ge [sflag:s23], $0x1  }
0xa3: {  	[sflag:s23] =	ssyncset.done $0x0  }
0xa4: {  	s25 =	simm.s32 $0x1B8E;
	s24 =	sld [smem:$0x3FFE];
	[sflag:s23] =	ssyncadd.s32 $0xFFFFFFFF  }
0xa5: {  	s26 =	simm.s32 $execute0_lowered;
	[smem:$0x3FD2] =	sst s25  }
0xa6: {  	s5 =	sshll.u32 s26, $0x1;
	_ =	strace $0x80000049;
	[dreg:$0x1] =	wrdreg $0xFFFFFFFF  }
0xa7: {  	s28 =	simm.s32 $_size_execute0_lowered;
	s3 =	sadd.s32 s3, s5;
	[dreg:$0x0] =	wrdreg $0x0  }
0xa8: {  	s5 =	sshll.u32 s28, $0x1;
	[dreg:$0x2] =	wrdreg s3  }
0xa9: {  	[dreg:$0x3] =	wrdreg s5  }
0xaa: {  	[dreg:$0x4] =	wrdreg $0xC0  }
0xab: {  	_ =	task [dreg:s7], $0x5FFFF  }
0xac: {  	[dreg:$0x1] =	wrdreg $0xFFFFFFFF  }
0xad: {  	[dreg:$0x0] =	wrdreg $0x60  }
0xae: {  	[dreg:$0x2] =	wrdreg s2  }
0xaf: {  	[dreg:$0x3] =	wrdreg s24  }
0xb0: {  	[dreg:$0x4] =	wrdreg $0x150000  }
0xb1: {  	[dreg:$0x5] =	wrdreg $0x9  }
0xb2: {  	_ =	task.clear_ibuf [dreg:s7], $0x6FFFF;
	_ =	strace $0x90000049  }
0xb3: {  	s29 =	simm.s32 $0x9;
	_ =	strace $0x8000004B  }
0xb4: {  	_ =	swait.ge [sflag:s29], $0x1  }
0xb5: {  	[sflag:s29] =	ssyncadd.s32 $0xFFFFFFFF  }
0xb6: {  	_ =	strace $0x9000004B  }
0xb7: {  	_ =	sfence  }
0xb8: {  	s30 =	sld [smem:$0x0];
	_ =	sdelay $0x2  }
0xb9: {  	s31 =	sshll.u32 s1, $0xD;
	s1 =	sshrl.u32 s1, $0x2  }
0xba: {  	s3 =	sand.u32 $0x4000, s31;
	s1 =	sadd.s32 s1, s30  }
0xbb: {  	s0 =	sor.u32 s3, s0;
	s1 =	sshll.u32 s1, $0x11  }
0xbc: {  	s0 =	sor.u32 s1, s0  }
0xbd: {  	s0 =	sadd.s32 $0x8F2B, s0  }
0xbe: {  	[sflag:s0] =	ssyncadd.remote.s32 $0x1  }
0xbf: {  	_ =	sfence.sel $0xFFFF  }
0xc0: {  	[dreg:$0x0] =	wrdreg $0xFFFFFFFF;
	(pc) =	sbr.abs _section_cstart, $3  }
0xc1: {  	[dreg:$0x1] =	wrdreg $0xFFFFFFFF  }
0xc2: {  	_ =	task.clear_ibuf [dreg:s7], $0x2FFFF;
	_ =	strace $0x9FFFFFFF  }
0xc3: {  	(tm) =	ssettm $0x7FFFFFFF  }
tec
execute0_lowered:
.L_overlay_start_1:
0x0: {  	(tag) =	ssettag $0x1  }
0x1: {  	s0 =	rddreg [dreg:$0x0]  }
0x2: {  	s1 =	rddreg [dreg:$0x1]  }
0x3: {  	s2 =	rddreg [dreg:$0x2]  }
0x4: {  	s9 =	stileid.u32;
	s3 =	srdreg.scid;
	s5 =	simm.s32 $0x0  }
0x5: {  	s13 =	simm.s32 $0x11;
	s14 =	simm.s32 $0x5000;
	s15 =	simm.s32 $0x80  }
0x6: {  	s16 =	simm.s32 $0x7000;
	s28 =	simm.s32 $0x11000;
	s4 =	smul.u32 $0x500, s9  }
0x7: {  	s29 =	simm.s32 $0x4;
	s30 =	simm.s32 $0x13000;
	s7 =	smul.u32 $0x27800, s9  }
0x8: {  	s31 =	simm.s32 $0x5;
	s3 =	sand.u32 $0x1, s3;
	s9 =	smul.u32 $0x13C00, s9  }
0x9: {  	s12 =	simm.s32 $0xB;
	[smem:$0x7FF] =	sst s5;
	s17 =	smul.u32 $0x13C00, s3  }
0xa: {  	_ =	strace $0x8000004A;
	s6 =	ssub.s32 $0x2, s3;
	s3 =	smul.u32 $0x13880, s3  }
0xb: {  	s4 =	sadd.s32 s4, s1;
	s8 =	sshrl.u32 s6, $0x1;
	s18 =	sshrl.u32 s7, $0x2  }
0xc: {  	s19 =	sshrl.u32 s9, $0x1;
	s25 =	sshrl.u32 s9, $0x4;
	s1 =	sadd.s32 s17, s1  }
0xd: {  	s6 =	ssub.s32 s6, s8;
	s4 =	sadd.s32 $0x6E00, s4;
	s7 =	sadd.s32 s18, s2  }
0xe: {  	s5 =	sadd.s32 s19, s2;
	s10 =	sadd.s32 s0, s3;
	s18 =	simm.s32 $0x9000  }
0xf: {  	s3 =	simm.s32 $0x7;
	[dreg:$0x4] =	wrdreg s4;
	s20 =	sadd.s32 $0x2000, s7  }
0x10: {  	s17 =	simm.s32 $0xC;
	s21 =	sadd.s32 $0x4000, s7;
	[dreg:$0x5] =	wrdreg s20  }
0x11: {  	s8 =	simm.s32 $0x0;
	s22 =	sadd.s32 $0x6000, s7;
	[dreg:$0x6] =	wrdreg s21  }
0x12: {  	s23 =	sadd.s32 $0x8000, s7;
	s24 =	sadd.s32 $0xBE00, s1;
	[dreg:$0x7] =	wrdreg s22  }
.Ltmp0:
0x13: {  	s26 =	smax.u32 s6, $0x1;
	[dreg:$0x8] =	wrdreg s23;
	(pc) =	sbr.rel .LBB2_1-.Ltmp0, $4  }
0x14: {  	s1 =	simm.s32 $0x8;
	s7 =	simm.s32 $0x10;
	[dreg:$0x9] =	wrdreg s26  }
0x15: {  	s20 =	simm.s32 $0xB000;
	s21 =	simm.s32 $0x1;
	s22 =	simm.s32 $0xD000  }
0x16: {  	s23 =	simm.s32 $0x2;
	s0 =	sadd.s32 s25, s24;
	s25 =	simm.s32 $0xF000  }
0x17: {  	v0 =	vimm.bf16 $0.0e+00;
	s26 =	simm.s32 $0x3;
	[dreg:$0xa] =	wrdreg s0;
	s0 =	simm.s32 $0x9  }
.LBB2_8:
0x18: {  	_ =	swait.ge [sflag:s1], $0x2000  }
0x19: {  	[sflag:s1] =	ssyncset.done $0x0  }
0x1a: {  	[sflag:s1] =	ssyncadd.s32 $0xFFFFE000  }
0x1b: {  	[spmem:s2] =	stream.indirect.scatter.add.bf16 [tilespmem:s30], [sflag:$0x10], $0x40, s24, s15, $0xb8;
	[tilespmem:$0x1EE00] =	vst v63  }
0x1c: {  	_ =	swait.ge [sflag:s17], $0x2000  }
0x1d: {  	[sflag:s17] =	ssyncset.done $0x0  }
0x1e: {  	s4 =	simm.s32 $0xD;
	[sflag:s17] =	ssyncadd.s32 $0xFFFFE000  }
0x1f: {  	_ =	swait.ge [sflag:s4], $0x2000  }
0x20: {  	[sflag:s4] =	ssyncset.done $0x0  }
0x21: {  	s9 =	simm.s32 $0xE;
	[sflag:s4] =	ssyncadd.s32 $0xFFFFE000  }
0x22: {  	_ =	swait.ge [sflag:s9], $0x2000  }
0x23: {  	[sflag:s9] =	ssyncset.done $0x0  }
0x24: {  	s11 =	simm.s32 $0xF;
	[sflag:s9] =	ssyncadd.s32 $0xFFFFE000  }
0x25: {  	_ =	swait.ge [sflag:s11], $0x2000  }
0x26: {  	[sflag:s11] =	ssyncset.done $0x0  }
0x27: {  	[sflag:s11] =	ssyncadd.s32 $0xFFFFE000  }
0x28: {  	_ =	swait.ge [sflag:s7], $0x2000  }
0x29: {  	[sflag:s7] =	ssyncset.done $0x0  }
0x2a: {  	s19 =	stileid.u32;
	[sflag:s7] =	ssyncadd.s32 $0xFFFFE000  }
0x2b: {  	s4 =	sshll.u32 s19, $0x6;
	[bflag:$0x0] =	sbarrier.arrive $0xFFFF  }
0x2c: {  	s6 =	sshrl.u32 s5, $0x3;
	s4 =	sor.u32 $0x1C11, s4;
	s9 =	rddreg [dreg:$0xa]  }
0x2d: {  	[hbm:s9], [sflag:s4] =	dma.local [spmem:s6], $0x13C0  }
0x2e: {  	_ =	swait.ge [sflag:s13], $0x13C0  }
0x2f: {  	s8 =	sadd.s32 $0x1, s8;
	s24 =	rddreg [dreg:$0x9]  }
0x30: {  	p0 =	sne.s32 s8, s24  }
.Ltmp1:
0x31: {  	_ = 	snop;
	(pc) =	sbr.rel @!p0 .LBB2_9-.Ltmp1, $3  }
0x32: {  	_ =	sdelay $0x1  }
0x33: {  	[sflag:s13] =	ssyncset.done $0x0  }
0x34: {  	[sflag:s13] =	ssyncadd.s32 $0xFFFFEC40  }
.LBB2_1:
0x35: {  	s4 =	simm.s32 $0x0;
	s6 =	rddreg [dreg:$0x4];
	s9 =	simm.s32 $0x2800  }
0x36: {  	[tilespmem:s9], [sflag:$0x11] =	stream.linear.gather [hbm4b:s6+s4], $0x2800, $0x38;
	[tilespmem:$0x1EE00] =	vst v63  }
0x37: {  	_ =	swait.ge [sflag:s13], $0x2800  }
0x38: {  	[sflag:s13] =	ssyncset.done $0x0  }
0x39: {  	s9 =	simm.s32 $0x0;
	[sflag:s13] =	ssyncadd.s32 $0xFFFFD800  }
0x3a: {  	v1 =	vld [tilespmem:s9+$0x2800];
	_ =	sdelay $0x4  }
0x3b: {  	v2 =	vand.u32 $0x3FFF, v1  }
0x3c: {  	s24 =	simm.s32 $0x10;
	s11 =	simm.s32 $0x80;
	v1 =	vshrl.u32 v1, $0xE;
	[tilespmem:s9+$0x2800] =	vst v2  }
.LBB2_2:
0x3d: {  	p0 =	sne.s32 s11, $0x9FC0;
	v2 =	vld [tilespmem:s24+$0x2800];
	[tilespmem:s9+$0x0] =	vst v1;
	s9 =	smov.u32 s24;
	_ =	sdelay $0x1  }
.Ltmp2:
0x3e: {  	(pc) =	sbr.rel @p0 .LBB2_2-.Ltmp2, $3  }
0x3f: {  	_ =	sdelay $0x1  }
0x40: {  	v1 =	vshrl.u32 v2, $0xE;
	v2 =	vand.u32 $0x3FFF, v2  }
0x41: {  	s24 =	sshra.s32 s11, $0x2;
	s11 =	sadd.s32 $0x40, s11;
	[tilespmem:s9+$0x2800] =	vst v2  }
0x42: {  	v2 =	vld [tilespmem:s24+$0x2800];
	_ =	sdelay $0x4  }
0x43: {  	[tilespmem:s9+$0x0] =	vst v1;
	v1 =	vand.u32 $0x3FFF, v2  }
0x44: {  	v2 =	vshrl.u32 v2, $0xE;
	[tilespmem:s24+$0x2800] =	vst v1  }
0x45: {  	s11 =	simm.s32 $0x100;
	s9 =	simm.s32 $0x0;
	[tilespmem:s24+$0x0] =	vst v2  }
.LBB2_4:
0x46: {  	p0 =	sne.s32 s11, $0x7F00;
	[tilespmem:s9+$0x5030] =	vst v0;
	s24 =	smov.u32 s11;
	s11 =	sadd.s32 $0x100, s11  }
.Ltmp3:
0x47: {  	[tilespmem:s9+$0x5020] =	vst v0;
	(pc) =	sbr.rel @p0 .LBB2_4-.Ltmp3, $3  }
0x48: {  	[tilespmem:s9+$0x5000] =	vst v0  }
0x49: {  	[tilespmem:s9+$0x5010] =	vst v0;
	_ =	sdelay $0x1  }
0x4a: {  	s9 =	sshra.s32 s24, $0x2  }
0x4b: {  	[tilespmem:s9+$0x5030] =	vst v0  }
0x4c: {  	[tilespmem:s9+$0x5020] =	vst v0  }
0x4d: {  	[tilespmem:s9+$0x5000] =	vst v0  }
0x4e: {  	[tilespmem:s9+$0x5010] =	vst v0  }
0x4f: {  	[spmem:s5] =	stream.linear.scatter [tilespmem:s14], [sflag:$0x11], $0x2000, $0x38;
	[tilespmem:$0x1EE00] =	vst v63  }
0x50: {  	_ =	swait.ge [sflag:s13], $0x2000  }
0x51: {  	[sflag:s13] =	ssyncset.done $0x0  }
0x52: {  	s4 =	rddreg [dreg:$0x5];
	[sflag:s13] =	ssyncadd.s32 $0xFFFFE000  }
0x53: {  	[spmem:s4] =	stream.linear.scatter [tilespmem:s14], [sflag:$0x11], $0x2000, $0x38;
	[tilespmem:$0x1EE00] =	vst v63  }
0x54: {  	_ =	swait.ge [sflag:s13], $0x2000  }
0x55: {  	[sflag:s13] =	ssyncset.done $0x0  }
0x56: {  	s6 =	rddreg [dreg:$0x6];
	[sflag:s13] =	ssyncadd.s32 $0xFFFFE000  }
0x57: {  	[spmem:s6] =	stream.linear.scatter [tilespmem:s14], [sflag:$0x11], $0x2000, $0x38;
	[tilespmem:$0x1EE00] =	vst v63  }
0x58: {  	_ =	swait.ge [sflag:s13], $0x2000  }
0x59: {  	[sflag:s13] =	ssyncset.done $0x0  }
0x5a: {  	s9 =	rddreg [dreg:$0x7];
	[sflag:s13] =	ssyncadd.s32 $0xFFFFE000  }
0x5b: {  	[spmem:s9] =	stream.linear.scatter [tilespmem:s14], [sflag:$0x11], $0x2000, $0x38;
	[tilespmem:$0x1EE00] =	vst v63  }
0x5c: {  	_ =	swait.ge [sflag:s13], $0x2000  }
0x5d: {  	[sflag:s13] =	ssyncset.done $0x0  }
0x5e: {  	s11 =	rddreg [dreg:$0x8];
	[sflag:s13] =	ssyncadd.s32 $0xFFFFE000  }
0x5f: {  	[spmem:s11] =	stream.linear.scatter [tilespmem:s14], [sflag:$0x11], $0x1E00, $0x38;
	[tilespmem:$0x1EE00] =	vst v63  }
0x60: {  	_ =	swait.ge [sflag:s13], $0x1E00  }
0x61: {  	[sflag:s13] =	ssyncset.done $0x0  }
0x62: {  	[sflag:s13] =	ssyncadd.s32 $0xFFFFE200  }
0x63: {  	s9 =	simm.s32 $0x0;
	[bflag:$0x0] =	sbarrier.arrive $0xFFFF  }
0x64: {  	[tilespmem:s14], [sflag:$0x1] =	stream.indirect.gather [hbm4b:s10+s15], $0x40, s9, s15, $0xb8;
	[tilespmem:$0x1EE00] =	vst v63  }
0x65: {  	_ = 	snop  }
0x66: {  	[tilespmem:s16], [sflag:$0x2] =	stream.indirect.gather [hbm4b:s10+s15], $0x40, s15, s15, $0xb8;
	[tilespmem:$0x1EE00] =	vst v63  }
0x67: {  	s19 =	simm.s32 $0x100  }
0x68: {  	[tilespmem:s18], [sflag:$0x3] =	stream.indirect.gather [hbm4b:s10+s15], $0x40, s19, s15, $0xb8;
	[tilespmem:$0x1EE00] =	vst v63  }
0x69: {  	s24 =	simm.s32 $0x180  }
0x6a: {  	[tilespmem:s20], [sflag:$0x4] =	stream.indirect.gather [hbm4b:s10+s15], $0x40, s24, s15, $0xb8;
	[tilespmem:$0x1EE00] =	vst v63  }
.LBB2_6:
0x6b: {  	_ =	swait.ge [sflag:s21], $0x2000  }
0x6c: {  	s11 =	sshra.s32 s9, $0x2;
	[sflag:s21] =	ssyncset.done $0x0  }
0x6d: {  	p0 =	seq.s32 s9, $0x0;
	s24 =	sadd.s32 $0x2800, s11;
	[sflag:s21] =	ssyncadd.s32 $0xFFFFE000  }
0x6e: {  	[spmem:s2] =	stream.indirect.scatter.add.bf16 [tilespmem:s14], [sflag:$0x9], $0x40, s24, s15, $0xb8;
	[tilespmem:$0x1EE00] =	vst v63  }
0x6f: {  	s24 =	simm.s32 @!p0 $0xD  }
0x70: {  	_ =	swait.ge @!p0 [sflag:s24], $0x2000  }
0x71: {  	[sflag:s24] =	ssyncset.done @!p0 $0x0  }
0x72: {  	s6 =	sadd.s32 $0x200, s11;
	[sflag:s24] =	ssyncadd.s32 @!p0 $0xFFFFE000  }
0x73: {  	[tilespmem:s22], [sflag:$0x5] =	stream.indirect.gather [hbm4b:s10+s15], $0x40, s6, s15, $0xb8;
	[tilespmem:$0x1EE00] =	vst v63  }
0x74: {  	_ =	swait.ge [sflag:s23], $0x2000  }
0x75: {  	[sflag:s23] =	ssyncset.done $0x0  }
0x76: {  	s19 =	sadd.s32 $0x2880, s11;
	s24 =	simm.s32 @!p0 $0xE;
	[sflag:s23] =	ssyncadd.s32 $0xFFFFE000  }
0x77: {  	[spmem:s2] =	stream.indirect.scatter.add.bf16 [tilespmem:s16], [sflag:$0xA], $0x40, s19, s15, $0xb8;
	[tilespmem:$0x1EE00] =	vst v63  }
0x78: {  	_ =	swait.ge @!p0 [sflag:s24], $0x2000  }
0x79: {  	[sflag:s24] =	ssyncset.done @!p0 $0x0  }
0x7a: {  	s4 =	sadd.s32 $0x280, s11;
	[sflag:s24] =	ssyncadd.s32 @!p0 $0xFFFFE000  }
0x7b: {  	[tilespmem:s25], [sflag:$0x6] =	stream.indirect.gather [hbm4b:s10+s15], $0x40, s4, s15, $0xb8;
	[tilespmem:$0x1EE00] =	vst v63  }
0x7c: {  	_ =	swait.ge [sflag:s26], $0x2000  }
0x7d: {  	[sflag:s26] =	ssyncset.done $0x0  }
0x7e: {  	s6 =	sadd.s32 $0x2900, s11;
	s24 =	simm.s32 @!p0 $0xF;
	[sflag:s26] =	ssyncadd.s32 $0xFFFFE000  }
0x7f: {  	[spmem:s2] =	stream.indirect.scatter.add.bf16 [tilespmem:s18], [sflag:$0xB], $0x40, s6, s15, $0xb8;
	[tilespmem:$0x1EE00] =	vst v63  }
0x80: {  	_ =	swait.ge @!p0 [sflag:s24], $0x2000  }
0x81: {  	[sflag:s24] =	ssyncset.done @!p0 $0x0  }
0x82: {  	s19 =	sadd.s32 $0x300, s11;
	[sflag:s24] =	ssyncadd.s32 @!p0 $0xFFFFE000  }
0x83: {  	[tilespmem:s28], [sflag:$0x7] =	stream.indirect.gather [hbm4b:s10+s15], $0x40, s19, s15, $0xb8;
	[tilespmem:$0x1EE00] =	vst v63  }
0x84: {  	_ =	swait.ge [sflag:s29], $0x2000  }
0x85: {  	[sflag:s29] =	ssyncset.done $0x0  }
0x86: {  	s4 =	sadd.s32 $0x2980, s11;
	s24 =	simm.s32 @!p0 $0x10;
	[sflag:s29] =	ssyncadd.s32 $0xFFFFE000  }
0x87: {  	[spmem:s2] =	stream.indirect.scatter.add.bf16 [tilespmem:s20], [sflag:$0xC], $0x40, s4, s15, $0xb8;
	[tilespmem:$0x1EE00] =	vst v63  }
0x88: {  	_ =	swait.ge @!p0 [sflag:s24], $0x2000  }
0x89: {  	[sflag:s24] =	ssyncset.done @!p0 $0x0  }
0x8a: {  	s6 =	sadd.s32 $0x380, s11;
	[sflag:s24] =	ssyncadd.s32 @!p0 $0xFFFFE000  }
0x8b: {  	[tilespmem:s30], [sflag:$0x8] =	stream.indirect.gather [hbm4b:s10+s15], $0x40, s6, s15, $0xb8;
	[tilespmem:$0x1EE00] =	vst v63  }
0x8c: {  	_ =	swait.ge [sflag:s31], $0x2000  }
0x8d: {  	[sflag:s31] =	ssyncset.done $0x0  }
0x8e: {  	s19 =	sadd.s32 $0x2A00, s11;
	[sflag:s31] =	ssyncadd.s32 $0xFFFFE000  }
0x8f: {  	[spmem:s2] =	stream.indirect.scatter.add.bf16 [tilespmem:s22], [sflag:$0xD], $0x40, s19, s15, $0xb8;
	[tilespmem:$0x1EE00] =	vst v63  }
0x90: {  	_ =	swait.ge [sflag:s0], $0x2000  }
0x91: {  	p0 =	seq.s32 s9, $0x9000;
	[sflag:s0] =	ssyncset.done $0x0  }
0x92: {  	s24 =	simm.s32 @p0 $0x6;
	[sflag:s0] =	ssyncadd.s32 $0xFFFFE000  }
0x93: {  	_ =	swait.ge @p0 [sflag:s24], $0x2000  }
0x94: {  	[sflag:s24] =	ssyncset.done @p0 $0x0  }
0x95: {  	[sflag:s24] =	ssyncadd.s32 @p0 $0xFFFFE000;
	s24 =	sshra.s32 @p0 s9, $0x2  }
0x96: {  	s4 =	simm.s32 @p0 $0xF000;
	s19 =	simm.s32 @p0 $0x80;
	s24 =	sadd.s32 @p0 $0x2A80, s24  }
0x97: {  	[spmem:s2] =	stream.indirect.scatter.add.bf16 @p0 [tilespmem:s4], [sflag:$0xE], $0x40, s24, s19, $0xb8;
	[tilespmem:$0x1EE00] =	vst v63  }
0x98: {  	s4 =	simm.s32 @p0 $0xA  }
0x99: {  	_ =	swait.ge @p0 [sflag:s4], $0x2000  }
0x9a: {  	[sflag:s4] =	ssyncset.done @p0 $0x0  }
0x9b: {  	[sflag:s4] =	ssyncadd.s32 @p0 $0xFFFFE000;
	s4 =	sshra.s32 @!p0 s9, $0x2  }
0x9c: {  	s6 =	simm.s32 @!p0 $0x5000;
	s24 =	simm.s32 @!p0 $0x80;
	s19 =	sadd.s32 @!p0 $0x400, s4  }
0x9d: {  	[tilespmem:s6], [sflag:$0x1] =	stream.indirect.gather @!p0 [hbm4b:s10+s24], $0x40, s19, s24, $0xb8;
	[tilespmem:$0x1EE00] =	vst v63  }
0x9e: {  	s6 =	simm.s32 @!p0 $0x6  }
0x9f: {  	_ =	swait.ge @!p0 [sflag:s6], $0x2000  }
0xa0: {  	[sflag:s6] =	ssyncset.done @!p0 $0x0  }
0xa1: {  	s19 =	simm.s32 @!p0 $0xF000;
	[sflag:s6] =	ssyncadd.s32 @!p0 $0xFFFFE000;
	s6 =	sadd.s32 @!p0 $0x2A80, s4  }
0xa2: {  	[spmem:s2] =	stream.indirect.scatter.add.bf16 @!p0 [tilespmem:s19], [sflag:$0xE], $0x40, s6, s24, $0xb8;
	[tilespmem:$0x1EE00] =	vst v63  }
0xa3: {  	s6 =	simm.s32 @!p0 $0xA  }
0xa4: {  	_ =	swait.ge @!p0 [sflag:s6], $0x2000  }
0xa5: {  	[sflag:s6] =	ssyncset.done @!p0 $0x0  }
0xa6: {  	s4 =	sadd.s32 @!p0 $0x480, s4;
	[sflag:s6] =	ssyncadd.s32 @!p0 $0xFFFFE000;
	s6 =	simm.s32 @!p0 $0x7000  }
0xa7: {  	[tilespmem:s6], [sflag:$0x2] =	stream.indirect.gather @!p0 [hbm4b:s10+s24], $0x40, s4, s24, $0xb8;
	[tilespmem:$0x1EE00] =	vst v63  }
0xa8: {  	_ =	swait.ge [sflag:s3], $0x2000  }
0xa9: {  	[sflag:s3] =	ssyncset.done $0x0  }
.Ltmp4:
0xaa: {  	s24 =	sadd.s32 $0x2B00, s11;
	[sflag:s3] =	ssyncadd.s32 $0xFFFFE000;
	(pc) =	sbr.rel @p0 .LBB2_8-.Ltmp4, $4  }
0xab: {  	[spmem:s2] =	stream.indirect.scatter.add.bf16 [tilespmem:s28], [sflag:$0xF], $0x40, s24, s15, $0xb8;
	[tilespmem:$0x1EE00] =	vst v63  }
0xac: {  	_ =	swait.ge [sflag:s12], $0x2000  }
0xad: {  	[sflag:s12] =	ssyncset.done $0x0  }
0xae: {  	s24 =	sadd.s32 $0x2B80, s11;
	[sflag:s12] =	ssyncadd.s32 $0xFFFFE000  }
0xaf: {  	s4 =	sadd.s32 $0x500, s11  }
0xb0: {  	[tilespmem:s18], [sflag:$0x3] =	stream.indirect.gather [hbm4b:s10+s15], $0x40, s4, s15, $0xb8;
	[tilespmem:$0x1EE00] =	vst v63  }
0xb1: {  	_ =	swait.ge [sflag:s1], $0x2000  }
0xb2: {  	[sflag:s1] =	ssyncset.done $0x0  }
0xb3: {  	[sflag:s1] =	ssyncadd.s32 $0xFFFFE000  }
0xb4: {  	[spmem:s2] =	stream.indirect.scatter.add.bf16 [tilespmem:s30], [sflag:$0x10], $0x40, s24, s15, $0xb8;
	[tilespmem:$0x1EE00] =	vst v63  }
.Ltmp5:
0xb5: {  	_ = 	snop;
	(pc) =	sbr.rel .LBB2_6-.Ltmp5, $4  }
0xb6: {  	_ =	swait.ge [sflag:s17], $0x2000  }
0xb7: {  	[sflag:s17] =	ssyncset.done $0x0  }
0xb8: {  	s9 =	sadd.s32 $0x1000, s9;
	s24 =	sadd.s32 $0x580, s11;
	[sflag:s17] =	ssyncadd.s32 $0xFFFFE000  }
0xb9: {  	[tilespmem:s20], [sflag:$0x4] =	stream.indirect.gather [hbm4b:s10+s15], $0x40, s24, s15, $0xb8;
	[tilespmem:$0x1EE00] =	vst v63  }
.LBB2_9:
0xba: {  	_ =	sfence.sel $0x180000  }
0xbb: {  	[bflag:$0x0] =	sbarrier.arrive $0xFFFF  }
0xbc: {  	_ =	strace $0x9000004A  }
0xbd: {  	s0 =	stileid.u32;
	[bflag:$0x2] =	sbarrier.arrive $0xFFFF  }
0xbe: {  	p0 =	sne.s32 s0, $0x0;
	s0 =	rddreg [dreg:$0x3]  }
0xbf: {  	s0 =	sadd.s32 @!p0 $0x100000, s0  }
0xc0: {  	[sflag:s0] =	ssyncadd.tile.s32 @!p0 $0x1;
	_ =	shalt  }
.Lfunc_end2:
_tile_overlayer_lowered:
.L_overlay_start_2:
0xc1: {  	(tag) =	ssettag $0x2  }
0xc2: {  	s0 =	rddreg [dreg:$0x0];
	s2 =	stileid.u32  }
0xc3: {  	s1 =	rddreg [dreg:$0x1];
	p0 =	sne.s32 s2, $0x0  }
0xc4: {  	s3 =	rddreg [dreg:$0x2];
	[bflag:$0x3] =	sbarrier.arrive $0xFFFF;
	s2 =	simm.s32 @!p0 $0x1C11  }
0xc5: {  	[timem:s3], [sflag:s2] =	dma.local @!p0 [hbm:s0], s1  }
0xc6: {  	s0 =	simm.s32 @!p0 $0x11  }
0xc7: {  	_ =	swait.ge @!p0 [sflag:s0], s1  }
0xc8: {  	s1 =	ssub.s32 @!p0 $0x0, s1;
	[sflag:s0] =	ssyncset.done @!p0 $0x0  }
0xc9: {  	[sflag:s0] =	ssyncadd.s32 @!p0 s1  }
0xca: {  	[bflag:$0x3] =	sbarrier.arrive $0xFFFF  }
0xcb: {  	_ =	shalt  }

// kernel: kernel.14.cloned.1.call-start
scs
__scs_entry_jumppad:
0x0: {  	(pc) =	sbr.rel $0x88, $3  }
0x1: {  	(tag) =	ssettag $0x0;
	lr =	simm.s32 $0x1  }
0x2: {  	[smem:$0x3F9B] =	sst lr;
	_ =	strace $0xD0000000  }
0x3: {  	_ = 	snop  }
0x4: {  	_ = 	snop  }
0x5: {  	_ = 	snop  }
0x6: {  	_ = 	snop  }
0x7: {  	_ = 	snop  }
__scs_overlays_trampoline_lowered:
0x8: {  	[smem:$0x3FAA] =	sst s0  }
0x9: {  	[smem:$0x3FAB] =	sst s1  }
0xa: {  	[smem:$0x3FAC] =	sst s2  }
0xb: {  	[smem:$0x3FAD] =	sst s3  }
0xc: {  	[smem:$0x3FAE] =	sst s4  }
0xd: {  	[smem:$0x3FAF] =	sst s5  }
0xe: {  	[smem:$0x3FB0] =	sst s6  }
0xf: {  	[smem:$0x3FB1] =	sst s7  }
0x10: {  	[smem:$0x3FB2] =	sst s8  }
0x11: {  	[smem:$0x3FB3] =	sst s9;
	s0 =	simm.s32 @!p0 $0x0  }
0x12: {  	s1 =	sld [smem:$0x3F99];
	s0 =	simm.s32 @p0 $0x1  }
0x13: {  	[smem:$0x3FB4] =	sst s0;
	s0 =	simm.s32 @!p1 $0x0  }
0x14: {  	s2 =	sld [smem:$0x3F98];
	s0 =	simm.s32 @p1 $0x1  }
0x15: {  	[smem:$0x3FB5] =	sst s0;
	s0 =	simm.s32 @!p2 $0x0  }
0x16: {  	s3 =	sld [smem:$0x3FDB];
	s0 =	simm.s32 @p2 $0x1  }
0x17: {  	s4 =	simm.s32 $0x1BF5;
	[smem:$0x3FB7] =	sst s0  }
0x18: {  	s0 =	sld [smem:$0x3F9A];
	_ =	swait.ge [sflag:s4], $0x0  }
0x19: {  	s7 =	sld [smem:$0x3F9B]  }
0x1a: {  	s8 =	sadd.s32 $0xFFFFE003, lr  }
0x1b: {  	s9 =	sadd.s32 $0xFFFFFEF7, lr;
	s5 =	simm.s32 $0xFFFFFFFF;
	p2 =	slt.u32 s8, $0xFFFFF086  }
0x1c: {  	p1 =	slt.u32 s9, $0xF7A;
	s5 =	simm.s32 @!p2 $0x0  }
0x1d: {  	s5 =	simm.s32 @p1 $0x1;
	p0 =	seq.s32 s7, s2  }
0x1e: {  	s7 =	smul.u32 @!p0 $0xF7A, s2;
	p2 =	seq.s32 @!p0 s5, $0x0  }
0x1f: {  	s9 =	smul.u32 $0xF7A, s1;
	s8 =	simm.s32 @!p0 $0x1BF5;
	p2 =	por !p2, p0  }
0x20: {  	[sflag:s8] =	ssyncset.s32 @!p0 $0xFFFFF086;
	s6 =	sadd.s32 @!p0 s3, s7;
	s7 =	simm.s32 @!p0 $0x108  }
0x21: {  	s3 =	sadd.s32 s3, s9;
	s6 =	sadd.s32 @!p0 $0x88, s6;
	s7 =	simm.s32 @p2 $0x1082  }
0x22: {  	[simem:s7], [sflag:s8] =	dma.local @!p0 [hbm:s6], $0xF7A  }
0x23: {  	s9 =	sor.u32 $0xD0000000, s2;
	s6 =	simm.s32 $0x108;
	_ =	swait.ge @!p0 [sflag:s8], $0x0  }
0x24: {  	s3 =	sadd.s32 $0x88, s3;
	s6 =	simm.s32 @!p1 $0x1082;
	[sflag:s4] =	ssyncset.s32 $0xFFFFF086  }
0x25: {  	[simem:s6], [sflag:s4] =	dma.local [hbm:s3], $0xF7A  }
0x26: {  	[smem:$0x3F9B] =	sst s1;
	(tag) =	ssettag s2;
	_ =	strace s9  }
0x27: {  	s1 =	sld [smem:$0x3FAB]  }
0x28: {  	s2 =	sld [smem:$0x3FAC]  }
0x29: {  	s4 =	sld [smem:$0x3FAE]  }
0x2a: {  	p0 =	seq.s32 s5, $0x0;
	s5 =	sld [smem:$0x3FAF]  }
0x2b: {  	s6 =	sld [smem:$0x3FB0]  }
0x2c: {  	s7 =	sld [smem:$0x3FB1]  }
0x2d: {  	s3 =	simm.s32 $0x108;
	s8 =	sld [smem:$0x3FB2]  }
0x2e: {  	s3 =	simm.s32 @!p0 $0x1082;
	s9 =	sld [smem:$0x3FB3]  }
0x2f: {  	lr =	sadd.s32 s0, s3;
	s0 =	sld [smem:$0x3FAA]  }
0x30: {  	s3 =	sld [smem:$0x3FAD]  }
0x31: {  	[smem:$0x3FB6] =	sst s10  }
0x32: {  	s10 =	sld [smem:$0x3FB4];
	_ =	sdelay $0x3  }
0x33: {  	p0 =	seq.s32 s10, $0x1;
	s10 =	sld [smem:$0x3FB6];
	_ =	sdelay $0x3  }
0x34: {  	[smem:$0x3FB6] =	sst s10  }
0x35: {  	s10 =	sld [smem:$0x3FB5];
	_ =	sdelay $0x3  }
0x36: {  	p1 =	seq.s32 s10, $0x1;
	s10 =	sld [smem:$0x3FB6];
	_ =	sdelay $0x3  }
0x37: {  	[smem:$0x3FB6] =	sst s10  }
0x38: {  	s10 =	sld [smem:$0x3FB7]  }
0x39: {  	_ = 	snop;
	(pc) =	sbr.ind lr, $3  }
0x3a: {  	_ = 	snop  }
0x3b: {  	_ = 	snop  }
0x3c: {  	p2 =	seq.s32 s10, $0x1;
	s10 =	sld [smem:$0x3FB6]  }
0x3d: {  	_ =	shalt  }
0x3e: {  	_ =	shalt  }
0x3f: {  	_ =	shalt  }
0x40: {  	_ =	shalt  }
0x41: {  	_ =	shalt  }
0x42: {  	_ =	shalt  }
0x43: {  	_ =	shalt  }
0x44: {  	_ =	shalt  }
0x45: {  	_ =	shalt  }
0x46: {  	_ =	shalt  }
0x47: {  	_ =	shalt  }
0x48: {  	_ =	shalt  }
0x49: {  	_ =	shalt  }
0x4a: {  	_ =	shalt  }
0x4b: {  	_ =	shalt  }
0x4c: {  	_ =	shalt  }
0x4d: {  	_ =	shalt  }
0x4e: {  	_ =	shalt  }
0x4f: {  	_ =	shalt  }
0x50: {  	_ =	shalt  }
0x51: {  	_ =	shalt  }
0x52: {  	_ =	shalt  }
0x53: {  	_ =	shalt  }
0x54: {  	_ =	shalt  }
0x55: {  	_ =	shalt  }
0x56: {  	_ =	shalt  }
0x57: {  	_ =	shalt  }
0x58: {  	_ =	shalt  }
0x59: {  	_ =	shalt  }
0x5a: {  	_ =	shalt  }
0x5b: {  	_ =	shalt  }
0x5c: {  	_ =	shalt  }
0x5d: {  	_ =	shalt  }
0x5e: {  	_ =	shalt  }
0x5f: {  	_ =	shalt  }
0x60: {  	_ =	shalt  }
0x61: {  	_ =	shalt  }
0x62: {  	_ =	shalt  }
0x63: {  	_ =	shalt  }
0x64: {  	_ =	shalt  }
0x65: {  	_ =	shalt  }
0x66: {  	_ =	shalt  }
0x67: {  	_ =	shalt  }
0x68: {  	_ =	shalt  }
0x69: {  	_ =	shalt  }
0x6a: {  	_ =	shalt  }
0x6b: {  	_ =	shalt  }
0x6c: {  	_ =	shalt  }
0x6d: {  	_ =	shalt  }
0x6e: {  	_ =	shalt  }
0x6f: {  	_ =	shalt  }
0x70: {  	_ =	shalt  }
0x71: {  	_ =	shalt  }
0x72: {  	_ =	shalt  }
0x73: {  	_ =	shalt  }
0x74: {  	_ =	shalt  }
0x75: {  	_ =	shalt  }
0x76: {  	_ =	shalt  }
0x77: {  	_ =	shalt  }
0x78: {  	_ =	shalt  }
0x79: {  	_ =	shalt  }
0x7a: {  	_ =	shalt  }
0x7b: {  	_ =	shalt  }
0x7c: {  	_ =	shalt  }
0x7d: {  	_ =	shalt  }
0x7e: {  	_ =	shalt  }
0x7f: {  	_ =	shalt  }
0x80: {  	_ =	shalt  }
0x81: {  	_ =	shalt  }
0x82: {  	_ =	shalt  }
0x83: {  	_ =	shalt  }
0x84: {  	_ =	shalt  }
0x85: {  	_ =	shalt  }
0x86: {  	_ =	shalt  }
0x87: {  	_ =	shalt  }
.Lfunc_end0:
.L_simem_size_0:
called_computation.2_lowered:
.L_overlay_start_0:
0x88: {  	s2 =	sld [smem:$0x3FD9]  }
0x89: {  	s3 =	sld [smem:$0x3FFE];
	_ =	sdelay $0x1  }
0x8a: {  	s1 =	srdreg.scid  }
0x8b: {  	s0 =	sand.u32 $0x1, s1  }
0x8c: {  	s17 =	sshll.u32 s0, $0xA;
	s2 =	sadd.s32 s3, s2  }
0x8d: {  	s2 =	sadd.s32 s2, s17  }
0x8e: {  	[smem:$0x3FC2] =	sst s2  }
0x8f: {  	_ = 	snop  }
0x90: {  	s2 =	sld [smem:$0x3FD0];
	(tm) =	ssettm $0x1  }
0x91: {  	s18 =	sld [smem:$0x3FFB];
	_ =	sdelay $0x3  }
0x92: {  	_ =	strace s18  }
0x93: {  	s3 =	sld [smem:$0x3FFC];
	_ =	sdelay $0x3  }
0x94: {  	_ =	strace s3  }
0x95: {  	s3 =	sld [smem:$0x3FFD];
	_ =	sdelay $0x3  }
0x96: {  	_ =	strace s3  }
0x97: {  	_ =	strace $0x8FFFFFFF  }
0x98: {  	s19 =	sld [smem:$0x3FDB];
	_ =	sdelay $0x1  }
0x99: {  	s4 =	simm.s32 $_scs_section_size  }
0x9a: {  	s5 =	simm.s32 $_size__tile_overlayer_lowered;
	s6 =	simm.s32 $_tile_overlayer_lowered  }
0x9b: {  	s22 =	simm.s32 $0x1BFF;
	s21 =	sshll.u32 s6, $0x1;
	s3 =	sadd.s32 s4, s19  }
0x9c: {  	s7 =	simm.s32 $0x0;
	s20 =	sshll.u32 s5, $0x1;
	s5 =	sadd.s32 s21, s3  }
0x9d: {  	[timem:s7], [sflag:s22] =	dma.local [hbm:s5], s20  }
0x9e: {  	_ =	swait.ge [sflag:s22], s20  }
0x9f: {  	s4 =	ssub.s32 $0x0, s20;
	[sflag:s22] =	ssyncset.done $0x0  }
0xa0: {  	[sflag:s22] =	ssyncadd.s32 s4;
	_ =	sdelay $0x1  }
0xa1: {  	s23 =	simm.s32 $0x1B8B  }
0xa2: {  	_ =	swait.ge [sflag:s23], $0x1  }
0xa3: {  	[sflag:s23] =	ssyncset.done $0x0  }
0xa4: {  	s25 =	simm.s32 $0x1B8E;
	s24 =	sld [smem:$0x3FFE];
	[sflag:s23] =	ssyncadd.s32 $0xFFFFFFFF  }
0xa5: {  	s26 =	simm.s32 $execute0_lowered;
	[smem:$0x3FD2] =	sst s25  }
0xa6: {  	s5 =	sshll.u32 s26, $0x1;
	_ =	strace $0x8000004C;
	[dreg:$0x1] =	wrdreg $0xFFFFFFFF  }
0xa7: {  	s28 =	simm.s32 $_size_execute0_lowered;
	s3 =	sadd.s32 s3, s5;
	[dreg:$0x0] =	wrdreg $0x0  }
0xa8: {  	s5 =	sshll.u32 s28, $0x1;
	[dreg:$0x2] =	wrdreg s3  }
0xa9: {  	[dreg:$0x3] =	wrdreg s5  }
0xaa: {  	[dreg:$0x4] =	wrdreg $0xC0  }
0xab: {  	_ =	task [dreg:s7], $0x5FFFF  }
0xac: {  	[dreg:$0x1] =	wrdreg $0xFFFFFFFF  }
0xad: {  	[dreg:$0x0] =	wrdreg $0x60  }
0xae: {  	[dreg:$0x2] =	wrdreg s24  }
0xaf: {  	[dreg:$0x3] =	wrdreg s2  }
0xb0: {  	[dreg:$0x4] =	wrdreg $0xD0000  }
0xb1: {  	[dreg:$0x5] =	wrdreg $0x9  }
0xb2: {  	_ =	task.clear_ibuf [dreg:s7], $0x6FFFF;
	_ =	strace $0x9000004C  }
0xb3: {  	s29 =	simm.s32 $0x9;
	_ =	strace $0x8000004E  }
0xb4: {  	_ =	swait.ge [sflag:s29], $0x1  }
0xb5: {  	[sflag:s29] =	ssyncadd.s32 $0xFFFFFFFF  }
0xb6: {  	_ =	strace $0x9000004E  }
0xb7: {  	_ =	sfence  }
0xb8: {  	s30 =	sld [smem:$0x0];
	_ =	sdelay $0x2  }
0xb9: {  	s31 =	sshll.u32 s1, $0xD;
	s1 =	sshrl.u32 s1, $0x2  }
0xba: {  	s3 =	sand.u32 $0x4000, s31;
	s1 =	sadd.s32 s1, s30  }
0xbb: {  	s0 =	sor.u32 s3, s0;
	s1 =	sshll.u32 s1, $0x11  }
0xbc: {  	s0 =	sor.u32 s1, s0  }
0xbd: {  	s0 =	sadd.s32 $0x8F2B, s0  }
0xbe: {  	[sflag:s0] =	ssyncadd.remote.s32 $0x1  }
0xbf: {  	_ =	sfence.sel $0xFFFF  }
0xc0: {  	[dreg:$0x0] =	wrdreg $0xFFFFFFFF;
	(pc) =	sbr.abs _section_cstart, $3  }
0xc1: {  	[dreg:$0x1] =	wrdreg $0xFFFFFFFF  }
0xc2: {  	_ =	task.clear_ibuf [dreg:s7], $0x2FFFF;
	_ =	strace $0x9FFFFFFF  }
0xc3: {  	(tm) =	ssettm $0x7FFFFFFF  }
tec
execute0_lowered:
.L_overlay_start_1:
0x0: {  	(tag) =	ssettag $0x1  }
0x1: {  	s0 =	rddreg [dreg:$0x0]  }
0x2: {  	s2 =	rddreg [dreg:$0x1]  }
0x3: {  	s1 =	rddreg [dreg:$0x2]  }
0x4: {  	s3 =	srdreg.scid;
	s5 =	simm.s32 $0x0;
	s9 =	stileid.u32  }
0x5: {  	s13 =	simm.s32 $0x11;
	s14 =	simm.s32 $0x5000;
	s15 =	simm.s32 $0x80  }
0x6: {  	s16 =	simm.s32 $0x6000;
	s28 =	simm.s32 $0xB000;
	s17 =	smul.u32 $0x500, s9  }
0x7: {  	s29 =	simm.s32 $0x4;
	s30 =	simm.s32 $0xC000;
	s7 =	smul.u32 $0x13C00, s9  }
0x8: {  	s31 =	simm.s32 $0x5;
	s3 =	sand.u32 $0x1, s3;
	s9 =	smul.u32 $0x9E00, s9  }
0x9: {  	s12 =	simm.s32 $0xB;
	[smem:$0x7FF] =	sst s5;
	s4 =	smul.u32 $0x9C40, s3  }
0xa: {  	_ =	strace $0x8000004D;
	s6 =	ssub.s32 $0x2, s3;
	s21 =	smul.u32 $0x9E00, s3  }
0xb: {  	s3 =	simm.s32 $0x7;
	s8 =	sshrl.u32 s6, $0x1;
	s18 =	sshrl.u32 s7, $0x2  }
0xc: {  	s19 =	sshrl.u32 s9, $0x1;
	s25 =	sshrl.u32 s9, $0x4;
	s4 =	sadd.s32 s4, s0  }
0xd: {  	s0 =	sadd.s32 s17, s0;
	s6 =	ssub.s32 s6, s8;
	s7 =	sadd.s32 s18, s1  }
0xe: {  	s5 =	sadd.s32 s19, s1;
	s18 =	simm.s32 $0x7000;
	s0 =	sadd.s32 $0x6E00, s0  }
0xf: {  	s17 =	simm.s32 $0xC;
	s20 =	sadd.s32 $0x1000, s7;
	[dreg:$0x4] =	wrdreg s0  }
0x10: {  	s8 =	simm.s32 $0x0;
	s22 =	sadd.s32 $0x2000, s7;
	[dreg:$0x5] =	wrdreg s20  }
0x11: {  	s23 =	sadd.s32 $0x3000, s7;
	s24 =	sadd.s32 $0x4000, s7;
	[dreg:$0x6] =	wrdreg s22  }
0x12: {  	s10 =	sadd.s32 $0xBE00, s4;
	s26 =	smax.u32 s6, $0x1;
	[dreg:$0x7] =	wrdreg s23  }
.Ltmp0:
0x13: {  	s7 =	simm.s32 $0x10;
	[dreg:$0x8] =	wrdreg s24;
	(pc) =	sbr.rel .LBB2_1-.Ltmp0, $4  }
0x14: {  	s0 =	sadd.s32 s2, s21;
	[dreg:$0x9] =	wrdreg s26;
	s20 =	simm.s32 $0x8000  }
0x15: {  	s21 =	simm.s32 $0x1;
	s22 =	simm.s32 $0x9000;
	s23 =	simm.s32 $0x2  }
0x16: {  	s26 =	simm.s32 $0x3;
	s2 =	simm.s32 $0x8;
	s0 =	sadd.s32 s25, s0  }
0x17: {  	v0 =	vimm.bf16 $0.0e+00;
	s25 =	simm.s32 $0xA000;
	[dreg:$0xa] =	wrdreg s0;
	s0 =	simm.s32 $0x9  }
.LBB2_8:
0x18: {  	_ =	swait.ge [sflag:s2], $0x1000  }
0x19: {  	[sflag:s2] =	ssyncset.done $0x0  }
0x1a: {  	[sflag:s2] =	ssyncadd.s32 $0xFFFFF000  }
0x1b: {  	[spmem:s1] =	stream.indirect.scatter.add.bf16 [tilespmem:s30], [sflag:$0x10], $0x20, s24, s15, $0xb8;
	[tilespmem:$0x11F00] =	vst v63  }
0x1c: {  	_ =	swait.ge [sflag:s17], $0x1000  }
0x1d: {  	[sflag:s17] =	ssyncset.done $0x0  }
0x1e: {  	s4 =	simm.s32 $0xD;
	[sflag:s17] =	ssyncadd.s32 $0xFFFFF000  }
0x1f: {  	_ =	swait.ge [sflag:s4], $0x1000  }
0x20: {  	[sflag:s4] =	ssyncset.done $0x0  }
0x21: {  	s9 =	simm.s32 $0xE;
	[sflag:s4] =	ssyncadd.s32 $0xFFFFF000  }
0x22: {  	_ =	swait.ge [sflag:s9], $0x1000  }
0x23: {  	[sflag:s9] =	ssyncset.done $0x0  }
0x24: {  	s11 =	simm.s32 $0xF;
	[sflag:s9] =	ssyncadd.s32 $0xFFFFF000  }
0x25: {  	_ =	swait.ge [sflag:s11], $0x1000  }
0x26: {  	[sflag:s11] =	ssyncset.done $0x0  }
0x27: {  	[sflag:s11] =	ssyncadd.s32 $0xFFFFF000  }
0x28: {  	_ =	swait.ge [sflag:s7], $0x1000  }
0x29: {  	[sflag:s7] =	ssyncset.done $0x0  }
0x2a: {  	s19 =	stileid.u32;
	[sflag:s7] =	ssyncadd.s32 $0xFFFFF000  }
0x2b: {  	s4 =	sshll.u32 s19, $0x6;
	[bflag:$0x0] =	sbarrier.arrive $0xFFFF  }
0x2c: {  	s6 =	sshrl.u32 s5, $0x3;
	s4 =	sor.u32 $0x1C11, s4;
	s9 =	rddreg [dreg:$0xa]  }
0x2d: {  	[hbm:s9], [sflag:s4] =	dma.local [spmem:s6], $0x9E0  }
0x2e: {  	_ =	swait.ge [sflag:s13], $0x9E0  }
0x2f: {  	s8 =	sadd.s32 $0x1, s8;
	s24 =	rddreg [dreg:$0x9]  }
0x30: {  	p0 =	sne.s32 s8, s24  }
.Ltmp1:
0x31: {  	_ = 	snop;
	(pc) =	sbr.rel @!p0 .LBB2_9-.Ltmp1, $3  }
0x32: {  	_ =	sdelay $0x1  }
0x33: {  	[sflag:s13] =	ssyncset.done $0x0  }
0x34: {  	[sflag:s13] =	ssyncadd.s32 $0xFFFFF620  }
.LBB2_1:
0x35: {  	s4 =	simm.s32 $0x0;
	s6 =	rddreg [dreg:$0x4];
	s9 =	simm.s32 $0x2800  }
0x36: {  	[tilespmem:s9], [sflag:$0x11] =	stream.linear.gather [hbm4b:s6+s4], $0x2800, $0x38;
	[tilespmem:$0x11F00] =	vst v63  }
0x37: {  	_ =	swait.ge [sflag:s13], $0x2800  }
0x38: {  	[sflag:s13] =	ssyncset.done $0x0  }
0x39: {  	s9 =	simm.s32 $0x0;
	[sflag:s13] =	ssyncadd.s32 $0xFFFFD800  }
0x3a: {  	v1 =	vld [tilespmem:s9+$0x2800];
	_ =	sdelay $0x4  }
0x3b: {  	v2 =	vand.u32 $0x3FFF, v1  }
0x3c: {  	s24 =	simm.s32 $0x10;
	s11 =	simm.s32 $0x80;
	v1 =	vshrl.u32 v1, $0xE;
	[tilespmem:s9+$0x2800] =	vst v2  }
.LBB2_2:
0x3d: {  	p0 =	sne.s32 s11, $0x9FC0;
	v2 =	vld [tilespmem:s24+$0x2800];
	[tilespmem:s9+$0x0] =	vst v1;
	s9 =	smov.u32 s24;
	_ =	sdelay $0x1  }
.Ltmp2:
0x3e: {  	(pc) =	sbr.rel @p0 .LBB2_2-.Ltmp2, $3  }
0x3f: {  	_ =	sdelay $0x1  }
0x40: {  	v1 =	vshrl.u32 v2, $0xE;
	v2 =	vand.u32 $0x3FFF, v2  }
0x41: {  	s24 =	sshra.s32 s11, $0x2;
	s11 =	sadd.s32 $0x40, s11;
	[tilespmem:s9+$0x2800] =	vst v2  }
0x42: {  	v2 =	vld [tilespmem:s24+$0x2800];
	_ =	sdelay $0x4  }
0x43: {  	[tilespmem:s9+$0x0] =	vst v1;
	v1 =	vand.u32 $0x3FFF, v2  }
0x44: {  	v2 =	vshrl.u32 v2, $0xE;
	[tilespmem:s24+$0x2800] =	vst v1  }
0x45: {  	s9 =	simm.s32 $0x80;
	s11 =	simm.s32 $0x0;
	[tilespmem:s24+$0x0] =	vst v2  }
.LBB2_4:
0x46: {  	p0 =	sne.s32 s9, $0x3F80;
	[tilespmem:s11+$0x5000] =	vst v0;
	s24 =	smov.u32 s9;
	s9 =	sadd.s32 $0x80, s9  }
.Ltmp3:
0x47: {  	[tilespmem:s11+$0x5010] =	vst v0;
	(pc) =	sbr.rel @p0 .LBB2_4-.Ltmp3, $2  }
0x48: {  	_ =	sdelay $0x2  }
0x49: {  	s11 =	sshra.s32 s24, $0x2  }
0x4a: {  	[tilespmem:s11+$0x5000] =	vst v0  }
0x4b: {  	[tilespmem:s11+$0x5010] =	vst v0  }
0x4c: {  	[spmem:s5] =	stream.linear.scatter [tilespmem:s14], [sflag:$0x11], $0x1000, $0x38;
	[tilespmem:$0x11F00] =	vst v63  }
0x4d: {  	_ =	swait.ge [sflag:s13], $0x1000  }
0x4e: {  	[sflag:s13] =	ssyncset.done $0x0  }
0x4f: {  	s4 =	rddreg [dreg:$0x5];
	[sflag:s13] =	ssyncadd.s32 $0xFFFFF000  }
0x50: {  	[spmem:s4] =	stream.linear.scatter [tilespmem:s14], [sflag:$0x11], $0x1000, $0x38;
	[tilespmem:$0x11F00] =	vst v63  }
0x51: {  	_ =	swait.ge [sflag:s13], $0x1000  }
0x52: {  	[sflag:s13] =	ssyncset.done $0x0  }
0x53: {  	s6 =	rddreg [dreg:$0x6];
	[sflag:s13] =	ssyncadd.s32 $0xFFFFF000  }
0x54: {  	[spmem:s6] =	stream.linear.scatter [tilespmem:s14], [sflag:$0x11], $0x1000, $0x38;
	[tilespmem:$0x11F00] =	vst v63  }
0x55: {  	_ =	swait.ge [sflag:s13], $0x1000  }
0x56: {  	[sflag:s13] =	ssyncset.done $0x0  }
0x57: {  	s9 =	rddreg [dreg:$0x7];
	[sflag:s13] =	ssyncadd.s32 $0xFFFFF000  }
0x58: {  	[spmem:s9] =	stream.linear.scatter [tilespmem:s14], [sflag:$0x11], $0x1000, $0x38;
	[tilespmem:$0x11F00] =	vst v63  }
0x59: {  	_ =	swait.ge [sflag:s13], $0x1000  }
0x5a: {  	[sflag:s13] =	ssyncset.done $0x0  }
0x5b: {  	s11 =	rddreg [dreg:$0x8];
	[sflag:s13] =	ssyncadd.s32 $0xFFFFF000  }
0x5c: {  	[spmem:s11] =	stream.linear.scatter [tilespmem:s14], [sflag:$0x11], $0xF00, $0x38;
	[tilespmem:$0x11F00] =	vst v63  }
0x5d: {  	_ =	swait.ge [sflag:s13], $0xF00  }
0x5e: {  	[sflag:s13] =	ssyncset.done $0x0  }
0x5f: {  	[sflag:s13] =	ssyncadd.s32 $0xFFFFF100  }
0x60: {  	s9 =	simm.s32 $0x0;
	[bflag:$0x0] =	sbarrier.arrive $0xFFFF  }
0x61: {  	[tilespmem:s14], [sflag:$0x1] =	stream.indirect.gather [hbm4b:s10+s15], $0x20, s9, s15, $0xb8;
	[tilespmem:$0x11F00] =	vst v63  }
0x62: {  	_ = 	snop  }
0x63: {  	[tilespmem:s16], [sflag:$0x2] =	stream.indirect.gather [hbm4b:s10+s15], $0x20, s15, s15, $0xb8;
	[tilespmem:$0x11F00] =	vst v63  }
0x64: {  	s19 =	simm.s32 $0x100  }
0x65: {  	[tilespmem:s18], [sflag:$0x3] =	stream.indirect.gather [hbm4b:s10+s15], $0x20, s19, s15, $0xb8;
	[tilespmem:$0x11F00] =	vst v63  }
0x66: {  	s24 =	simm.s32 $0x180  }
0x67: {  	[tilespmem:s20], [sflag:$0x4] =	stream.indirect.gather [hbm4b:s10+s15], $0x20, s24, s15, $0xb8;
	[tilespmem:$0x11F00] =	vst v63  }
.LBB2_6:
0x68: {  	_ =	swait.ge [sflag:s21], $0x1000  }
0x69: {  	s11 =	sshra.s32 s9, $0x2;
	[sflag:s21] =	ssyncset.done $0x0  }
0x6a: {  	p0 =	seq.s32 s9, $0x0;
	s24 =	sadd.s32 $0x2800, s11;
	[sflag:s21] =	ssyncadd.s32 $0xFFFFF000  }
0x6b: {  	[spmem:s1] =	stream.indirect.scatter.add.bf16 [tilespmem:s14], [sflag:$0x9], $0x20, s24, s15, $0xb8;
	[tilespmem:$0x11F00] =	vst v63  }
0x6c: {  	s24 =	simm.s32 @!p0 $0xD  }
0x6d: {  	_ =	swait.ge @!p0 [sflag:s24], $0x1000  }
0x6e: {  	[sflag:s24] =	ssyncset.done @!p0 $0x0  }
0x6f: {  	s6 =	sadd.s32 $0x200, s11;
	[sflag:s24] =	ssyncadd.s32 @!p0 $0xFFFFF000  }
0x70: {  	[tilespmem:s22], [sflag:$0x5] =	stream.indirect.gather [hbm4b:s10+s15], $0x20, s6, s15, $0xb8;
	[tilespmem:$0x11F00] =	vst v63  }
0x71: {  	_ =	swait.ge [sflag:s23], $0x1000  }
0x72: {  	[sflag:s23] =	ssyncset.done $0x0  }
0x73: {  	s19 =	sadd.s32 $0x2880, s11;
	s24 =	simm.s32 @!p0 $0xE;
	[sflag:s23] =	ssyncadd.s32 $0xFFFFF000  }
0x74: {  	[spmem:s1] =	stream.indirect.scatter.add.bf16 [tilespmem:s16], [sflag:$0xA], $0x20, s19, s15, $0xb8;
	[tilespmem:$0x11F00] =	vst v63  }
0x75: {  	_ =	swait.ge @!p0 [sflag:s24], $0x1000  }
0x76: {  	[sflag:s24] =	ssyncset.done @!p0 $0x0  }
0x77: {  	s4 =	sadd.s32 $0x280, s11;
	[sflag:s24] =	ssyncadd.s32 @!p0 $0xFFFFF000  }
0x78: {  	[tilespmem:s25], [sflag:$0x6] =	stream.indirect.gather [hbm4b:s10+s15], $0x20, s4, s15, $0xb8;
	[tilespmem:$0x11F00] =	vst v63  }
0x79: {  	_ =	swait.ge [sflag:s26], $0x1000  }
0x7a: {  	[sflag:s26] =	ssyncset.done $0x0  }
0x7b: {  	s6 =	sadd.s32 $0x2900, s11;
	s24 =	simm.s32 @!p0 $0xF;
	[sflag:s26] =	ssyncadd.s32 $0xFFFFF000  }
0x7c: {  	[spmem:s1] =	stream.indirect.scatter.add.bf16 [tilespmem:s18], [sflag:$0xB], $0x20, s6, s15, $0xb8;
	[tilespmem:$0x11F00] =	vst v63  }
0x7d: {  	_ =	swait.ge @!p0 [sflag:s24], $0x1000  }
0x7e: {  	[sflag:s24] =	ssyncset.done @!p0 $0x0  }
0x7f: {  	s19 =	sadd.s32 $0x300, s11;
	[sflag:s24] =	ssyncadd.s32 @!p0 $0xFFFFF000  }
0x80: {  	[tilespmem:s28], [sflag:$0x7] =	stream.indirect.gather [hbm4b:s10+s15], $0x20, s19, s15, $0xb8;
	[tilespmem:$0x11F00] =	vst v63  }
0x81: {  	_ =	swait.ge [sflag:s29], $0x1000  }
0x82: {  	[sflag:s29] =	ssyncset.done $0x0  }
0x83: {  	s4 =	sadd.s32 $0x2980, s11;
	s24 =	simm.s32 @!p0 $0x10;
	[sflag:s29] =	ssyncadd.s32 $0xFFFFF000  }
0x84: {  	[spmem:s1] =	stream.indirect.scatter.add.bf16 [tilespmem:s20], [sflag:$0xC], $0x20, s4, s15, $0xb8;
	[tilespmem:$0x11F00] =	vst v63  }
0x85: {  	_ =	swait.ge @!p0 [sflag:s24], $0x1000  }
0x86: {  	[sflag:s24] =	ssyncset.done @!p0 $0x0  }
0x87: {  	s6 =	sadd.s32 $0x380, s11;
	[sflag:s24] =	ssyncadd.s32 @!p0 $0xFFFFF000  }
0x88: {  	[tilespmem:s30], [sflag:$0x8] =	stream.indirect.gather [hbm4b:s10+s15], $0x20, s6, s15, $0xb8;
	[tilespmem:$0x11F00] =	vst v63  }
0x89: {  	_ =	swait.ge [sflag:s31], $0x1000  }
0x8a: {  	[sflag:s31] =	ssyncset.done $0x0  }
0x8b: {  	s19 =	sadd.s32 $0x2A00, s11;
	[sflag:s31] =	ssyncadd.s32 $0xFFFFF000  }
0x8c: {  	[spmem:s1] =	stream.indirect.scatter.add.bf16 [tilespmem:s22], [sflag:$0xD], $0x20, s19, s15, $0xb8;
	[tilespmem:$0x11F00] =	vst v63  }
0x8d: {  	_ =	swait.ge [sflag:s0], $0x1000  }
0x8e: {  	p0 =	seq.s32 s9, $0x9000;
	[sflag:s0] =	ssyncset.done $0x0  }
0x8f: {  	s24 =	simm.s32 @p0 $0x6;
	[sflag:s0] =	ssyncadd.s32 $0xFFFFF000  }
0x90: {  	_ =	swait.ge @p0 [sflag:s24], $0x1000  }
0x91: {  	[sflag:s24] =	ssyncset.done @p0 $0x0  }
0x92: {  	[sflag:s24] =	ssyncadd.s32 @p0 $0xFFFFF000;
	s24 =	sshra.s32 @p0 s9, $0x2  }
0x93: {  	s4 =	simm.s32 @p0 $0xA000;
	s19 =	simm.s32 @p0 $0x80;
	s24 =	sadd.s32 @p0 $0x2A80, s24  }
0x94: {  	[spmem:s1] =	stream.indirect.scatter.add.bf16 @p0 [tilespmem:s4], [sflag:$0xE], $0x20, s24, s19, $0xb8;
	[tilespmem:$0x11F00] =	vst v63  }
0x95: {  	s4 =	simm.s32 @p0 $0xA  }
0x96: {  	_ =	swait.ge @p0 [sflag:s4], $0x1000  }
0x97: {  	[sflag:s4] =	ssyncset.done @p0 $0x0  }
0x98: {  	[sflag:s4] =	ssyncadd.s32 @p0 $0xFFFFF000;
	s4 =	sshra.s32 @!p0 s9, $0x2  }
0x99: {  	s6 =	simm.s32 @!p0 $0x5000;
	s24 =	simm.s32 @!p0 $0x80;
	s19 =	sadd.s32 @!p0 $0x400, s4  }
0x9a: {  	[tilespmem:s6], [sflag:$0x1] =	stream.indirect.gather @!p0 [hbm4b:s10+s24], $0x20, s19, s24, $0xb8;
	[tilespmem:$0x11F00] =	vst v63  }
0x9b: {  	s6 =	simm.s32 @!p0 $0x6  }
0x9c: {  	_ =	swait.ge @!p0 [sflag:s6], $0x1000  }
0x9d: {  	[sflag:s6] =	ssyncset.done @!p0 $0x0  }
0x9e: {  	s19 =	simm.s32 @!p0 $0xA000;
	[sflag:s6] =	ssyncadd.s32 @!p0 $0xFFFFF000;
	s6 =	sadd.s32 @!p0 $0x2A80, s4  }
0x9f: {  	[spmem:s1] =	stream.indirect.scatter.add.bf16 @!p0 [tilespmem:s19], [sflag:$0xE], $0x20, s6, s24, $0xb8;
	[tilespmem:$0x11F00] =	vst v63  }
0xa0: {  	s6 =	simm.s32 @!p0 $0xA  }
0xa1: {  	_ =	swait.ge @!p0 [sflag:s6], $0x1000  }
0xa2: {  	[sflag:s6] =	ssyncset.done @!p0 $0x0  }
0xa3: {  	s4 =	sadd.s32 @!p0 $0x480, s4;
	[sflag:s6] =	ssyncadd.s32 @!p0 $0xFFFFF000;
	s6 =	simm.s32 @!p0 $0x6000  }
0xa4: {  	[tilespmem:s6], [sflag:$0x2] =	stream.indirect.gather @!p0 [hbm4b:s10+s24], $0x20, s4, s24, $0xb8;
	[tilespmem:$0x11F00] =	vst v63  }
0xa5: {  	_ =	swait.ge [sflag:s3], $0x1000  }
0xa6: {  	[sflag:s3] =	ssyncset.done $0x0  }
.Ltmp4:
0xa7: {  	s24 =	sadd.s32 $0x2B00, s11;
	[sflag:s3] =	ssyncadd.s32 $0xFFFFF000;
	(pc) =	sbr.rel @p0 .LBB2_8-.Ltmp4, $4  }
0xa8: {  	[spmem:s1] =	stream.indirect.scatter.add.bf16 [tilespmem:s28], [sflag:$0xF], $0x20, s24, s15, $0xb8;
	[tilespmem:$0x11F00] =	vst v63  }
0xa9: {  	_ =	swait.ge [sflag:s12], $0x1000  }
0xaa: {  	[sflag:s12] =	ssyncset.done $0x0  }
0xab: {  	s24 =	sadd.s32 $0x2B80, s11;
	[sflag:s12] =	ssyncadd.s32 $0xFFFFF000  }
0xac: {  	s4 =	sadd.s32 $0x500, s11  }
0xad: {  	[tilespmem:s18], [sflag:$0x3] =	stream.indirect.gather [hbm4b:s10+s15], $0x20, s4, s15, $0xb8;
	[tilespmem:$0x11F00] =	vst v63  }
0xae: {  	_ =	swait.ge [sflag:s2], $0x1000  }
0xaf: {  	[sflag:s2] =	ssyncset.done $0x0  }
0xb0: {  	[sflag:s2] =	ssyncadd.s32 $0xFFFFF000  }
0xb1: {  	[spmem:s1] =	stream.indirect.scatter.add.bf16 [tilespmem:s30], [sflag:$0x10], $0x20, s24, s15, $0xb8;
	[tilespmem:$0x11F00] =	vst v63  }
.Ltmp5:
0xb2: {  	_ = 	snop;
	(pc) =	sbr.rel .LBB2_6-.Ltmp5, $4  }
0xb3: {  	_ =	swait.ge [sflag:s17], $0x1000  }
0xb4: {  	[sflag:s17] =	ssyncset.done $0x0  }
0xb5: {  	s9 =	sadd.s32 $0x1000, s9;
	s24 =	sadd.s32 $0x580, s11;
	[sflag:s17] =	ssyncadd.s32 $0xFFFFF000  }
0xb6: {  	[tilespmem:s20], [sflag:$0x4] =	stream.indirect.gather [hbm4b:s10+s15], $0x20, s24, s15, $0xb8;
	[tilespmem:$0x11F00] =	vst v63  }
.LBB2_9:
0xb7: {  	_ =	sfence.sel $0x180000  }
0xb8: {  	[bflag:$0x0] =	sbarrier.arrive $0xFFFF  }
0xb9: {  	_ =	strace $0x9000004D  }
0xba: {  	s0 =	stileid.u32;
	[bflag:$0x2] =	sbarrier.arrive $0xFFFF  }
0xbb: {  	p0 =	sne.s32 s0, $0x0;
	s0 =	rddreg [dreg:$0x3]  }
0xbc: {  	s0 =	sadd.s32 @!p0 $0x100000, s0  }
0xbd: {  	[sflag:s0] =	ssyncadd.tile.s32 @!p0 $0x1;
	_ =	shalt  }
.Lfunc_end2:
_tile_overlayer_lowered:
.L_overlay_start_2:
0xbe: {  	(tag) =	ssettag $0x2  }
0xbf: {  	s0 =	rddreg [dreg:$0x0];
	s2 =	stileid.u32  }
0xc0: {  	s1 =	rddreg [dreg:$0x1];
	p0 =	sne.s32 s2, $0x0  }
0xc1: {  	s3 =	rddreg [dreg:$0x2];
	[bflag:$0x3] =	sbarrier.arrive $0xFFFF;
	s2 =	simm.s32 @!p0 $0x1C11  }
0xc2: {  	[timem:s3], [sflag:s2] =	dma.local @!p0 [hbm:s0], s1  }
0xc3: {  	s0 =	simm.s32 @!p0 $0x11  }
0xc4: {  	_ =	swait.ge @!p0 [sflag:s0], s1  }
0xc5: {  	s1 =	ssub.s32 @!p0 $0x0, s1;
	[sflag:s0] =	ssyncset.done @!p0 $0x0  }
0xc6: {  	[sflag:s0] =	ssyncadd.s32 @!p0 s1  }
0xc7: {  	[bflag:$0x3] =	sbarrier.arrive $0xFFFF  }
0xc8: {  	_ =	shalt  }

// kernel: kernel.8.cloned.1.call-start
scs
__scs_entry_jumppad:
0x0: {  	(pc) =	sbr.rel $0x88, $3  }
0x1: {  	(tag) =	ssettag $0x0;
	lr =	simm.s32 $0x1  }
0x2: {  	[smem:$0x3F9B] =	sst lr;
	_ =	strace $0xD0000000  }
0x3: {  	_ = 	snop  }
0x4: {  	_ = 	snop  }
0x5: {  	_ = 	snop  }
0x6: {  	_ = 	snop  }
0x7: {  	_ = 	snop  }
__scs_overlays_trampoline_lowered:
0x8: {  	[smem:$0x3FAA] =	sst s0  }
0x9: {  	[smem:$0x3FAB] =	sst s1  }
0xa: {  	[smem:$0x3FAC] =	sst s2  }
0xb: {  	[smem:$0x3FAD] =	sst s3  }
0xc: {  	[smem:$0x3FAE] =	sst s4  }
0xd: {  	[smem:$0x3FAF] =	sst s5  }
0xe: {  	[smem:$0x3FB0] =	sst s6  }
0xf: {  	[smem:$0x3FB1] =	sst s7  }
0x10: {  	[smem:$0x3FB2] =	sst s8  }
0x11: {  	[smem:$0x3FB3] =	sst s9;
	s0 =	simm.s32 @!p0 $0x0  }
0x12: {  	s1 =	sld [smem:$0x3F99];
	s0 =	simm.s32 @p0 $0x1  }
0x13: {  	[smem:$0x3FB4] =	sst s0;
	s0 =	simm.s32 @!p1 $0x0  }
0x14: {  	s2 =	sld [smem:$0x3F98];
	s0 =	simm.s32 @p1 $0x1  }
0x15: {  	[smem:$0x3FB5] =	sst s0;
	s0 =	simm.s32 @!p2 $0x0  }
0x16: {  	s3 =	sld [smem:$0x3FDB];
	s0 =	simm.s32 @p2 $0x1  }
0x17: {  	s4 =	simm.s32 $0x1BF5;
	[smem:$0x3FB7] =	sst s0  }
0x18: {  	s0 =	sld [smem:$0x3F9A];
	_ =	swait.ge [sflag:s4], $0x0  }
0x19: {  	s7 =	sld [smem:$0x3F9B]  }
0x1a: {  	s8 =	sadd.s32 $0xFFFFE003, lr  }
0x1b: {  	s9 =	sadd.s32 $0xFFFFFEF7, lr;
	s5 =	simm.s32 $0xFFFFFFFF;
	p2 =	slt.u32 s8, $0xFFFFF086  }
0x1c: {  	p1 =	slt.u32 s9, $0xF7A;
	s5 =	simm.s32 @!p2 $0x0  }
0x1d: {  	s5 =	simm.s32 @p1 $0x1;
	p0 =	seq.s32 s7, s2  }
0x1e: {  	s7 =	smul.u32 @!p0 $0xF7A, s2;
	p2 =	seq.s32 @!p0 s5, $0x0  }
0x1f: {  	s9 =	smul.u32 $0xF7A, s1;
	s8 =	simm.s32 @!p0 $0x1BF5;
	p2 =	por !p2, p0  }
0x20: {  	[sflag:s8] =	ssyncset.s32 @!p0 $0xFFFFF086;
	s6 =	sadd.s32 @!p0 s3, s7;
	s7 =	simm.s32 @!p0 $0x108  }
0x21: {  	s3 =	sadd.s32 s3, s9;
	s6 =	sadd.s32 @!p0 $0x88, s6;
	s7 =	simm.s32 @p2 $0x1082  }
0x22: {  	[simem:s7], [sflag:s8] =	dma.local @!p0 [hbm:s6], $0xF7A  }
0x23: {  	s9 =	sor.u32 $0xD0000000, s2;
	s6 =	simm.s32 $0x108;
	_ =	swait.ge @!p0 [sflag:s8], $0x0  }
0x24: {  	s3 =	sadd.s32 $0x88, s3;
	s6 =	simm.s32 @!p1 $0x1082;
	[sflag:s4] =	ssyncset.s32 $0xFFFFF086  }
0x25: {  	[simem:s6], [sflag:s4] =	dma.local [hbm:s3], $0xF7A  }
0x26: {  	[smem:$0x3F9B] =	sst s1;
	(tag) =	ssettag s2;
	_ =	strace s9  }
0x27: {  	s1 =	sld [smem:$0x3FAB]  }
0x28: {  	s2 =	sld [smem:$0x3FAC]  }
0x29: {  	s4 =	sld [smem:$0x3FAE]  }
0x2a: {  	p0 =	seq.s32 s5, $0x0;
	s5 =	sld [smem:$0x3FAF]  }
0x2b: {  	s6 =	sld [smem:$0x3FB0]  }
0x2c: {  	s7 =	sld [smem:$0x3FB1]  }
0x2d: {  	s3 =	simm.s32 $0x108;
	s8 =	sld [smem:$0x3FB2]  }
0x2e: {  	s3 =	simm.s32 @!p0 $0x1082;
	s9 =	sld [smem:$0x3FB3]  }
0x2f: {  	lr =	sadd.s32 s0, s3;
	s0 =	sld [smem:$0x3FAA]  }
0x30: {  	s3 =	sld [smem:$0x3FAD]  }
0x31: {  	[smem:$0x3FB6] =	sst s10  }
0x32: {  	s10 =	sld [smem:$0x3FB4];
	_ =	sdelay $0x3  }
0x33: {  	p0 =	seq.s32 s10, $0x1;
	s10 =	sld [smem:$0x3FB6];
	_ =	sdelay $0x3  }
0x34: {  	[smem:$0x3FB6] =	sst s10  }
0x35: {  	s10 =	sld [smem:$0x3FB5];
	_ =	sdelay $0x3  }
0x36: {  	p1 =	seq.s32 s10, $0x1;
	s10 =	sld [smem:$0x3FB6];
	_ =	sdelay $0x3  }
0x37: {  	[smem:$0x3FB6] =	sst s10  }
0x38: {  	s10 =	sld [smem:$0x3FB7]  }
0x39: {  	_ = 	snop;
	(pc) =	sbr.ind lr, $3  }
0x3a: {  	_ = 	snop  }
0x3b: {  	_ = 	snop  }
0x3c: {  	p2 =	seq.s32 s10, $0x1;
	s10 =	sld [smem:$0x3FB6]  }
0x3d: {  	_ =	shalt  }
0x3e: {  	_ =	shalt  }
0x3f: {  	_ =	shalt  }
0x40: {  	_ =	shalt  }
0x41: {  	_ =	shalt  }
0x42: {  	_ =	shalt  }
0x43: {  	_ =	shalt  }
0x44: {  	_ =	shalt  }
0x45: {  	_ =	shalt  }
0x46: {  	_ =	shalt  }
0x47: {  	_ =	shalt  }
0x48: {  	_ =	shalt  }
0x49: {  	_ =	shalt  }
0x4a: {  	_ =	shalt  }
0x4b: {  	_ =	shalt  }
0x4c: {  	_ =	shalt  }
0x4d: {  	_ =	shalt  }
0x4e: {  	_ =	shalt  }
0x4f: {  	_ =	shalt  }
0x50: {  	_ =	shalt  }
0x51: {  	_ =	shalt  }
0x52: {  	_ =	shalt  }
0x53: {  	_ =	shalt  }
0x54: {  	_ =	shalt  }
0x55: {  	_ =	shalt  }
0x56: {  	_ =	shalt  }
0x57: {  	_ =	shalt  }
0x58: {  	_ =	shalt  }
0x59: {  	_ =	shalt  }
0x5a: {  	_ =	shalt  }
0x5b: {  	_ =	shalt  }
0x5c: {  	_ =	shalt  }
0x5d: {  	_ =	shalt  }
0x5e: {  	_ =	shalt  }
0x5f: {  	_ =	shalt  }
0x60: {  	_ =	shalt  }
0x61: {  	_ =	shalt  }
0x62: {  	_ =	shalt  }
0x63: {  	_ =	shalt  }
0x64: {  	_ =	shalt  }
0x65: {  	_ =	shalt  }
0x66: {  	_ =	shalt  }
0x67: {  	_ =	shalt  }
0x68: {  	_ =	shalt  }
0x69: {  	_ =	shalt  }
0x6a: {  	_ =	shalt  }
0x6b: {  	_ =	shalt  }
0x6c: {  	_ =	shalt  }
0x6d: {  	_ =	shalt  }
0x6e: {  	_ =	shalt  }
0x6f: {  	_ =	shalt  }
0x70: {  	_ =	shalt  }
0x71: {  	_ =	shalt  }
0x72: {  	_ =	shalt  }
0x73: {  	_ =	shalt  }
0x74: {  	_ =	shalt  }
0x75: {  	_ =	shalt  }
0x76: {  	_ =	shalt  }
0x77: {  	_ =	shalt  }
0x78: {  	_ =	shalt  }
0x79: {  	_ =	shalt  }
0x7a: {  	_ =	shalt  }
0x7b: {  	_ =	shalt  }
0x7c: {  	_ =	shalt  }
0x7d: {  	_ =	shalt  }
0x7e: {  	_ =	shalt  }
0x7f: {  	_ =	shalt  }
0x80: {  	_ =	shalt  }
0x81: {  	_ =	shalt  }
0x82: {  	_ =	shalt  }
0x83: {  	_ =	shalt  }
0x84: {  	_ =	shalt  }
0x85: {  	_ =	shalt  }
0x86: {  	_ =	shalt  }
0x87: {  	_ =	shalt  }
.Lfunc_end0:
.L_simem_size_0:
called_computation_lowered:
.L_overlay_start_0:
0x88: {  	s2 =	sld [smem:$0x3FD9]  }
0x89: {  	s3 =	sld [smem:$0x3FFE];
	_ =	sdelay $0x1  }
0x8a: {  	s1 =	srdreg.scid  }
0x8b: {  	s0 =	sand.u32 $0x1, s1  }
0x8c: {  	s17 =	sshll.u32 s0, $0xA;
	s2 =	sadd.s32 s3, s2  }
0x8d: {  	s2 =	sadd.s32 s2, s17  }
0x8e: {  	[smem:$0x3FC2] =	sst s2  }
0x8f: {  	_ = 	snop  }
0x90: {  	s2 =	sld [smem:$0x3FD0];
	(tm) =	ssettm $0x1  }
0x91: {  	s18 =	sld [smem:$0x3FFB];
	_ =	sdelay $0x3  }
0x92: {  	_ =	strace s18  }
0x93: {  	s3 =	sld [smem:$0x3FFC];
	_ =	sdelay $0x3  }
0x94: {  	_ =	strace s3  }
0x95: {  	s3 =	sld [smem:$0x3FFD];
	_ =	sdelay $0x3  }
0x96: {  	_ =	strace s3  }
0x97: {  	_ =	strace $0x8FFFFFFF  }
0x98: {  	s19 =	sld [smem:$0x3FDB];
	_ =	sdelay $0x1  }
0x99: {  	s4 =	simm.s32 $_scs_section_size  }
0x9a: {  	s5 =	simm.s32 $_size__tile_overlayer_lowered;
	s6 =	simm.s32 $_tile_overlayer_lowered  }
0x9b: {  	s22 =	simm.s32 $0x1BFF;
	s21 =	sshll.u32 s6, $0x1;
	s3 =	sadd.s32 s4, s19  }
0x9c: {  	s7 =	simm.s32 $0x0;
	s20 =	sshll.u32 s5, $0x1;
	s5 =	sadd.s32 s21, s3  }
0x9d: {  	[timem:s7], [sflag:s22] =	dma.local [hbm:s5], s20  }
0x9e: {  	_ =	swait.ge [sflag:s22], s20  }
0x9f: {  	s4 =	ssub.s32 $0x0, s20;
	[sflag:s22] =	ssyncset.done $0x0  }
0xa0: {  	[sflag:s22] =	ssyncadd.s32 s4;
	_ =	sdelay $0x1  }
0xa1: {  	s23 =	simm.s32 $0x1B8B  }
0xa2: {  	_ =	swait.ge [sflag:s23], $0x1  }
0xa3: {  	[sflag:s23] =	ssyncset.done $0x0  }
0xa4: {  	s25 =	simm.s32 $0x1B8E;
	s24 =	sld [smem:$0x3FFE];
	[sflag:s23] =	ssyncadd.s32 $0xFFFFFFFF  }
0xa5: {  	s26 =	simm.s32 $execute0_lowered;
	[smem:$0x3FD2] =	sst s25  }
0xa6: {  	s5 =	sshll.u32 s26, $0x1;
	_ =	strace $0x80000046;
	[dreg:$0x1] =	wrdreg $0xFFFFFFFF  }
0xa7: {  	s28 =	simm.s32 $_size_execute0_lowered;
	s3 =	sadd.s32 s3, s5;
	[dreg:$0x0] =	wrdreg $0x0  }
0xa8: {  	s5 =	sshll.u32 s28, $0x1;
	[dreg:$0x2] =	wrdreg s3  }
0xa9: {  	[dreg:$0x3] =	wrdreg s5  }
0xaa: {  	[dreg:$0x4] =	wrdreg $0xC0  }
0xab: {  	_ =	task [dreg:s7], $0x5FFFF  }
0xac: {  	[dreg:$0x1] =	wrdreg $0xFFFFFFFF  }
0xad: {  	[dreg:$0x0] =	wrdreg $0x60  }
0xae: {  	[dreg:$0x2] =	wrdreg s24  }
0xaf: {  	[dreg:$0x3] =	wrdreg s2  }
0xb0: {  	[dreg:$0x4] =	wrdreg $0x9  }
0xb1: {  	_ =	task.clear_ibuf [dreg:s7], $0x5FFFF;
	_ =	strace $0x90000046  }
0xb2: {  	s29 =	simm.s32 $0x9;
	_ =	strace $0x80000048  }
0xb3: {  	_ =	swait.ge [sflag:s29], $0x1  }
0xb4: {  	[sflag:s29] =	ssyncadd.s32 $0xFFFFFFFF  }
0xb5: {  	_ =	strace $0x90000048  }
0xb6: {  	_ =	sfence  }
0xb7: {  	s30 =	sld [smem:$0x0];
	_ =	sdelay $0x2  }
0xb8: {  	s31 =	sshll.u32 s1, $0xD;
	s1 =	sshrl.u32 s1, $0x2  }
0xb9: {  	s3 =	sand.u32 $0x4000, s31;
	s1 =	sadd.s32 s1, s30  }
0xba: {  	s0 =	sor.u32 s3, s0;
	s1 =	sshll.u32 s1, $0x11  }
0xbb: {  	s0 =	sor.u32 s1, s0  }
0xbc: {  	s0 =	sadd.s32 $0x8F2B, s0  }
0xbd: {  	[sflag:s0] =	ssyncadd.remote.s32 $0x1  }
0xbe: {  	_ =	sfence.sel $0xFFFF  }
0xbf: {  	[dreg:$0x0] =	wrdreg $0xFFFFFFFF;
	(pc) =	sbr.abs _section_cstart, $3  }
0xc0: {  	[dreg:$0x1] =	wrdreg $0xFFFFFFFF  }
0xc1: {  	_ =	task.clear_ibuf [dreg:s7], $0x2FFFF;
	_ =	strace $0x9FFFFFFF  }
0xc2: {  	(tm) =	ssettm $0x7FFFFFFF  }
0xc3: {  	_ =	shalt  }
tec
execute0_lowered:
.L_overlay_start_1:
0x0: {  	(tag) =	ssettag $0x1  }
0x1: {  	s3 =	rddreg [dreg:$0x0]  }
0x2: {  	s1 =	srdreg.scid;
	s0 =	stileid.u32  }
0x3: {  	s4 =	rddreg [dreg:$0x1];
	s5 =	sand.u32 $0x1, s1;
	s2 =	sshll.u32 s0, $0x1  }
0x4: {  	v0 =	vimm.f32 $0.0e+00;
	v1 =	vimm.f32 $1.000000000e+00;
	s1 =	rddreg [dreg:$0x2];
	s6 =	sor.u32 s5, s2  }
0x5: {  	vm0 =	vcmask $0x704;
	vm1 =	vcmask $0xB08;
	vm14 =	vcmask $0x3F3C;
	s2 =	simm.s32 $0x0;
	s5 =	ssub.s32 $0x2, s5;
	s7 =	smul.u32 $0x280, s6  }
0x6: {  	vm2 =	vcmask $0xF0C;
	vm3 =	vcmask $0x1310;
	vm4 =	vcmask $0x1714;
	[smem:$0x7FF] =	sst s2;
	s8 =	sshrl.u32 s5, $0x1;
	s6 =	smul.u32 $0x500, s6  }
0x7: {  	vm5 =	vcmask $0x1B18;
	vm6 =	vcmask $0x1F1C;
	vm7 =	vcmask $0x2320;
	_ =	strace $0x80000047;
	s5 =	ssub.s32 s5, s8;
	s8 =	simm.s32 $0x0  }
0x8: {  	vm8 =	vcmask $0x2724;
	vm9 =	vcmask $0x2B28;
	vm10 =	vcmask $0x2F2C;
	s3 =	sadd.s32 s7, s3;
	s4 =	sadd.s32 s4, s6;
	s5 =	smax.u32 s5, $0x1  }
0x9: {  	vm11 =	vcmask $0x3330;
	vm12 =	vcmask $0x3734;
	vm13 =	vcmask $0x3B38;
	s6 =	simm.s32 $0x1;
	s7 =	simm.s32 $0x1400;
	s3 =	sadd.s32 $0x1E00, s3  }
.LBB2_1:
0xa: {  	[tilespmem:s2], [sflag:$0x1] =	stream.linear.gather [hbm4b:s3+s2], $0x1400, $0x38;
	[tilespmem:$0x3C00] =	vst v63  }
0xb: {  	_ =	swait.ge [sflag:s6], $0x1400  }
0xc: {  	[sflag:s6] =	ssyncset.done $0x0  }
0xd: {  	s9 =	simm.s32 $0x0;
	[sflag:s6] =	ssyncadd.s32 $0xFFFFEC00  }
.LBB2_2:
0xe: {  	p0 =	sne.s32 s9, $0x9FC0  }
.Ltmp0:
0xf: {  	_ = 	snop;
	(pc) =	sbr.rel @p0 .LBB2_2-.Ltmp0, $3  }
0x10: {  	_ =	sdelay $0x1  }
0x11: {  	s10 =	sshra.s32 s9, $0x2  }
0x12: {  	s9 =	sadd.s32 $0x40, s9;
	[tilespmem:s10+$0x1400] =	vst v0  }
0x13: {  	s9 =	simm.s32 $0x0  }
0x14: {  	s10 =	sand.u32 $0x7E00, s9  }
0x15: {  	s9 =	sand.u32 $0x70, s9;
	s10 =	sshrl.u32 s10, $0x2  }
0x16: {  	s9 =	sor.u32 s9, s10  }
0x17: {  	v2 =	vld [tilespmem:s9+$0x0];
	_ =	sdelay $0x7  }
0x18: {  	[tilespmem:v2+s7+$0x0] =	vst.idx.add.f32.msk $0x1, v1  }
0x19: {  	[tilespmem:v2+s7+$0x0] =	vst.idx.add.f32.msk vm0, v1  }
0x1a: {  	[tilespmem:v2+s7+$0x0] =	vst.idx.add.f32.msk vm1, v1  }
0x1b: {  	[tilespmem:v2+s7+$0x0] =	vst.idx.add.f32.msk vm2, v1  }
0x1c: {  	[tilespmem:v2+s7+$0x0] =	vst.idx.add.f32.msk vm3, v1  }
0x1d: {  	[tilespmem:v2+s7+$0x0] =	vst.idx.add.f32.msk vm4, v1  }
0x1e: {  	[tilespmem:v2+s7+$0x0] =	vst.idx.add.f32.msk vm5, v1  }
0x1f: {  	[tilespmem:v2+s7+$0x0] =	vst.idx.add.f32.msk vm6, v1  }
0x20: {  	[tilespmem:v2+s7+$0x0] =	vst.idx.add.f32.msk vm7, v1  }
0x21: {  	[tilespmem:v2+s7+$0x0] =	vst.idx.add.f32.msk vm8, v1  }
0x22: {  	[tilespmem:v2+s7+$0x0] =	vst.idx.add.f32.msk vm9, v1  }
0x23: {  	[tilespmem:v2+s7+$0x0] =	vst.idx.add.f32.msk vm10, v1  }
0x24: {  	s31 =	simm.s32 $0x40;
	[tilespmem:v2+s7+$0x0] =	vst.idx.add.f32.msk vm11, v1  }
0x25: {  	s12 =	sand.u32 $0x7E00, s31;
	s9 =	simm.s32 $0x10;
	[tilespmem:v2+s7+$0x0] =	vst.idx.add.f32.msk vm12, v1  }
0x26: {  	s12 =	sshrl.u32 s12, $0x2;
	s10 =	simm.s32 $0x80;
	s11 =	sand.u32 $0x70, s9;
	[tilespmem:v2+s7+$0x0] =	vst.idx.add.f32.msk vm13, v1  }
.LBB2_4:
0x27: {  	p0 =	sne.s32 s10, $0x4FC0  }
0x28: {  	s11 =	sor.u32 s11, s12;
	[tilespmem:v2+s7+$0x0] =	vst.idx.add.f32.msk vm14, v1;
	s12 =	smov.u32 s10;
	s10 =	sadd.s32 $0x40, s10  }
0x29: {  	v2 =	vld [tilespmem:s11+$0x0];
	_ =	sdelay $0x7  }
0x2a: {  	[tilespmem:v2+s7+$0x0] =	vst.idx.add.f32.msk $0x1, v1  }
0x2b: {  	[tilespmem:v2+s7+$0x0] =	vst.idx.add.f32.msk vm0, v1  }
0x2c: {  	[tilespmem:v2+s7+$0x0] =	vst.idx.add.f32.msk vm1, v1  }
0x2d: {  	[tilespmem:v2+s7+$0x0] =	vst.idx.add.f32.msk vm2, v1  }
0x2e: {  	[tilespmem:v2+s7+$0x0] =	vst.idx.add.f32.msk vm3, v1  }
0x2f: {  	[tilespmem:v2+s7+$0x0] =	vst.idx.add.f32.msk vm4, v1  }
0x30: {  	[tilespmem:v2+s7+$0x0] =	vst.idx.add.f32.msk vm5, v1  }
0x31: {  	[tilespmem:v2+s7+$0x0] =	vst.idx.add.f32.msk vm6, v1  }
0x32: {  	[tilespmem:v2+s7+$0x0] =	vst.idx.add.f32.msk vm7, v1  }
0x33: {  	[tilespmem:v2+s7+$0x0] =	vst.idx.add.f32.msk vm8, v1  }
.Ltmp1:
0x34: {  	[tilespmem:v2+s7+$0x0] =	vst.idx.add.f32.msk vm9, v1;
	(pc) =	sbr.rel @p0 .LBB2_4-.Ltmp1, $4  }
0x35: {  	[tilespmem:v2+s7+$0x0] =	vst.idx.add.f32.msk vm10, v1  }
0x36: {  	[tilespmem:v2+s7+$0x0] =	vst.idx.add.f32.msk vm11, v1  }
0x37: {  	s9 =	sadd.s32 $0x10, s9;
	s12 =	sand.u32 $0x7E00, s12;
	[tilespmem:v2+s7+$0x0] =	vst.idx.add.f32.msk vm12, v1  }
0x38: {  	s11 =	sand.u32 $0x70, s9;
	s12 =	sshrl.u32 s12, $0x2;
	[tilespmem:v2+s7+$0x0] =	vst.idx.add.f32.msk vm13, v1  }
0x39: {  	_ =	sdelay $0x4  }
0x3a: {  	s9 =	sor.u32 s11, s12;
	[tilespmem:v2+s7+$0x0] =	vst.idx.add.f32.msk vm14, v1  }
0x3b: {  	v2 =	vld [tilespmem:s9+$0x0];
	_ =	sdelay $0x7  }
0x3c: {  	[tilespmem:v2+s7+$0x0] =	vst.idx.add.f32.msk $0x1, v1  }
0x3d: {  	[tilespmem:v2+s7+$0x0] =	vst.idx.add.f32.msk vm0, v1  }
0x3e: {  	[tilespmem:v2+s7+$0x0] =	vst.idx.add.f32.msk vm1, v1  }
0x3f: {  	[tilespmem:v2+s7+$0x0] =	vst.idx.add.f32.msk vm2, v1  }
0x40: {  	[tilespmem:v2+s7+$0x0] =	vst.idx.add.f32.msk vm3, v1  }
0x41: {  	[tilespmem:v2+s7+$0x0] =	vst.idx.add.f32.msk vm4, v1  }
0x42: {  	[tilespmem:v2+s7+$0x0] =	vst.idx.add.f32.msk vm5, v1  }
0x43: {  	[tilespmem:v2+s7+$0x0] =	vst.idx.add.f32.msk vm6, v1  }
0x44: {  	[tilespmem:v2+s7+$0x0] =	vst.idx.add.f32.msk vm7, v1  }
0x45: {  	[tilespmem:v2+s7+$0x0] =	vst.idx.add.f32.msk vm8, v1  }
0x46: {  	[tilespmem:v2+s7+$0x0] =	vst.idx.add.f32.msk vm9, v1  }
0x47: {  	[tilespmem:v2+s7+$0x0] =	vst.idx.add.f32.msk vm10, v1  }
0x48: {  	[tilespmem:v2+s7+$0x0] =	vst.idx.add.f32.msk vm11, v1  }
0x49: {  	s8 =	sadd.s32 $0x1, s8;
	[tilespmem:v2+s7+$0x0] =	vst.idx.add.f32.msk vm12, v1  }
0x4a: {  	p0 =	sne.s32 s8, s5;
	[tilespmem:v2+s7+$0x0] =	vst.idx.add.f32.msk vm13, v1  }
.Ltmp2:
0x4b: {  	[tilespmem:v2+s7+$0x0] =	vst.idx.add.f32.msk vm14, v1;
	(pc) =	sbr.rel @p0 .LBB2_1-.Ltmp2, $4  }
0x4c: {  	[hbm4b:s4+s2] =	stream.linear.scatter [tilespmem:s7], [sflag:$0x1], $0x2800, $0x38;
	[tilespmem:$0x3C00] =	vst v63  }
0x4d: {  	_ =	swait.ge [sflag:s6], $0x2800  }
0x4e: {  	[sflag:s6] =	ssyncset.done $0x0  }
0x4f: {  	[sflag:s6] =	ssyncadd.s32 $0xFFFFD800  }
0x50: {  	_ =	sfence.sel $0x180000  }
0x51: {  	[bflag:$0x0] =	sbarrier.arrive $0xFFFF  }
0x52: {  	p0 =	sne.s32 s0, $0x0;
	_ =	strace $0x90000047  }
0x53: {  	s0 =	sadd.s32 @!p0 $0x100000, s1;
	[bflag:$0x2] =	sbarrier.arrive $0xFFFF  }
0x54: {  	[sflag:s0] =	ssyncadd.tile.s32 @!p0 $0x1;
	_ =	shalt  }
.Lfunc_end2:
_tile_overlayer_lowered:
.L_overlay_start_2:
0x55: {  	(tag) =	ssettag $0x2  }
0x56: {  	s0 =	rddreg [dreg:$0x0];
	s2 =	stileid.u32  }
0x57: {  	s1 =	rddreg [dreg:$0x1];
	p0 =	sne.s32 s2, $0x0  }
0x58: {  	s3 =	rddreg [dreg:$0x2];
	[bflag:$0x3] =	sbarrier.arrive $0xFFFF;
	s2 =	simm.s32 @!p0 $0x1C01  }
0x59: {  	[timem:s3], [sflag:s2] =	dma.local @!p0 [hbm:s0], s1  }
0x5a: {  	s0 =	simm.s32 @!p0 $0x1  }
0x5b: {  	_ =	swait.ge @!p0 [sflag:s0], s1  }
0x5c: {  	s1 =	ssub.s32 @!p0 $0x0, s1;
	[sflag:s0] =	ssyncset.done @!p0 $0x0  }
0x5d: {  	[sflag:s0] =	ssyncadd.s32 @!p0 s1  }
0x5e: {  	[bflag:$0x3] =	sbarrier.arrive $0xFFFF  }
0x5f: {  	_ =	shalt  }

</sc_bundles>
